<compile_context>
chip_gen: v7x
topology: tpu7x:2x2x1
jax: 0.10.2.dev20260603
libtpu: 0.0.44.dev20260713+nightly
codegen_flags: <defaults>
</compile_context>

<pallas_src>
import jax
import jax.numpy as jnp
from jax import lax
from jax.experimental import pallas as pl
from jax.experimental.pallas import tpu as pltpu
from jax.experimental.pallas import tpu_sc as plsc

N, E, D, R = 10000, 320000, 128, 8

NC, NS, L = 2, 16, 16
NW = NC * NS
CH = 128
GRP = 8
CPW = 80
GPW = CPW // GRP
EP = NW * CPW * CH
NGRP = EP // (GRP * CH)
NP = 10240
ROWS_PER_TILE = NP // NS

BN = 1000


def _xw_body(x_ref, w_ref, y_ref):
    y_ref[0] = jnp.dot(x_ref[...], w_ref[0], preferred_element_type=jnp.float32)


def _transform_table(x, basis):
    return pl.pallas_call(
        _xw_body,
        grid=(N // BN, R),
        in_specs=[
            pl.BlockSpec((BN, D), lambda nb, r: (nb, 0)),
            pl.BlockSpec((1, D, D), lambda nb, r: (r, 0, 0)),
        ],
        out_specs=pl.BlockSpec((1, BN, D), lambda nb, r: (r, nb, 0)),
        out_shape=jax.ShapeDtypeStruct((R, N, D), jnp.float32),
    )(x, basis)


def _sc_body(table, ridx3d, dst3d, slabs,
             acc, idxr, dstr, rows0, rows1, sem0, sem1):
    c = lax.axis_index("c")
    s = lax.axis_index("s")
    w = c * NS + s
    g0 = w * GPW

    def _zrow(i, carry):
        for j in range(D // L):
            rows0[i, pl.ds(j * L, L)] = jnp.zeros((L,), jnp.float32)
        return carry
    lax.fori_loop(0, CH, _zrow, 0)
    for t in range(ROWS_PER_TILE // CH):
        pltpu.sync_copy(rows0, acc.at[pl.ds(s * ROWS_PER_TILE + t * CH, CH)])

    pltpu.sync_copy(ridx3d.at[g0], idxr.at[0])
    pltpu.sync_copy(dst3d.at[g0], dstr.at[0])

    plsc.subcore_barrier()

    rowbufs = (rows0, rows1)
    sems = (sem0, sem1)

    def _gather(p, j, b):
        pltpu.async_copy(table.at[idxr.at[p, j]], rowbufs[b], sems[b])

    def _drain(p, j, b):
        pltpu.make_async_copy(table.at[idxr.at[p, j]],
                              rowbufs[b], sems[b]).wait()
        pltpu.sync_copy(rowbufs[b], acc.at[dstr.at[p, j]], add=True)

    def _group(g, p, stage_next, last):
        if stage_next:
            pltpu.sync_copy(ridx3d.at[g + 1], idxr.at[1 - p])
            pltpu.sync_copy(dst3d.at[g + 1], dstr.at[1 - p])
        for j in range(GRP):
            if not (last and j == GRP - 1):
                if j == GRP - 1:
                    _gather(1 - p, 0, (j + 1) % 2)
                else:
                    _gather(p, j + 1, (j + 1) % 2)
            _drain(p, j, j % 2)

    _gather(0, 0, 0)

    def _pair(m, carry):
        g = g0 + 2 * m
        _group(g, 0, True, False)
        _group(g + 1, 1, True, False)
        return carry
    lax.fori_loop(0, GPW // 2 - 1, _pair, 0)

    _group(g0 + GPW - 2, 0, True, False)
    _group(g0 + GPW - 1, 1, False, True)

    plsc.subcore_barrier()

    pltpu.sync_copy(acc.at[pl.ds(s * ROWS_PER_TILE, ROWS_PER_TILE)],
                    slabs.at[c, pl.ds(s * ROWS_PER_TILE, ROWS_PER_TILE)])


def _aggregate(table, ridx3d, dst3d):
    fn = pl.kernel(
        _sc_body,
        out_type=jax.ShapeDtypeStruct((NC, NP, D), jnp.float32),
        mesh=plsc.VectorSubcoreMesh(core_axis_name="c", subcore_axis_name="s"),
        scratch_types=[
            pltpu.VMEM_SHARED((NP, D), jnp.float32),
            pltpu.VMEM((2, GRP, CH), jnp.int32),
            pltpu.VMEM((2, GRP, CH), jnp.int32),
            pltpu.VMEM((CH, D), jnp.float32),
            pltpu.VMEM((CH, D), jnp.float32),
            pltpu.SemaphoreType.DMA,
            pltpu.SemaphoreType.DMA,
        ],
    )
    return fn(table, ridx3d, dst3d)


def _fin_body(s_ref, x_ref, root_ref, bias_ref, out_ref):
    out_ref[...] = (s_ref[0] + s_ref[1] + bias_ref[...]
                    + jnp.dot(x_ref[...], root_ref[...],
                              preferred_element_type=jnp.float32))


def _finalize(slabs, x, root, bias2d):
    return pl.pallas_call(
        _fin_body,
        grid=(N // BN,),
        in_specs=[
            pl.BlockSpec((NC, BN, D), lambda nb: (0, nb, 0)),
            pl.BlockSpec((BN, D), lambda nb: (nb, 0)),
            pl.BlockSpec((D, D), lambda nb: (0, 0)),
            pl.BlockSpec((1, D), lambda nb: (0, 0)),
        ],
        out_specs=pl.BlockSpec((BN, D), lambda nb: (nb, 0)),
        out_shape=jax.ShapeDtypeStruct((N, D), jnp.float32),
    )(slabs, x, root, bias2d)


def kernel(x, edge_index, edge_type, basis, root, bias):
    src = edge_index[0]
    dst = edge_index[1]
    ridx = edge_type * N + src
    pad = EP - E
    pad_src = jnp.arange(pad, dtype=jnp.int32) % (R * N)
    ridx3d = jnp.concatenate([ridx, pad_src]).reshape(NGRP, GRP, CH)
    pad_dst = N + jnp.arange(pad, dtype=jnp.int32) % (NP - N)
    dst3d = jnp.concatenate([dst, pad_dst]).reshape(NGRP, GRP, CH)

    table = _transform_table(x, basis).reshape(R * N, D)
    slabs = _aggregate(table, ridx3d, dst3d)
    return _finalize(slabs, x, root, bias.reshape(1, D))

# --- scband reference (transcript-rebuilt; emitter-appended) ---
"""Pipeline reference for scband-rgcnencoder-decoder-74096775790655 (READ-ONLY COPY).

The authoritative reference and input builder live on the scoring server;
editing this copy changes nothing except your own understanding.
"""

import jax, jax.numpy as jnp
import numpy as np

N, E, D, R = 10000, 320000, 128, 8

def setup_inputs(seed: int = 0) -> dict:
    key = jax.random.key(seed)
    k1, k2, k3, k4, k5, k6, k7 = jax.random.split(key, 7)
    x = jax.random.normal(k1, (N, D), dtype=jnp.float32)
    edge_index = jax.random.randint(k2, (2, E), 0, N, dtype=jnp.int32)
    edge_type = jax.random.randint(k3, (E,), 0, R, dtype=jnp.int32)
    # RGCNConv params with num_bases=0: basis is [num_relations, in, out];
    # init mimics inits.uniform(size=num_relations*in_channels, param)
    bound = 1.0 / np.sqrt(R * D)
    basis = jax.random.uniform(k4, (R, D, D), dtype=jnp.float32, minval=-bound, maxval=bound)
    root = jax.random.uniform(k5, (D, D), dtype=jnp.float32, minval=-bound, maxval=bound)
    bias = jax.random.uniform(k6, (D,), dtype=jnp.float32, minval=-bound, maxval=bound)
    return {"x": x, "edge_index": edge_index, "edge_type": edge_type,
            "basis": basis, "root": root, "bias": bias}

def reference(x, edge_index, edge_type, basis, root, bias):
    # RGCNConv.forward with float x, num_bases=0, edge_norm=None,
    # PyG 'add' aggregation: x_j = x[edge_index[0]], aggregate at edge_index[1].
    src = edge_index[0]
    dst = edge_index[1]
    # message: out_e = x[src_e] @ W[edge_type_e]
    # computed as per-node-per-relation transform then gather (mathematically
    # identical to torch.bmm(x_j.unsqueeze(1), W[edge_type]).squeeze(-2))
    xW = jnp.einsum('nd,rde->nre', x, basis)  # [N, R, D]
    msg = xW[src, edge_type]                   # [E, D] gather
    # aggregate: scatter-add messages to destination nodes
    aggr = jax.ops.segment_sum(msg, dst, num_segments=x.shape[0])
    # update: aggr + x @ root + bias
    out = aggr + jnp.matmul(x, root) + bias
    return out

if __name__ == "__main__":
    import jax
    _d = setup_inputs()
    print(jax.jit(kernel)(*tuple(_d.values())))

</pallas_src>

<mosaic_0001>
#map = affine_map<(d0, d1) -> (0, 0)>
#map1 = affine_map<(d0, d1) -> (0, 0, 0)>
module attributes {stable_mosaic.version = 14 : i64} {
  func.func @_sc_body(%arg0: i32, %arg1: i32, %arg2: memref<80000x128xf32, #tpu.memory_space<hbm>>, %arg3: memref<320x8x128xi32, #tpu.memory_space<hbm>>, %arg4: memref<320x8x128xi32, #tpu.memory_space<hbm>>, %arg5: memref<2x10240x128xf32, #tpu.memory_space<hbm>>, %arg6: memref<10240x128xf32, #tpu.memory_space<vmem_shared>>, %arg7: memref<2x8x128xi32, #tpu.memory_space<vmem>>, %arg8: memref<2x8x128xi32, #tpu.memory_space<vmem>>, %arg9: memref<128x128xf32, #tpu.memory_space<vmem>>, %arg10: memref<128x128xf32, #tpu.memory_space<vmem>>, %arg11: memref<!tpu.dma_semaphore, #tpu.memory_space<semaphore_mem>>, %arg12: memref<!tpu.dma_semaphore, #tpu.memory_space<semaphore_mem>>) attributes {dimension_semantics = [#tpu.dimension_semantics<core_parallel>, #tpu.dimension_semantics<subcore_parallel>], iteration_bounds = array<i64: 2, 16>, scalar_prefetch = 0 : i64, scratch_operands = 7 : i64, tpu.core_type = #tpu.core_type<sc_vector_subcore>, window_params = [{transform_indices = #map}, {transform_indices = #map1}, {transform_indices = #map1}, {transform_indices = #map1}]} {
    %mul3A = arith.constant 16 : i32
    %mul3A_0 = arith.muli %arg0, %mul3A : i32
    %add3A = arith.addi %mul3A_0, %arg1 : i32
    %mul3A_1 = arith.constant 10 : i32
    %mul3A_2 = arith.muli %add3A, %mul3A_1 : i32
    %scan3A = arith.constant 0 : i32
    %scan3A_3 = arith.constant 0 : i32
    %scan3A_4 = arith.constant 128 : i32
    %scan3A_5 = arith.addi %scan3A_3, %scan3A_4 : i32
    %scan3A_6 = arith.constant 1 : i32
    scf.for %scan3A_339 = %scan3A_3 to %scan3A_5 step %scan3A_6  : i32 {
      %broadcast_in_dim3A = arith.constant 0.000000e+00 : f32
      %broadcast_in_dim3A_340 = vector.broadcast %broadcast_in_dim3A : f32 to vector<16xf32>
      %swap3A = arith.index_cast %scan3A_339 : i32 to index
      %swap3A_341 = arith.constant 0 : index
      %swap3A_342 = tpu.vector_load %arg9[%swap3A, %swap3A_341] {strides = array<i32>} : memref<128x128xf32, #tpu.memory_space<vmem>>, vector<1x16xf32>,
      %swap3A_343 = vector.shape_cast %swap3A_342 : vector<1x16xf32> to vector<16xf32>
      %swap3A_344 = vector.shape_cast %broadcast_in_dim3A_340 : vector<16xf32> to vector<1x16xf32>
      tpu.vector_store %arg9[%swap3A, %swap3A_341], %swap3A_344 {strides = array<i32>} : memref<128x128xf32, #tpu.memory_space<vmem>>, vector<1x16xf32>,
      %broadcast_in_dim3A_345 = arith.constant 0.000000e+00 : f32
      %broadcast_in_dim3A_346 = vector.broadcast %broadcast_in_dim3A_345 : f32 to vector<16xf32>
      %swap3A_347 = arith.index_cast %scan3A_339 : i32 to index
      %swap3A_348 = arith.constant 16 : index
      %swap3A_349 = tpu.vector_load %arg9[%swap3A_347, %swap3A_348] {strides = array<i32>} : memref<128x128xf32, #tpu.memory_space<vmem>>, vector<1x16xf32>,
      %swap3A_350 = vector.shape_cast %swap3A_349 : vector<1x16xf32> to vector<16xf32>
      %swap3A_351 = vector.shape_cast %broadcast_in_dim3A_346 : vector<16xf32> to vector<1x16xf32>
      tpu.vector_store %arg9[%swap3A_347, %swap3A_348], %swap3A_351 {strides = array<i32>} : memref<128x128xf32, #tpu.memory_space<vmem>>, vector<1x16xf32>,
      %broadcast_in_dim3A_352 = arith.constant 0.000000e+00 : f32
      %broadcast_in_dim3A_353 = vector.broadcast %broadcast_in_dim3A_352 : f32 to vector<16xf32>
      %swap3A_354 = arith.index_cast %scan3A_339 : i32 to index
      %swap3A_355 = arith.constant 32 : index
      %swap3A_356 = tpu.vector_load %arg9[%swap3A_354, %swap3A_355] {strides = array<i32>} : memref<128x128xf32, #tpu.memory_space<vmem>>, vector<1x16xf32>,
      %swap3A_357 = vector.shape_cast %swap3A_356 : vector<1x16xf32> to vector<16xf32>
      %swap3A_358 = vector.shape_cast %broadcast_in_dim3A_353 : vector<16xf32> to vector<1x16xf32>
      tpu.vector_store %arg9[%swap3A_354, %swap3A_355], %swap3A_358 {strides = array<i32>} : memref<128x128xf32, #tpu.memory_space<vmem>>, vector<1x16xf32>,
      %broadcast_in_dim3A_359 = arith.constant 0.000000e+00 : f32
      %broadcast_in_dim3A_360 = vector.broadcast %broadcast_in_dim3A_359 : f32 to vector<16xf32>
      %swap3A_361 = arith.index_cast %scan3A_339 : i32 to index
      %swap3A_362 = arith.constant 48 : index
      %swap3A_363 = tpu.vector_load %arg9[%swap3A_361, %swap3A_362] {strides = array<i32>} : memref<128x128xf32, #tpu.memory_space<vmem>>, vector<1x16xf32>,
      %swap3A_364 = vector.shape_cast %swap3A_363 : vector<1x16xf32> to vector<16xf32>
      %swap3A_365 = vector.shape_cast %broadcast_in_dim3A_360 : vector<16xf32> to vector<1x16xf32>
      tpu.vector_store %arg9[%swap3A_361, %swap3A_362], %swap3A_365 {strides = array<i32>} : memref<128x128xf32, #tpu.memory_space<vmem>>, vector<1x16xf32>,
      %broadcast_in_dim3A_366 = arith.constant 0.000000e+00 : f32
      %broadcast_in_dim3A_367 = vector.broadcast %broadcast_in_dim3A_366 : f32 to vector<16xf32>
      %swap3A_368 = arith.index_cast %scan3A_339 : i32 to index
      %swap3A_369 = arith.constant 64 : index
      %swap3A_370 = tpu.vector_load %arg9[%swap3A_368, %swap3A_369] {strides = array<i32>} : memref<128x128xf32, #tpu.memory_space<vmem>>, vector<1x16xf32>,
      %swap3A_371 = vector.shape_cast %swap3A_370 : vector<1x16xf32> to vector<16xf32>
      %swap3A_372 = vector.shape_cast %broadcast_in_dim3A_367 : vector<16xf32> to vector<1x16xf32>
      tpu.vector_store %arg9[%swap3A_368, %swap3A_369], %swap3A_372 {strides = array<i32>} : memref<128x128xf32, #tpu.memory_space<vmem>>, vector<1x16xf32>,
      %broadcast_in_dim3A_373 = arith.constant 0.000000e+00 : f32
      %broadcast_in_dim3A_374 = vector.broadcast %broadcast_in_dim3A_373 : f32 to vector<16xf32>
      %swap3A_375 = arith.index_cast %scan3A_339 : i32 to index
      %swap3A_376 = arith.constant 80 : index
      %swap3A_377 = tpu.vector_load %arg9[%swap3A_375, %swap3A_376] {strides = array<i32>} : memref<128x128xf32, #tpu.memory_space<vmem>>, vector<1x16xf32>,
      %swap3A_378 = vector.shape_cast %swap3A_377 : vector<1x16xf32> to vector<16xf32>
      %swap3A_379 = vector.shape_cast %broadcast_in_dim3A_374 : vector<16xf32> to vector<1x16xf32>
      tpu.vector_store %arg9[%swap3A_375, %swap3A_376], %swap3A_379 {strides = array<i32>} : memref<128x128xf32, #tpu.memory_space<vmem>>, vector<1x16xf32>,
      %broadcast_in_dim3A_380 = arith.constant 0.000000e+00 : f32
      %broadcast_in_dim3A_381 = vector.broadcast %broadcast_in_dim3A_380 : f32 to vector<16xf32>
      %swap3A_382 = arith.index_cast %scan3A_339 : i32 to index
      %swap3A_383 = arith.constant 96 : index
      %swap3A_384 = tpu.vector_load %arg9[%swap3A_382, %swap3A_383] {strides = array<i32>} : memref<128x128xf32, #tpu.memory_space<vmem>>, vector<1x16xf32>,
      %swap3A_385 = vector.shape_cast %swap3A_384 : vector<1x16xf32> to vector<16xf32>
      %swap3A_386 = vector.shape_cast %broadcast_in_dim3A_381 : vector<16xf32> to vector<1x16xf32>
      tpu.vector_store %arg9[%swap3A_382, %swap3A_383], %swap3A_386 {strides = array<i32>} : memref<128x128xf32, #tpu.memory_space<vmem>>, vector<1x16xf32>,
      %broadcast_in_dim3A_387 = arith.constant 0.000000e+00 : f32
      %broadcast_in_dim3A_388 = vector.broadcast %broadcast_in_dim3A_387 : f32 to vector<16xf32>
      %swap3A_389 = arith.index_cast %scan3A_339 : i32 to index
      %swap3A_390 = arith.constant 112 : index
      %swap3A_391 = tpu.vector_load %arg9[%swap3A_389, %swap3A_390] {strides = array<i32>} : memref<128x128xf32, #tpu.memory_space<vmem>>, vector<1x16xf32>,
      %swap3A_392 = vector.shape_cast %swap3A_391 : vector<1x16xf32> to vector<16xf32>
      %swap3A_393 = vector.shape_cast %broadcast_in_dim3A_388 : vector<16xf32> to vector<1x16xf32>
      tpu.vector_store %arg9[%swap3A_389, %swap3A_390], %swap3A_393 {strides = array<i32>} : memref<128x128xf32, #tpu.memory_space<vmem>>, vector<1x16xf32>,
    }
    %scan3A_7 = arith.constant 128 : i32
    %mul3A_8 = arith.constant 640 : i32
    %mul3A_9 = arith.muli %arg1, %mul3A_8 : i32
    %add3A_10 = arith.constant 0 : i32
    %add3A_11 = arith.addi %mul3A_9, %add3A_10 : i32
    "tpu.region"() ({
      %run_scoped3A_339 = tpu.sem_alloc : memref<!tpu.dma_semaphore, #tpu.memory_space<semaphore_mem>>
      %dma_start3A_340 = arith.constant 0 : i32
      %dma_start3A_341 = tpu.memref_slice %arg6[%add3A_11, %dma_start3A_340] : memref<10240x128xf32, #tpu.memory_space<vmem_shared>> -> memref<128x128xf32, #tpu.memory_space<vmem_shared>>
      %dma_start3A_342 = arith.constant 0 : i32
      %dma_start3A_343 = tpu.memref_slice %arg6[%add3A_11, %dma_start3A_342] : memref<10240x128xf32, #tpu.memory_space<vmem_shared>> -> memref<128x128xf32, #tpu.memory_space<vmem_shared>>
      tpu.enqueue_dma source(%arg9 : memref<128x128xf32, #tpu.memory_space<vmem>>) target(%dma_start3A_343 : memref<128x128xf32, #tpu.memory_space<vmem_shared>>) target_semaphore(%run_scoped3A_339 : memref<!tpu.dma_semaphore, #tpu.memory_space<semaphore_mem>>)
      %dma_wait3A_344 = arith.constant 0 : i32
      %dma_wait3A_345 = tpu.memref_slice %arg6[%add3A_11, %dma_wait3A_344] : memref<10240x128xf32, #tpu.memory_space<vmem_shared>> -> memref<128x128xf32, #tpu.memory_space<vmem_shared>>
      %dma_wait3A_346 = arith.constant 0 : i32
      %dma_wait3A_347 = tpu.memref_slice %arg6[%add3A_11, %dma_wait3A_346] : memref<10240x128xf32, #tpu.memory_space<vmem_shared>> -> memref<128x128xf32, #tpu.memory_space<vmem_shared>>
      tpu.wait_dma2 semaphore(%run_scoped3A_339 : memref<!tpu.dma_semaphore, #tpu.memory_space<semaphore_mem>>) src(%arg9 : memref<128x128xf32, #tpu.memory_space<vmem>>) dst(%dma_wait3A_347 : memref<128x128xf32, #tpu.memory_space<vmem_shared>>)
      tpu.yield
    }) : () -> ()
    %mul3A_12 = arith.constant 640 : i32
    %mul3A_13 = arith.muli %arg1, %mul3A_12 : i32
    %add3A_14 = arith.constant 128 : i32
    %add3A_15 = arith.addi %mul3A_13, %add3A_14 : i32
    "tpu.region"() ({
      %run_scoped3A_339 = tpu.sem_alloc : memref<!tpu.dma_semaphore, #tpu.memory_space<semaphore_mem>>
      %dma_start3A_340 = arith.constant 0 : i32
      %dma_start3A_341 = tpu.memref_slice %arg6[%add3A_15, %dma_start3A_340] : memref<10240x128xf32, #tpu.memory_space<vmem_shared>> -> memref<128x128xf32, #tpu.memory_space<vmem_shared>>
      %dma_start3A_342 = arith.constant 0 : i32
      %dma_start3A_343 = tpu.memref_slice %arg6[%add3A_15, %dma_start3A_342] : memref<10240x128xf32, #tpu.memory_space<vmem_shared>> -> memref<128x128xf32, #tpu.memory_space<vmem_shared>>
      tpu.enqueue_dma source(%arg9 : memref<128x128xf32, #tpu.memory_space<vmem>>) target(%dma_start3A_343 : memref<128x128xf32, #tpu.memory_space<vmem_shared>>) target_semaphore(%run_scoped3A_339 : memref<!tpu.dma_semaphore, #tpu.memory_space<semaphore_mem>>)
      %dma_wait3A_344 = arith.constant 0 : i32
      %dma_wait3A_345 = tpu.memref_slice %arg6[%add3A_15, %dma_wait3A_344] : memref<10240x128xf32, #tpu.memory_space<vmem_shared>> -> memref<128x128xf32, #tpu.memory_space<vmem_shared>>
      %dma_wait3A_346 = arith.constant 0 : i32
      %dma_wait3A_347 = tpu.memref_slice %arg6[%add3A_15, %dma_wait3A_346] : memref<10240x128xf32, #tpu.memory_space<vmem_shared>> -> memref<128x128xf32, #tpu.memory_space<vmem_shared>>
      tpu.wait_dma2 semaphore(%run_scoped3A_339 : memref<!tpu.dma_semaphore, #tpu.memory_space<semaphore_mem>>) src(%arg9 : memref<128x128xf32, #tpu.memory_space<vmem>>) dst(%dma_wait3A_347 : memref<128x128xf32, #tpu.memory_space<vmem_shared>>)
      tpu.yield
    }) : () -> ()
    %mul3A_16 = arith.constant 640 : i32
    %mul3A_17 = arith.muli %arg1, %mul3A_16 : i32
    %add3A_18 = arith.constant 256 : i32
    %add3A_19 = arith.addi %mul3A_17, %add3A_18 : i32
    "tpu.region"() ({
      %run_scoped3A_339 = tpu.sem_alloc : memref<!tpu.dma_semaphore, #tpu.memory_space<semaphore_mem>>
      %dma_start3A_340 = arith.constant 0 : i32
      %dma_start3A_341 = tpu.memref_slice %arg6[%add3A_19, %dma_start3A_340] : memref<10240x128xf32, #tpu.memory_space<vmem_shared>> -> memref<128x128xf32, #tpu.memory_space<vmem_shared>>
      %dma_start3A_342 = arith.constant 0 : i32
      %dma_start3A_343 = tpu.memref_slice %arg6[%add3A_19, %dma_start3A_342] : memref<10240x128xf32, #tpu.memory_space<vmem_shared>> -> memref<128x128xf32, #tpu.memory_space<vmem_shared>>
      tpu.enqueue_dma source(%arg9 : memref<128x128xf32, #tpu.memory_space<vmem>>) target(%dma_start3A_343 : memref<128x128xf32, #tpu.memory_space<vmem_shared>>) target_semaphore(%run_scoped3A_339 : memref<!tpu.dma_semaphore, #tpu.memory_space<semaphore_mem>>)
      %dma_wait3A_344 = arith.constant 0 : i32
      %dma_wait3A_345 = tpu.memref_slice %arg6[%add3A_19, %dma_wait3A_344] : memref<10240x128xf32, #tpu.memory_space<vmem_shared>> -> memref<128x128xf32, #tpu.memory_space<vmem_shared>>
      %dma_wait3A_346 = arith.constant 0 : i32
      %dma_wait3A_347 = tpu.memref_slice %arg6[%add3A_19, %dma_wait3A_346] : memref<10240x128xf32, #tpu.memory_space<vmem_shared>> -> memref<128x128xf32, #tpu.memory_space<vmem_shared>>
      tpu.wait_dma2 semaphore(%run_scoped3A_339 : memref<!tpu.dma_semaphore, #tpu.memory_space<semaphore_mem>>) src(%arg9 : memref<128x128xf32, #tpu.memory_space<vmem>>) dst(%dma_wait3A_347 : memref<128x128xf32, #tpu.memory_space<vmem_shared>>)
      tpu.yield
    }) : () -> ()
    %mul3A_20 = arith.constant 640 : i32
    %mul3A_21 = arith.muli %arg1, %mul3A_20 : i32
    %add3A_22 = arith.constant 384 : i32
    %add3A_23 = arith.addi %mul3A_21, %add3A_22 : i32
    "tpu.region"() ({
      %run_scoped3A_339 = tpu.sem_alloc : memref<!tpu.dma_semaphore, #tpu.memory_space<semaphore_mem>>
      %dma_start3A_340 = arith.constant 0 : i32
      %dma_start3A_341 = tpu.memref_slice %arg6[%add3A_23, %dma_start3A_340] : memref<10240x128xf32, #tpu.memory_space<vmem_shared>> -> memref<128x128xf32, #tpu.memory_space<vmem_shared>>
      %dma_start3A_342 = arith.constant 0 : i32
      %dma_start3A_343 = tpu.memref_slice %arg6[%add3A_23, %dma_start3A_342] : memref<10240x128xf32, #tpu.memory_space<vmem_shared>> -> memref<128x128xf32, #tpu.memory_space<vmem_shared>>
      tpu.enqueue_dma source(%arg9 : memref<128x128xf32, #tpu.memory_space<vmem>>) target(%dma_start3A_343 : memref<128x128xf32, #tpu.memory_space<vmem_shared>>) target_semaphore(%run_scoped3A_339 : memref<!tpu.dma_semaphore, #tpu.memory_space<semaphore_mem>>)
      %dma_wait3A_344 = arith.constant 0 : i32
      %dma_wait3A_345 = tpu.memref_slice %arg6[%add3A_23, %dma_wait3A_344] : memref<10240x128xf32, #tpu.memory_space<vmem_shared>> -> memref<128x128xf32, #tpu.memory_space<vmem_shared>>
      %dma_wait3A_346 = arith.constant 0 : i32
      %dma_wait3A_347 = tpu.memref_slice %arg6[%add3A_23, %dma_wait3A_346] : memref<10240x128xf32, #tpu.memory_space<vmem_shared>> -> memref<128x128xf32, #tpu.memory_space<vmem_shared>>
      tpu.wait_dma2 semaphore(%run_scoped3A_339 : memref<!tpu.dma_semaphore, #tpu.memory_space<semaphore_mem>>) src(%arg9 : memref<128x128xf32, #tpu.memory_space<vmem>>) dst(%dma_wait3A_347 : memref<128x128xf32, #tpu.memory_space<vmem_shared>>)
      tpu.yield
    }) : () -> ()
    %mul3A_24 = arith.constant 640 : i32
    %mul3A_25 = arith.muli %arg1, %mul3A_24 : i32
    %add3A_26 = arith.constant 512 : i32
    %add3A_27 = arith.addi %mul3A_25, %add3A_26 : i32
    "tpu.region"() ({
      %run_scoped3A_339 = tpu.sem_alloc : memref<!tpu.dma_semaphore, #tpu.memory_space<semaphore_mem>>
      %dma_start3A_340 = arith.constant 0 : i32
      %dma_start3A_341 = tpu.memref_slice %arg6[%add3A_27, %dma_start3A_340] : memref<10240x128xf32, #tpu.memory_space<vmem_shared>> -> memref<128x128xf32, #tpu.memory_space<vmem_shared>>
      %dma_start3A_342 = arith.constant 0 : i32
      %dma_start3A_343 = tpu.memref_slice %arg6[%add3A_27, %dma_start3A_342] : memref<10240x128xf32, #tpu.memory_space<vmem_shared>> -> memref<128x128xf32, #tpu.memory_space<vmem_shared>>
      tpu.enqueue_dma source(%arg9 : memref<128x128xf32, #tpu.memory_space<vmem>>) target(%dma_start3A_343 : memref<128x128xf32, #tpu.memory_space<vmem_shared>>) target_semaphore(%run_scoped3A_339 : memref<!tpu.dma_semaphore, #tpu.memory_space<semaphore_mem>>)
      %dma_wait3A_344 = arith.constant 0 : i32
      %dma_wait3A_345 = tpu.memref_slice %arg6[%add3A_27, %dma_wait3A_344] : memref<10240x128xf32, #tpu.memory_space<vmem_shared>> -> memref<128x128xf32, #tpu.memory_space<vmem_shared>>
      %dma_wait3A_346 = arith.constant 0 : i32
      %dma_wait3A_347 = tpu.memref_slice %arg6[%add3A_27, %dma_wait3A_346] : memref<10240x128xf32, #tpu.memory_space<vmem_shared>> -> memref<128x128xf32, #tpu.memory_space<vmem_shared>>
      tpu.wait_dma2 semaphore(%run_scoped3A_339 : memref<!tpu.dma_semaphore, #tpu.memory_space<semaphore_mem>>) src(%arg9 : memref<128x128xf32, #tpu.memory_space<vmem>>) dst(%dma_wait3A_347 : memref<128x128xf32, #tpu.memory_space<vmem_shared>>)
      tpu.yield
    }) : () -> ()
    %run_scoped3A = arith.constant 0 : i32
    "tpu.region"() ({
      %run_scoped3A_339 = tpu.sem_alloc : memref<!tpu.dma_semaphore, #tpu.memory_space<semaphore_mem>>
      %dma_start3A_340 = arith.constant 0 : i32
      %dma_start3A_341 = arith.constant 0 : i32
      %dma_start3A_342 = tpu.memref_slice %arg7[%run_scoped3A, %dma_start3A_340, %dma_start3A_341] : memref<2x8x128xi32, #tpu.memory_space<vmem>> -> memref<1x8x128xi32, #tpu.memory_space<vmem>>
      %dma_start3A_343 = tpu.memref_squeeze %dma_start3A_342 : memref<1x8x128xi32, #tpu.memory_space<vmem>> -> memref<8x128xi32, #tpu.memory_space<vmem>>
      %dma_start3A_344 = arith.constant 0 : i32
      %dma_start3A_345 = arith.constant 0 : i32
      %dma_start3A_346 = tpu.memref_slice %arg3[%mul3A_2, %dma_start3A_344, %dma_start3A_345] : memref<320x8x128xi32, #tpu.memory_space<hbm>> -> memref<1x8x128xi32, #tpu.memory_space<hbm>>
      %dma_start3A_347 = tpu.memref_squeeze %dma_start3A_346 : memref<1x8x128xi32, #tpu.memory_space<hbm>> -> memref<8x128xi32, #tpu.memory_space<hbm>>
      %dma_start3A_348 = arith.constant 0 : i32
      %dma_start3A_349 = arith.constant 0 : i32
      %dma_start3A_350 = tpu.memref_slice %arg7[%run_scoped3A, %dma_start3A_348, %dma_start3A_349] : memref<2x8x128xi32, #tpu.memory_space<vmem>> -> memref<1x8x128xi32, #tpu.memory_space<vmem>>
      %dma_start3A_351 = tpu.memref_squeeze %dma_start3A_350 : memref<1x8x128xi32, #tpu.memory_space<vmem>> -> memref<8x128xi32, #tpu.memory_space<vmem>>
      %dma_start3A_352 = arith.constant 0 : i32
      %dma_start3A_353 = arith.constant 0 : i32
      %dma_start3A_354 = tpu.memref_slice %arg3[%mul3A_2, %dma_start3A_352, %dma_start3A_353] : memref<320x8x128xi32, #tpu.memory_space<hbm>> -> memref<1x8x128xi32, #tpu.memory_space<hbm>>
      %dma_start3A_355 = tpu.memref_squeeze %dma_start3A_354 : memref<1x8x128xi32, #tpu.memory_space<hbm>> -> memref<8x128xi32, #tpu.memory_space<hbm>>
      tpu.enqueue_dma source(%dma_start3A_355 : memref<8x128xi32, #tpu.memory_space<hbm>>) target(%dma_start3A_351 : memref<8x128xi32, #tpu.memory_space<vmem>>) target_semaphore(%run_scoped3A_339 : memref<!tpu.dma_semaphore, #tpu.memory_space<semaphore_mem>>)
      %dma_wait3A_356 = arith.constant 0 : i32
      %dma_wait3A_357 = arith.constant 0 : i32
      %dma_wait3A_358 = tpu.memref_slice %arg7[%run_scoped3A, %dma_wait3A_356, %dma_wait3A_357] : memref<2x8x128xi32, #tpu.memory_space<vmem>> -> memref<1x8x128xi32, #tpu.memory_space<vmem>>
      %dma_wait3A_359 = tpu.memref_squeeze %dma_wait3A_358 : memref<1x8x128xi32, #tpu.memory_space<vmem>> -> memref<8x128xi32, #tpu.memory_space<vmem>>
      %dma_wait3A_360 = arith.constant 0 : i32
      %dma_wait3A_361 = arith.constant 0 : i32
      %dma_wait3A_362 = tpu.memref_slice %arg3[%mul3A_2, %dma_wait3A_360, %dma_wait3A_361] : memref<320x8x128xi32, #tpu.memory_space<hbm>> -> memref<1x8x128xi32, #tpu.memory_space<hbm>>
      %dma_wait3A_363 = tpu.memref_squeeze %dma_wait3A_362 : memref<1x8x128xi32, #tpu.memory_space<hbm>> -> memref<8x128xi32, #tpu.memory_space<hbm>>
      %dma_wait3A_364 = arith.constant 0 : i32
      %dma_wait3A_365 = arith.constant 0 : i32
      %dma_wait3A_366 = tpu.memref_slice %arg7[%run_scoped3A, %dma_wait3A_364, %dma_wait3A_365] : memref<2x8x128xi32, #tpu.memory_space<vmem>> -> memref<1x8x128xi32, #tpu.memory_space<vmem>>
      %dma_wait3A_367 = tpu.memref_squeeze %dma_wait3A_366 : memref<1x8x128xi32, #tpu.memory_space<vmem>> -> memref<8x128xi32, #tpu.memory_space<vmem>>
      %dma_wait3A_368 = arith.constant 0 : i32
      %dma_wait3A_369 = arith.constant 0 : i32
      %dma_wait3A_370 = tpu.memref_slice %arg3[%mul3A_2, %dma_wait3A_368, %dma_wait3A_369] : memref<320x8x128xi32, #tpu.memory_space<hbm>> -> memref<1x8x128xi32, #tpu.memory_space<hbm>>
      %dma_wait3A_371 = tpu.memref_squeeze %dma_wait3A_370 : memref<1x8x128xi32, #tpu.memory_space<hbm>> -> memref<8x128xi32, #tpu.memory_space<hbm>>
      tpu.wait_dma2 semaphore(%run_scoped3A_339 : memref<!tpu.dma_semaphore, #tpu.memory_space<semaphore_mem>>) src(%dma_wait3A_371 : memref<8x128xi32, #tpu.memory_space<hbm>>) dst(%dma_wait3A_367 : memref<8x128xi32, #tpu.memory_space<vmem>>)
      tpu.yield
    }) : () -> ()
    %run_scoped3A_28 = arith.constant 0 : i32
    "tpu.region"() ({
      %run_scoped3A_339 = tpu.sem_alloc : memref<!tpu.dma_semaphore, #tpu.memory_space<semaphore_mem>>
      %dma_start3A_340 = arith.constant 0 : i32
      %dma_start3A_341 = arith.constant 0 : i32
      %dma_start3A_342 = tpu.memref_slice %arg8[%run_scoped3A_28, %dma_start3A_340, %dma_start3A_341] : memref<2x8x128xi32, #tpu.memory_space<vmem>> -> memref<1x8x128xi32, #tpu.memory_space<vmem>>
      %dma_start3A_343 = tpu.memref_squeeze %dma_start3A_342 : memref<1x8x128xi32, #tpu.memory_space<vmem>> -> memref<8x128xi32, #tpu.memory_space<vmem>>
      %dma_start3A_344 = arith.constant 0 : i32
      %dma_start3A_345 = arith.constant 0 : i32
      %dma_start3A_346 = tpu.memref_slice %arg4[%mul3A_2, %dma_start3A_344, %dma_start3A_345] : memref<320x8x128xi32, #tpu.memory_space<hbm>> -> memref<1x8x128xi32, #tpu.memory_space<hbm>>
      %dma_start3A_347 = tpu.memref_squeeze %dma_start3A_346 : memref<1x8x128xi32, #tpu.memory_space<hbm>> -> memref<8x128xi32, #tpu.memory_space<hbm>>
      %dma_start3A_348 = arith.constant 0 : i32
      %dma_start3A_349 = arith.constant 0 : i32
      %dma_start3A_350 = tpu.memref_slice %arg8[%run_scoped3A_28, %dma_start3A_348, %dma_start3A_349] : memref<2x8x128xi32, #tpu.memory_space<vmem>> -> memref<1x8x128xi32, #tpu.memory_space<vmem>>
      %dma_start3A_351 = tpu.memref_squeeze %dma_start3A_350 : memref<1x8x128xi32, #tpu.memory_space<vmem>> -> memref<8x128xi32, #tpu.memory_space<vmem>>
      %dma_start3A_352 = arith.constant 0 : i32
      %dma_start3A_353 = arith.constant 0 : i32
      %dma_start3A_354 = tpu.memref_slice %arg4[%mul3A_2, %dma_start3A_352, %dma_start3A_353] : memref<320x8x128xi32, #tpu.memory_space<hbm>> -> memref<1x8x128xi32, #tpu.memory_space<hbm>>
      %dma_start3A_355 = tpu.memref_squeeze %dma_start3A_354 : memref<1x8x128xi32, #tpu.memory_space<hbm>> -> memref<8x128xi32, #tpu.memory_space<hbm>>
      tpu.enqueue_dma source(%dma_start3A_355 : memref<8x128xi32, #tpu.memory_space<hbm>>) target(%dma_start3A_351 : memref<8x128xi32, #tpu.memory_space<vmem>>) target_semaphore(%run_scoped3A_339 : memref<!tpu.dma_semaphore, #tpu.memory_space<semaphore_mem>>)
      %dma_wait3A_356 = arith.constant 0 : i32
      %dma_wait3A_357 = arith.constant 0 : i32
      %dma_wait3A_358 = tpu.memref_slice %arg8[%run_scoped3A_28, %dma_wait3A_356, %dma_wait3A_357] : memref<2x8x128xi32, #tpu.memory_space<vmem>> -> memref<1x8x128xi32, #tpu.memory_space<vmem>>
      %dma_wait3A_359 = tpu.memref_squeeze %dma_wait3A_358 : memref<1x8x128xi32, #tpu.memory_space<vmem>> -> memref<8x128xi32, #tpu.memory_space<vmem>>
      %dma_wait3A_360 = arith.constant 0 : i32
      %dma_wait3A_361 = arith.constant 0 : i32
      %dma_wait3A_362 = tpu.memref_slice %arg4[%mul3A_2, %dma_wait3A_360, %dma_wait3A_361] : memref<320x8x128xi32, #tpu.memory_space<hbm>> -> memref<1x8x128xi32, #tpu.memory_space<hbm>>
      %dma_wait3A_363 = tpu.memref_squeeze %dma_wait3A_362 : memref<1x8x128xi32, #tpu.memory_space<hbm>> -> memref<8x128xi32, #tpu.memory_space<hbm>>
      %dma_wait3A_364 = arith.constant 0 : i32
      %dma_wait3A_365 = arith.constant 0 : i32
      %dma_wait3A_366 = tpu.memref_slice %arg8[%run_scoped3A_28, %dma_wait3A_364, %dma_wait3A_365] : memref<2x8x128xi32, #tpu.memory_space<vmem>> -> memref<1x8x128xi32, #tpu.memory_space<vmem>>
      %dma_wait3A_367 = tpu.memref_squeeze %dma_wait3A_366 : memref<1x8x128xi32, #tpu.memory_space<vmem>> -> memref<8x128xi32, #tpu.memory_space<vmem>>
      %dma_wait3A_368 = arith.constant 0 : i32
      %dma_wait3A_369 = arith.constant 0 : i32
      %dma_wait3A_370 = tpu.memref_slice %arg4[%mul3A_2, %dma_wait3A_368, %dma_wait3A_369] : memref<320x8x128xi32, #tpu.memory_space<hbm>> -> memref<1x8x128xi32, #tpu.memory_space<hbm>>
      %dma_wait3A_371 = tpu.memref_squeeze %dma_wait3A_370 : memref<1x8x128xi32, #tpu.memory_space<hbm>> -> memref<8x128xi32, #tpu.memory_space<hbm>>
      tpu.wait_dma2 semaphore(%run_scoped3A_339 : memref<!tpu.dma_semaphore, #tpu.memory_space<semaphore_mem>>) src(%dma_wait3A_371 : memref<8x128xi32, #tpu.memory_space<hbm>>) dst(%dma_wait3A_367 : memref<8x128xi32, #tpu.memory_space<vmem>>)
      tpu.yield
    }) : () -> ()
    %barrier3A = arith.constant 0 : index
    tpu.barrier barrier_id(%barrier3A)
    %dma_start3A = arith.constant 0 : i32
    %dma_start3A_29 = arith.constant 0 : i32
    %dma_start3A_30 = arith.constant 0 : i32
    %dma_start3A_31 = tpu.memref_slice %arg7[%dma_start3A, %dma_start3A_29, %dma_start3A_30] : memref<2x8x128xi32, #tpu.memory_space<vmem>> -> memref<1x1x128xi32, #tpu.memory_space<vmem>>
    %dma_start3A_32 = tpu.memref_squeeze %dma_start3A_31 : memref<1x1x128xi32, #tpu.memory_space<vmem>> -> memref<128xi32, #tpu.memory_space<vmem>>
    %dma_start3A_33 = arith.constant 0 : i32
    %dma_start3A_34 = arith.constant 0 : i32
    %dma_start3A_35 = tpu.memref_slice %arg2[%dma_start3A_33, %dma_start3A_34] : memref<80000x128xf32, #tpu.memory_space<hbm>> -> memref<80000x128xf32, #tpu.memory_space<hbm>>
    tpu.enqueue_indirect_dma source(%dma_start3A_35 : memref<80000x128xf32, #tpu.memory_space<hbm>>) target(%arg9 : memref<128x128xf32, #tpu.memory_space<vmem>>) offsets(%dma_start3A_32 : memref<128xi32, #tpu.memory_space<vmem>>) semaphore(%arg11 : memref<!tpu.dma_semaphore, #tpu.memory_space<semaphore_mem>>)
    %scan3A_36 = arith.constant 0 : i32
    %scan3A_37 = arith.constant 0 : i32
    %scan3A_38 = arith.constant 4 : i32
    %scan3A_39 = arith.addi %scan3A_37, %scan3A_38 : i32
    %scan3A_40 = arith.constant 1 : i32
    scf.for %scan3A_339 = %scan3A_37 to %scan3A_39 step %scan3A_40  : i32 {
      %mul3A_340 = arith.constant 2 : i32
      %mul3A_341 = arith.muli %mul3A_340, %scan3A_339 : i32
      %add3A_342 = arith.addi %mul3A_2, %mul3A_341 : i32
      %add3A_343 = arith.constant 1 : i32
      %add3A_344 = arith.addi %add3A_342, %add3A_343 : i32
      %run_scoped3A_345 = arith.constant 1 : i32
      "tpu.region"() ({
        %run_scoped3A_645 = tpu.sem_alloc : memref<!tpu.dma_semaphore, #tpu.memory_space<semaphore_mem>>
        %dma_start3A_646 = arith.constant 0 : i32
        %dma_start3A_647 = arith.constant 0 : i32
        %dma_start3A_648 = tpu.memref_slice %arg7[%run_scoped3A_345, %dma_start3A_646, %dma_start3A_647] : memref<2x8x128xi32, #tpu.memory_space<vmem>> -> memref<1x8x128xi32, #tpu.memory_space<vmem>>
        %dma_start3A_649 = tpu.memref_squeeze %dma_start3A_648 : memref<1x8x128xi32, #tpu.memory_space<vmem>> -> memref<8x128xi32, #tpu.memory_space<vmem>>
        %dma_start3A_650 = arith.constant 0 : i32
        %dma_start3A_651 = arith.constant 0 : i32
        %dma_start3A_652 = tpu.memref_slice %arg3[%add3A_344, %dma_start3A_650, %dma_start3A_651] : memref<320x8x128xi32, #tpu.memory_space<hbm>> -> memref<1x8x128xi32, #tpu.memory_space<hbm>>
        %dma_start3A_653 = tpu.memref_squeeze %dma_start3A_652 : memref<1x8x128xi32, #tpu.memory_space<hbm>> -> memref<8x128xi32, #tpu.memory_space<hbm>>
        %dma_start3A_654 = arith.constant 0 : i32
        %dma_start3A_655 = arith.constant 0 : i32
        %dma_start3A_656 = tpu.memref_slice %arg7[%run_scoped3A_345, %dma_start3A_654, %dma_start3A_655] : memref<2x8x128xi32, #tpu.memory_space<vmem>> -> memref<1x8x128xi32, #tpu.memory_space<vmem>>
        %dma_start3A_657 = tpu.memref_squeeze %dma_start3A_656 : memref<1x8x128xi32, #tpu.memory_space<vmem>> -> memref<8x128xi32, #tpu.memory_space<vmem>>
        %dma_start3A_658 = arith.constant 0 : i32
        %dma_start3A_659 = arith.constant 0 : i32
        %dma_start3A_660 = tpu.memref_slice %arg3[%add3A_344, %dma_start3A_658, %dma_start3A_659] : memref<320x8x128xi32, #tpu.memory_space<hbm>> -> memref<1x8x128xi32, #tpu.memory_space<hbm>>
        %dma_start3A_661 = tpu.memref_squeeze %dma_start3A_660 : memref<1x8x128xi32, #tpu.memory_space<hbm>> -> memref<8x128xi32, #tpu.memory_space<hbm>>
        tpu.enqueue_dma source(%dma_start3A_661 : memref<8x128xi32, #tpu.memory_space<hbm>>) target(%dma_start3A_657 : memref<8x128xi32, #tpu.memory_space<vmem>>) target_semaphore(%run_scoped3A_645 : memref<!tpu.dma_semaphore, #tpu.memory_space<semaphore_mem>>)
        %dma_wait3A_662 = arith.constant 0 : i32
        %dma_wait3A_663 = arith.constant 0 : i32
        %dma_wait3A_664 = tpu.memref_slice %arg7[%run_scoped3A_345, %dma_wait3A_662, %dma_wait3A_663] : memref<2x8x128xi32, #tpu.memory_space<vmem>> -> memref<1x8x128xi32, #tpu.memory_space<vmem>>
        %dma_wait3A_665 = tpu.memref_squeeze %dma_wait3A_664 : memref<1x8x128xi32, #tpu.memory_space<vmem>> -> memref<8x128xi32, #tpu.memory_space<vmem>>
        %dma_wait3A_666 = arith.constant 0 : i32
        %dma_wait3A_667 = arith.constant 0 : i32
        %dma_wait3A_668 = tpu.memref_slice %arg3[%add3A_344, %dma_wait3A_666, %dma_wait3A_667] : memref<320x8x128xi32, #tpu.memory_space<hbm>> -> memref<1x8x128xi32, #tpu.memory_space<hbm>>
        %dma_wait3A_669 = tpu.memref_squeeze %dma_wait3A_668 : memref<1x8x128xi32, #tpu.memory_space<hbm>> -> memref<8x128xi32, #tpu.memory_space<hbm>>
        %dma_wait3A_670 = arith.constant 0 : i32
        %dma_wait3A_671 = arith.constant 0 : i32
        %dma_wait3A_672 = tpu.memref_slice %arg7[%run_scoped3A_345, %dma_wait3A_670, %dma_wait3A_671] : memref<2x8x128xi32, #tpu.memory_space<vmem>> -> memref<1x8x128xi32, #tpu.memory_space<vmem>>
        %dma_wait3A_673 = tpu.memref_squeeze %dma_wait3A_672 : memref<1x8x128xi32, #tpu.memory_space<vmem>> -> memref<8x128xi32, #tpu.memory_space<vmem>>
        %dma_wait3A_674 = arith.constant 0 : i32
        %dma_wait3A_675 = arith.constant 0 : i32
        %dma_wait3A_676 = tpu.memref_slice %arg3[%add3A_344, %dma_wait3A_674, %dma_wait3A_675] : memref<320x8x128xi32, #tpu.memory_space<hbm>> -> memref<1x8x128xi32, #tpu.memory_space<hbm>>
        %dma_wait3A_677 = tpu.memref_squeeze %dma_wait3A_676 : memref<1x8x128xi32, #tpu.memory_space<hbm>> -> memref<8x128xi32, #tpu.memory_space<hbm>>
        tpu.wait_dma2 semaphore(%run_scoped3A_645 : memref<!tpu.dma_semaphore, #tpu.memory_space<semaphore_mem>>) src(%dma_wait3A_677 : memref<8x128xi32, #tpu.memory_space<hbm>>) dst(%dma_wait3A_673 : memref<8x128xi32, #tpu.memory_space<vmem>>)
        tpu.yield
      }) : () -> ()
      %add3A_346 = arith.constant 1 : i32
      %add3A_347 = arith.addi %add3A_342, %add3A_346 : i32
      %run_scoped3A_348 = arith.constant 1 : i32
      "tpu.region"() ({
        %run_scoped3A_645 = tpu.sem_alloc : memref<!tpu.dma_semaphore, #tpu.memory_space<semaphore_mem>>
        %dma_start3A_646 = arith.constant 0 : i32
        %dma_start3A_647 = arith.constant 0 : i32
        %dma_start3A_648 = tpu.memref_slice %arg8[%run_scoped3A_348, %dma_start3A_646, %dma_start3A_647] : memref<2x8x128xi32, #tpu.memory_space<vmem>> -> memref<1x8x128xi32, #tpu.memory_space<vmem>>
        %dma_start3A_649 = tpu.memref_squeeze %dma_start3A_648 : memref<1x8x128xi32, #tpu.memory_space<vmem>> -> memref<8x128xi32, #tpu.memory_space<vmem>>
        %dma_start3A_650 = arith.constant 0 : i32
        %dma_start3A_651 = arith.constant 0 : i32
        %dma_start3A_652 = tpu.memref_slice %arg4[%add3A_347, %dma_start3A_650, %dma_start3A_651] : memref<320x8x128xi32, #tpu.memory_space<hbm>> -> memref<1x8x128xi32, #tpu.memory_space<hbm>>
        %dma_start3A_653 = tpu.memref_squeeze %dma_start3A_652 : memref<1x8x128xi32, #tpu.memory_space<hbm>> -> memref<8x128xi32, #tpu.memory_space<hbm>>
        %dma_start3A_654 = arith.constant 0 : i32
        %dma_start3A_655 = arith.constant 0 : i32
        %dma_start3A_656 = tpu.memref_slice %arg8[%run_scoped3A_348, %dma_start3A_654, %dma_start3A_655] : memref<2x8x128xi32, #tpu.memory_space<vmem>> -> memref<1x8x128xi32, #tpu.memory_space<vmem>>
        %dma_start3A_657 = tpu.memref_squeeze %dma_start3A_656 : memref<1x8x128xi32, #tpu.memory_space<vmem>> -> memref<8x128xi32, #tpu.memory_space<vmem>>
        %dma_start3A_658 = arith.constant 0 : i32
        %dma_start3A_659 = arith.constant 0 : i32
        %dma_start3A_660 = tpu.memref_slice %arg4[%add3A_347, %dma_start3A_658, %dma_start3A_659] : memref<320x8x128xi32, #tpu.memory_space<hbm>> -> memref<1x8x128xi32, #tpu.memory_space<hbm>>
        %dma_start3A_661 = tpu.memref_squeeze %dma_start3A_660 : memref<1x8x128xi32, #tpu.memory_space<hbm>> -> memref<8x128xi32, #tpu.memory_space<hbm>>
        tpu.enqueue_dma source(%dma_start3A_661 : memref<8x128xi32, #tpu.memory_space<hbm>>) target(%dma_start3A_657 : memref<8x128xi32, #tpu.memory_space<vmem>>) target_semaphore(%run_scoped3A_645 : memref<!tpu.dma_semaphore, #tpu.memory_space<semaphore_mem>>)
        %dma_wait3A_662 = arith.constant 0 : i32
        %dma_wait3A_663 = arith.constant 0 : i32
        %dma_wait3A_664 = tpu.memref_slice %arg8[%run_scoped3A_348, %dma_wait3A_662, %dma_wait3A_663] : memref<2x8x128xi32, #tpu.memory_space<vmem>> -> memref<1x8x128xi32, #tpu.memory_space<vmem>>
        %dma_wait3A_665 = tpu.memref_squeeze %dma_wait3A_664 : memref<1x8x128xi32, #tpu.memory_space<vmem>> -> memref<8x128xi32, #tpu.memory_space<vmem>>
        %dma_wait3A_666 = arith.constant 0 : i32
        %dma_wait3A_667 = arith.constant 0 : i32
        %dma_wait3A_668 = tpu.memref_slice %arg4[%add3A_347, %dma_wait3A_666, %dma_wait3A_667] : memref<320x8x128xi32, #tpu.memory_space<hbm>> -> memref<1x8x128xi32, #tpu.memory_space<hbm>>
        %dma_wait3A_669 = tpu.memref_squeeze %dma_wait3A_668 : memref<1x8x128xi32, #tpu.memory_space<hbm>> -> memref<8x128xi32, #tpu.memory_space<hbm>>
        %dma_wait3A_670 = arith.constant 0 : i32
        %dma_wait3A_671 = arith.constant 0 : i32
        %dma_wait3A_672 = tpu.memref_slice %arg8[%run_scoped3A_348, %dma_wait3A_670, %dma_wait3A_671] : memref<2x8x128xi32, #tpu.memory_space<vmem>> -> memref<1x8x128xi32, #tpu.memory_space<vmem>>
        %dma_wait3A_673 = tpu.memref_squeeze %dma_wait3A_672 : memref<1x8x128xi32, #tpu.memory_space<vmem>> -> memref<8x128xi32, #tpu.memory_space<vmem>>
        %dma_wait3A_674 = arith.constant 0 : i32
        %dma_wait3A_675 = arith.constant 0 : i32
        %dma_wait3A_676 = tpu.memref_slice %arg4[%add3A_347, %dma_wait3A_674, %dma_wait3A_675] : memref<320x8x128xi32, #tpu.memory_space<hbm>> -> memref<1x8x128xi32, #tpu.memory_space<hbm>>
        %dma_wait3A_677 = tpu.memref_squeeze %dma_wait3A_676 : memref<1x8x128xi32, #tpu.memory_space<hbm>> -> memref<8x128xi32, #tpu.memory_space<hbm>>
        tpu.wait_dma2 semaphore(%run_scoped3A_645 : memref<!tpu.dma_semaphore, #tpu.memory_space<semaphore_mem>>) src(%dma_wait3A_677 : memref<8x128xi32, #tpu.memory_space<hbm>>) dst(%dma_wait3A_673 : memref<8x128xi32, #tpu.memory_space<vmem>>)
        tpu.yield
      }) : () -> ()
      %dma_start3A_349 = arith.constant 0 : i32
      %dma_start3A_350 = arith.constant 1 : i32
      %dma_start3A_351 = arith.constant 0 : i32
      %dma_start3A_352 = tpu.memref_slice %arg7[%dma_start3A_349, %dma_start3A_350, %dma_start3A_351] : memref<2x8x128xi32, #tpu.memory_space<vmem>> -> memref<1x1x128xi32, #tpu.memory_space<vmem>>
      %dma_start3A_353 = tpu.memref_squeeze %dma_start3A_352 : memref<1x1x128xi32, #tpu.memory_space<vmem>> -> memref<128xi32, #tpu.memory_space<vmem>>
      %dma_start3A_354 = arith.constant 0 : i32
      %dma_start3A_355 = arith.constant 0 : i32
      %dma_start3A_356 = tpu.memref_slice %arg2[%dma_start3A_354, %dma_start3A_355] : memref<80000x128xf32, #tpu.memory_space<hbm>> -> memref<80000x128xf32, #tpu.memory_space<hbm>>
      tpu.enqueue_indirect_dma source(%dma_start3A_356 : memref<80000x128xf32, #tpu.memory_space<hbm>>) target(%arg10 : memref<128x128xf32, #tpu.memory_space<vmem>>) offsets(%dma_start3A_353 : memref<128xi32, #tpu.memory_space<vmem>>) semaphore(%arg12 : memref<!tpu.dma_semaphore, #tpu.memory_space<semaphore_mem>>)
      %dma_wait3A_357 = arith.constant 0 : i32
      %dma_wait3A_358 = arith.constant 0 : i32
      %dma_wait3A_359 = arith.constant 0 : i32
      %dma_wait3A_360 = tpu.memref_slice %arg7[%dma_wait3A_357, %dma_wait3A_358, %dma_wait3A_359] : memref<2x8x128xi32, #tpu.memory_space<vmem>> -> memref<1x1x128xi32, #tpu.memory_space<vmem>>
      %dma_wait3A_361 = tpu.memref_squeeze %dma_wait3A_360 : memref<1x1x128xi32, #tpu.memory_space<vmem>> -> memref<128xi32, #tpu.memory_space<vmem>>
      %dma_wait3A_362 = arith.constant 0 : i32
      %dma_wait3A_363 = arith.constant 0 : i32
      %dma_wait3A_364 = tpu.memref_slice %arg2[%dma_wait3A_362, %dma_wait3A_363] : memref<80000x128xf32, #tpu.memory_space<hbm>> -> memref<80000x128xf32, #tpu.memory_space<hbm>>
      tpu.wait_indirect_dma semaphore(%arg11 : memref<!tpu.dma_semaphore, #tpu.memory_space<semaphore_mem>>) src(%dma_wait3A_364 : memref<80000x128xf32, #tpu.memory_space<hbm>>) dst(%arg9 : memref<128x128xf32, #tpu.memory_space<vmem>>)
      %run_scoped3A_365 = arith.constant 0 : i32
      %run_scoped3A_366 = arith.constant 0 : i32
      "tpu.region"() ({
        %run_scoped3A_645 = tpu.sem_alloc : memref<!tpu.dma_semaphore, #tpu.memory_space<semaphore_mem>>
        %dma_start3A_646 = arith.constant 0 : i32
        %dma_start3A_647 = tpu.memref_slice %arg8[%run_scoped3A_365, %run_scoped3A_366, %dma_start3A_646] : memref<2x8x128xi32, #tpu.memory_space<vmem>> -> memref<1x1x128xi32, #tpu.memory_space<vmem>>
        %dma_start3A_648 = tpu.memref_squeeze %dma_start3A_647 : memref<1x1x128xi32, #tpu.memory_space<vmem>> -> memref<128xi32, #tpu.memory_space<vmem>>
        %dma_start3A_649 = arith.constant 0 : i32
        %dma_start3A_650 = arith.constant 0 : i32
        %dma_start3A_651 = tpu.memref_slice %arg6[%dma_start3A_649, %dma_start3A_650] : memref<10240x128xf32, #tpu.memory_space<vmem_shared>> -> memref<10240x128xf32, #tpu.memory_space<vmem_shared>>
        tpu.enqueue_indirect_dma source(%arg9 : memref<128x128xf32, #tpu.memory_space<vmem>>) target(%dma_start3A_651 : memref<10240x128xf32, #tpu.memory_space<vmem_shared>>) offsets(%dma_start3A_648 : memref<128xi32, #tpu.memory_space<vmem>>) semaphore(%run_scoped3A_645 : memref<!tpu.dma_semaphore, #tpu.memory_space<semaphore_mem>>) {add = true}
        %dma_wait3A_652 = arith.constant 0 : i32
        %dma_wait3A_653 = tpu.memref_slice %arg8[%run_scoped3A_365, %run_scoped3A_366, %dma_wait3A_652] : memref<2x8x128xi32, #tpu.memory_space<vmem>> -> memref<1x1x128xi32, #tpu.memory_space<vmem>>
        %dma_wait3A_654 = tpu.memref_squeeze %dma_wait3A_653 : memref<1x1x128xi32, #tpu.memory_space<vmem>> -> memref<128xi32, #tpu.memory_space<vmem>>
        %dma_wait3A_655 = arith.constant 0 : i32
        %dma_wait3A_656 = arith.constant 0 : i32
        %dma_wait3A_657 = tpu.memref_slice %arg6[%dma_wait3A_655, %dma_wait3A_656] : memref<10240x128xf32, #tpu.memory_space<vmem_shared>> -> memref<10240x128xf32, #tpu.memory_space<vmem_shared>>
        tpu.wait_indirect_dma semaphore(%run_scoped3A_645 : memref<!tpu.dma_semaphore, #tpu.memory_space<semaphore_mem>>) src(%arg9 : memref<128x128xf32, #tpu.memory_space<vmem>>) dst(%dma_wait3A_657 : memref<10240x128xf32, #tpu.memory_space<vmem_shared>>)
        tpu.yield
      }) : () -> ()
      %dma_start3A_367 = arith.constant 0 : i32
      %dma_start3A_368 = arith.constant 2 : i32
      %dma_start3A_369 = arith.constant 0 : i32
      %dma_start3A_370 = tpu.memref_slice %arg7[%dma_start3A_367, %dma_start3A_368, %dma_start3A_369] : memref<2x8x128xi32, #tpu.memory_space<vmem>> -> memref<1x1x128xi32, #tpu.memory_space<vmem>>
      %dma_start3A_371 = tpu.memref_squeeze %dma_start3A_370 : memref<1x1x128xi32, #tpu.memory_space<vmem>> -> memref<128xi32, #tpu.memory_space<vmem>>
      %dma_start3A_372 = arith.constant 0 : i32
      %dma_start3A_373 = arith.constant 0 : i32
      %dma_start3A_374 = tpu.memref_slice %arg2[%dma_start3A_372, %dma_start3A_373] : memref<80000x128xf32, #tpu.memory_space<hbm>> -> memref<80000x128xf32, #tpu.memory_space<hbm>>
      tpu.enqueue_indirect_dma source(%dma_start3A_374 : memref<80000x128xf32, #tpu.memory_space<hbm>>) target(%arg9 : memref<128x128xf32, #tpu.memory_space<vmem>>) offsets(%dma_start3A_371 : memref<128xi32, #tpu.memory_space<vmem>>) semaphore(%arg11 : memref<!tpu.dma_semaphore, #tpu.memory_space<semaphore_mem>>)
      %dma_wait3A_375 = arith.constant 0 : i32
      %dma_wait3A_376 = arith.constant 1 : i32
      %dma_wait3A_377 = arith.constant 0 : i32
      %dma_wait3A_378 = tpu.memref_slice %arg7[%dma_wait3A_375, %dma_wait3A_376, %dma_wait3A_377] : memref<2x8x128xi32, #tpu.memory_space<vmem>> -> memref<1x1x128xi32, #tpu.memory_space<vmem>>
      %dma_wait3A_379 = tpu.memref_squeeze %dma_wait3A_378 : memref<1x1x128xi32, #tpu.memory_space<vmem>> -> memref<128xi32, #tpu.memory_space<vmem>>
      %dma_wait3A_380 = arith.constant 0 : i32
      %dma_wait3A_381 = arith.constant 0 : i32
      %dma_wait3A_382 = tpu.memref_slice %arg2[%dma_wait3A_380, %dma_wait3A_381] : memref<80000x128xf32, #tpu.memory_space<hbm>> -> memref<80000x128xf32, #tpu.memory_space<hbm>>
      tpu.wait_indirect_dma semaphore(%arg12 : memref<!tpu.dma_semaphore, #tpu.memory_space<semaphore_mem>>) src(%dma_wait3A_382 : memref<80000x128xf32, #tpu.memory_space<hbm>>) dst(%arg10 : memref<128x128xf32, #tpu.memory_space<vmem>>)
      %run_scoped3A_383 = arith.constant 0 : i32
      %run_scoped3A_384 = arith.constant 1 : i32
      "tpu.region"() ({
        %run_scoped3A_645 = tpu.sem_alloc : memref<!tpu.dma_semaphore, #tpu.memory_space<semaphore_mem>>
        %dma_start3A_646 = arith.constant 0 : i32
        %dma_start3A_647 = tpu.memref_slice %arg8[%run_scoped3A_383, %run_scoped3A_384, %dma_start3A_646] : memref<2x8x128xi32, #tpu.memory_space<vmem>> -> memref<1x1x128xi32, #tpu.memory_space<vmem>>
        %dma_start3A_648 = tpu.memref_squeeze %dma_start3A_647 : memref<1x1x128xi32, #tpu.memory_space<vmem>> -> memref<128xi32, #tpu.memory_space<vmem>>
        %dma_start3A_649 = arith.constant 0 : i32
        %dma_start3A_650 = arith.constant 0 : i32
        %dma_start3A_651 = tpu.memref_slice %arg6[%dma_start3A_649, %dma_start3A_650] : memref<10240x128xf32, #tpu.memory_space<vmem_shared>> -> memref<10240x128xf32, #tpu.memory_space<vmem_shared>>
        tpu.enqueue_indirect_dma source(%arg10 : memref<128x128xf32, #tpu.memory_space<vmem>>) target(%dma_start3A_651 : memref<10240x128xf32, #tpu.memory_space<vmem_shared>>) offsets(%dma_start3A_648 : memref<128xi32, #tpu.memory_space<vmem>>) semaphore(%run_scoped3A_645 : memref<!tpu.dma_semaphore, #tpu.memory_space<semaphore_mem>>) {add = true}
        %dma_wait3A_652 = arith.constant 0 : i32
        %dma_wait3A_653 = tpu.memref_slice %arg8[%run_scoped3A_383, %run_scoped3A_384, %dma_wait3A_652] : memref<2x8x128xi32, #tpu.memory_space<vmem>> -> memref<1x1x128xi32, #tpu.memory_space<vmem>>
        %dma_wait3A_654 = tpu.memref_squeeze %dma_wait3A_653 : memref<1x1x128xi32, #tpu.memory_space<vmem>> -> memref<128xi32, #tpu.memory_space<vmem>>
        %dma_wait3A_655 = arith.constant 0 : i32
        %dma_wait3A_656 = arith.constant 0 : i32
        %dma_wait3A_657 = tpu.memref_slice %arg6[%dma_wait3A_655, %dma_wait3A_656] : memref<10240x128xf32, #tpu.memory_space<vmem_shared>> -> memref<10240x128xf32, #tpu.memory_space<vmem_shared>>
        tpu.wait_indirect_dma semaphore(%run_scoped3A_645 : memref<!tpu.dma_semaphore, #tpu.memory_space<semaphore_mem>>) src(%arg10 : memref<128x128xf32, #tpu.memory_space<vmem>>) dst(%dma_wait3A_657 : memref<10240x128xf32, #tpu.memory_space<vmem_shared>>)
        tpu.yield
      }) : () -> ()
      %dma_start3A_385 = arith.constant 0 : i32
      %dma_start3A_386 = arith.constant 3 : i32
      %dma_start3A_387 = arith.constant 0 : i32
      %dma_start3A_388 = tpu.memref_slice %arg7[%dma_start3A_385, %dma_start3A_386, %dma_start3A_387] : memref<2x8x128xi32, #tpu.memory_space<vmem>> -> memref<1x1x128xi32, #tpu.memory_space<vmem>>
      %dma_start3A_389 = tpu.memref_squeeze %dma_start3A_388 : memref<1x1x128xi32, #tpu.memory_space<vmem>> -> memref<128xi32, #tpu.memory_space<vmem>>
      %dma_start3A_390 = arith.constant 0 : i32
      %dma_start3A_391 = arith.constant 0 : i32
      %dma_start3A_392 = tpu.memref_slice %arg2[%dma_start3A_390, %dma_start3A_391] : memref<80000x128xf32, #tpu.memory_space<hbm>> -> memref<80000x128xf32, #tpu.memory_space<hbm>>
      tpu.enqueue_indirect_dma source(%dma_start3A_392 : memref<80000x128xf32, #tpu.memory_space<hbm>>) target(%arg10 : memref<128x128xf32, #tpu.memory_space<vmem>>) offsets(%dma_start3A_389 : memref<128xi32, #tpu.memory_space<vmem>>) semaphore(%arg12 : memref<!tpu.dma_semaphore, #tpu.memory_space<semaphore_mem>>)
      %dma_wait3A_393 = arith.constant 0 : i32
      %dma_wait3A_394 = arith.constant 2 : i32
      %dma_wait3A_395 = arith.constant 0 : i32
      %dma_wait3A_396 = tpu.memref_slice %arg7[%dma_wait3A_393, %dma_wait3A_394, %dma_wait3A_395] : memref<2x8x128xi32, #tpu.memory_space<vmem>> -> memref<1x1x128xi32, #tpu.memory_space<vmem>>
      %dma_wait3A_397 = tpu.memref_squeeze %dma_wait3A_396 : memref<1x1x128xi32, #tpu.memory_space<vmem>> -> memref<128xi32, #tpu.memory_space<vmem>>
      %dma_wait3A_398 = arith.constant 0 : i32
      %dma_wait3A_399 = arith.constant 0 : i32
      %dma_wait3A_400 = tpu.memref_slice %arg2[%dma_wait3A_398, %dma_wait3A_399] : memref<80000x128xf32, #tpu.memory_space<hbm>> -> memref<80000x128xf32, #tpu.memory_space<hbm>>
      tpu.wait_indirect_dma semaphore(%arg11 : memref<!tpu.dma_semaphore, #tpu.memory_space<semaphore_mem>>) src(%dma_wait3A_400 : memref<80000x128xf32, #tpu.memory_space<hbm>>) dst(%arg9 : memref<128x128xf32, #tpu.memory_space<vmem>>)
      %run_scoped3A_401 = arith.constant 0 : i32
      %run_scoped3A_402 = arith.constant 2 : i32
      "tpu.region"() ({
        %run_scoped3A_645 = tpu.sem_alloc : memref<!tpu.dma_semaphore, #tpu.memory_space<semaphore_mem>>
        %dma_start3A_646 = arith.constant 0 : i32
        %dma_start3A_647 = tpu.memref_slice %arg8[%run_scoped3A_401, %run_scoped3A_402, %dma_start3A_646] : memref<2x8x128xi32, #tpu.memory_space<vmem>> -> memref<1x1x128xi32, #tpu.memory_space<vmem>>
        %dma_start3A_648 = tpu.memref_squeeze %dma_start3A_647 : memref<1x1x128xi32, #tpu.memory_space<vmem>> -> memref<128xi32, #tpu.memory_space<vmem>>
        %dma_start3A_649 = arith.constant 0 : i32
        %dma_start3A_650 = arith.constant 0 : i32
        %dma_start3A_651 = tpu.memref_slice %arg6[%dma_start3A_649, %dma_start3A_650] : memref<10240x128xf32, #tpu.memory_space<vmem_shared>> -> memref<10240x128xf32, #tpu.memory_space<vmem_shared>>
        tpu.enqueue_indirect_dma source(%arg9 : memref<128x128xf32, #tpu.memory_space<vmem>>) target(%dma_start3A_651 : memref<10240x128xf32, #tpu.memory_space<vmem_shared>>) offsets(%dma_start3A_648 : memref<128xi32, #tpu.memory_space<vmem>>) semaphore(%run_scoped3A_645 : memref<!tpu.dma_semaphore, #tpu.memory_space<semaphore_mem>>) {add = true}
        %dma_wait3A_652 = arith.constant 0 : i32
        %dma_wait3A_653 = tpu.memref_slice %arg8[%run_scoped3A_401, %run_scoped3A_402, %dma_wait3A_652] : memref<2x8x128xi32, #tpu.memory_space<vmem>> -> memref<1x1x128xi32, #tpu.memory_space<vmem>>
        %dma_wait3A_654 = tpu.memref_squeeze %dma_wait3A_653 : memref<1x1x128xi32, #tpu.memory_space<vmem>> -> memref<128xi32, #tpu.memory_space<vmem>>
        %dma_wait3A_655 = arith.constant 0 : i32
        %dma_wait3A_656 = arith.constant 0 : i32
        %dma_wait3A_657 = tpu.memref_slice %arg6[%dma_wait3A_655, %dma_wait3A_656] : memref<10240x128xf32, #tpu.memory_space<vmem_shared>> -> memref<10240x128xf32, #tpu.memory_space<vmem_shared>>
        tpu.wait_indirect_dma semaphore(%run_scoped3A_645 : memref<!tpu.dma_semaphore, #tpu.memory_space<semaphore_mem>>) src(%arg9 : memref<128x128xf32, #tpu.memory_space<vmem>>) dst(%dma_wait3A_657 : memref<10240x128xf32, #tpu.memory_space<vmem_shared>>)
        tpu.yield
      }) : () -> ()
      %dma_start3A_403 = arith.constant 0 : i32
      %dma_start3A_404 = arith.constant 4 : i32
      %dma_start3A_405 = arith.constant 0 : i32
      %dma_start3A_406 = tpu.memref_slice %arg7[%dma_start3A_403, %dma_start3A_404, %dma_start3A_405] : memref<2x8x128xi32, #tpu.memory_space<vmem>> -> memref<1x1x128xi32, #tpu.memory_space<vmem>>
      %dma_start3A_407 = tpu.memref_squeeze %dma_start3A_406 : memref<1x1x128xi32, #tpu.memory_space<vmem>> -> memref<128xi32, #tpu.memory_space<vmem>>
      %dma_start3A_408 = arith.constant 0 : i32
      %dma_start3A_409 = arith.constant 0 : i32
      %dma_start3A_410 = tpu.memref_slice %arg2[%dma_start3A_408, %dma_start3A_409] : memref<80000x128xf32, #tpu.memory_space<hbm>> -> memref<80000x128xf32, #tpu.memory_space<hbm>>
      tpu.enqueue_indirect_dma source(%dma_start3A_410 : memref<80000x128xf32, #tpu.memory_space<hbm>>) target(%arg9 : memref<128x128xf32, #tpu.memory_space<vmem>>) offsets(%dma_start3A_407 : memref<128xi32, #tpu.memory_space<vmem>>) semaphore(%arg11 : memref<!tpu.dma_semaphore, #tpu.memory_space<semaphore_mem>>)
      %dma_wait3A_411 = arith.constant 0 : i32
      %dma_wait3A_412 = arith.constant 3 : i32
      %dma_wait3A_413 = arith.constant 0 : i32
      %dma_wait3A_414 = tpu.memref_slice %arg7[%dma_wait3A_411, %dma_wait3A_412, %dma_wait3A_413] : memref<2x8x128xi32, #tpu.memory_space<vmem>> -> memref<1x1x128xi32, #tpu.memory_space<vmem>>
      %dma_wait3A_415 = tpu.memref_squeeze %dma_wait3A_414 : memref<1x1x128xi32, #tpu.memory_space<vmem>> -> memref<128xi32, #tpu.memory_space<vmem>>
      %dma_wait3A_416 = arith.constant 0 : i32
      %dma_wait3A_417 = arith.constant 0 : i32
      %dma_wait3A_418 = tpu.memref_slice %arg2[%dma_wait3A_416, %dma_wait3A_417] : memref<80000x128xf32, #tpu.memory_space<hbm>> -> memref<80000x128xf32, #tpu.memory_space<hbm>>
      tpu.wait_indirect_dma semaphore(%arg12 : memref<!tpu.dma_semaphore, #tpu.memory_space<semaphore_mem>>) src(%dma_wait3A_418 : memref<80000x128xf32, #tpu.memory_space<hbm>>) dst(%arg10 : memref<128x128xf32, #tpu.memory_space<vmem>>)
      %run_scoped3A_419 = arith.constant 0 : i32
      %run_scoped3A_420 = arith.constant 3 : i32
      "tpu.region"() ({
        %run_scoped3A_645 = tpu.sem_alloc : memref<!tpu.dma_semaphore, #tpu.memory_space<semaphore_mem>>
        %dma_start3A_646 = arith.constant 0 : i32
        %dma_start3A_647 = tpu.memref_slice %arg8[%run_scoped3A_419, %run_scoped3A_420, %dma_start3A_646] : memref<2x8x128xi32, #tpu.memory_space<vmem>> -> memref<1x1x128xi32, #tpu.memory_space<vmem>>
        %dma_start3A_648 = tpu.memref_squeeze %dma_start3A_647 : memref<1x1x128xi32, #tpu.memory_space<vmem>> -> memref<128xi32, #tpu.memory_space<vmem>>
        %dma_start3A_649 = arith.constant 0 : i32
        %dma_start3A_650 = arith.constant 0 : i32
        %dma_start3A_651 = tpu.memref_slice %arg6[%dma_start3A_649, %dma_start3A_650] : memref<10240x128xf32, #tpu.memory_space<vmem_shared>> -> memref<10240x128xf32, #tpu.memory_space<vmem_shared>>
        tpu.enqueue_indirect_dma source(%arg10 : memref<128x128xf32, #tpu.memory_space<vmem>>) target(%dma_start3A_651 : memref<10240x128xf32, #tpu.memory_space<vmem_shared>>) offsets(%dma_start3A_648 : memref<128xi32, #tpu.memory_space<vmem>>) semaphore(%run_scoped3A_645 : memref<!tpu.dma_semaphore, #tpu.memory_space<semaphore_mem>>) {add = true}
        %dma_wait3A_652 = arith.constant 0 : i32
        %dma_wait3A_653 = tpu.memref_slice %arg8[%run_scoped3A_419, %run_scoped3A_420, %dma_wait3A_652] : memref<2x8x128xi32, #tpu.memory_space<vmem>> -> memref<1x1x128xi32, #tpu.memory_space<vmem>>
        %dma_wait3A_654 = tpu.memref_squeeze %dma_wait3A_653 : memref<1x1x128xi32, #tpu.memory_space<vmem>> -> memref<128xi32, #tpu.memory_space<vmem>>
        %dma_wait3A_655 = arith.constant 0 : i32
        %dma_wait3A_656 = arith.constant 0 : i32
        %dma_wait3A_657 = tpu.memref_slice %arg6[%dma_wait3A_655, %dma_wait3A_656] : memref<10240x128xf32, #tpu.memory_space<vmem_shared>> -> memref<10240x128xf32, #tpu.memory_space<vmem_shared>>
        tpu.wait_indirect_dma semaphore(%run_scoped3A_645 : memref<!tpu.dma_semaphore, #tpu.memory_space<semaphore_mem>>) src(%arg10 : memref<128x128xf32, #tpu.memory_space<vmem>>) dst(%dma_wait3A_657 : memref<10240x128xf32, #tpu.memory_space<vmem_shared>>)
        tpu.yield
      }) : () -> ()
      %dma_start3A_421 = arith.constant 0 : i32
      %dma_start3A_422 = arith.constant 5 : i32
      %dma_start3A_423 = arith.constant 0 : i32
      %dma_start3A_424 = tpu.memref_slice %arg7[%dma_start3A_421, %dma_start3A_422, %dma_start3A_423] : memref<2x8x128xi32, #tpu.memory_space<vmem>> -> memref<1x1x128xi32, #tpu.memory_space<vmem>>
      %dma_start3A_425 = tpu.memref_squeeze %dma_start3A_424 : memref<1x1x128xi32, #tpu.memory_space<vmem>> -> memref<128xi32, #tpu.memory_space<vmem>>
      %dma_start3A_426 = arith.constant 0 : i32
      %dma_start3A_427 = arith.constant 0 : i32
      %dma_start3A_428 = tpu.memref_slice %arg2[%dma_start3A_426, %dma_start3A_427] : memref<80000x128xf32, #tpu.memory_space<hbm>> -> memref<80000x128xf32, #tpu.memory_space<hbm>>
      tpu.enqueue_indirect_dma source(%dma_start3A_428 : memref<80000x128xf32, #tpu.memory_space<hbm>>) target(%arg10 : memref<128x128xf32, #tpu.memory_space<vmem>>) offsets(%dma_start3A_425 : memref<128xi32, #tpu.memory_space<vmem>>) semaphore(%arg12 : memref<!tpu.dma_semaphore, #tpu.memory_space<semaphore_mem>>)
      %dma_wait3A_429 = arith.constant 0 : i32
      %dma_wait3A_430 = arith.constant 4 : i32
      %dma_wait3A_431 = arith.constant 0 : i32
      %dma_wait3A_432 = tpu.memref_slice %arg7[%dma_wait3A_429, %dma_wait3A_430, %dma_wait3A_431] : memref<2x8x128xi32, #tpu.memory_space<vmem>> -> memref<1x1x128xi32, #tpu.memory_space<vmem>>
      %dma_wait3A_433 = tpu.memref_squeeze %dma_wait3A_432 : memref<1x1x128xi32, #tpu.memory_space<vmem>> -> memref<128xi32, #tpu.memory_space<vmem>>
      %dma_wait3A_434 = arith.constant 0 : i32
      %dma_wait3A_435 = arith.constant 0 : i32
      %dma_wait3A_436 = tpu.memref_slice %arg2[%dma_wait3A_434, %dma_wait3A_435] : memref<80000x128xf32, #tpu.memory_space<hbm>> -> memref<80000x128xf32, #tpu.memory_space<hbm>>
      tpu.wait_indirect_dma semaphore(%arg11 : memref<!tpu.dma_semaphore, #tpu.memory_space<semaphore_mem>>) src(%dma_wait3A_436 : memref<80000x128xf32, #tpu.memory_space<hbm>>) dst(%arg9 : memref<128x128xf32, #tpu.memory_space<vmem>>)
      %run_scoped3A_437 = arith.constant 0 : i32
      %run_scoped3A_438 = arith.constant 4 : i32
      "tpu.region"() ({
        %run_scoped3A_645 = tpu.sem_alloc : memref<!tpu.dma_semaphore, #tpu.memory_space<semaphore_mem>>
        %dma_start3A_646 = arith.constant 0 : i32
        %dma_start3A_647 = tpu.memref_slice %arg8[%run_scoped3A_437, %run_scoped3A_438, %dma_start3A_646] : memref<2x8x128xi32, #tpu.memory_space<vmem>> -> memref<1x1x128xi32, #tpu.memory_space<vmem>>
        %dma_start3A_648 = tpu.memref_squeeze %dma_start3A_647 : memref<1x1x128xi32, #tpu.memory_space<vmem>> -> memref<128xi32, #tpu.memory_space<vmem>>
        %dma_start3A_649 = arith.constant 0 : i32
        %dma_start3A_650 = arith.constant 0 : i32
        %dma_start3A_651 = tpu.memref_slice %arg6[%dma_start3A_649, %dma_start3A_650] : memref<10240x128xf32, #tpu.memory_space<vmem_shared>> -> memref<10240x128xf32, #tpu.memory_space<vmem_shared>>
        tpu.enqueue_indirect_dma source(%arg9 : memref<128x128xf32, #tpu.memory_space<vmem>>) target(%dma_start3A_651 : memref<10240x128xf32, #tpu.memory_space<vmem_shared>>) offsets(%dma_start3A_648 : memref<128xi32, #tpu.memory_space<vmem>>) semaphore(%run_scoped3A_645 : memref<!tpu.dma_semaphore, #tpu.memory_space<semaphore_mem>>) {add = true}
        %dma_wait3A_652 = arith.constant 0 : i32
        %dma_wait3A_653 = tpu.memref_slice %arg8[%run_scoped3A_437, %run_scoped3A_438, %dma_wait3A_652] : memref<2x8x128xi32, #tpu.memory_space<vmem>> -> memref<1x1x128xi32, #tpu.memory_space<vmem>>
        %dma_wait3A_654 = tpu.memref_squeeze %dma_wait3A_653 : memref<1x1x128xi32, #tpu.memory_space<vmem>> -> memref<128xi32, #tpu.memory_space<vmem>>
        %dma_wait3A_655 = arith.constant 0 : i32
        %dma_wait3A_656 = arith.constant 0 : i32
        %dma_wait3A_657 = tpu.memref_slice %arg6[%dma_wait3A_655, %dma_wait3A_656] : memref<10240x128xf32, #tpu.memory_space<vmem_shared>> -> memref<10240x128xf32, #tpu.memory_space<vmem_shared>>
        tpu.wait_indirect_dma semaphore(%run_scoped3A_645 : memref<!tpu.dma_semaphore, #tpu.memory_space<semaphore_mem>>) src(%arg9 : memref<128x128xf32, #tpu.memory_space<vmem>>) dst(%dma_wait3A_657 : memref<10240x128xf32, #tpu.memory_space<vmem_shared>>)
        tpu.yield
      }) : () -> ()
      %dma_start3A_439 = arith.constant 0 : i32
      %dma_start3A_440 = arith.constant 6 : i32
      %dma_start3A_441 = arith.constant 0 : i32
      %dma_start3A_442 = tpu.memref_slice %arg7[%dma_start3A_439, %dma_start3A_440, %dma_start3A_441] : memref<2x8x128xi32, #tpu.memory_space<vmem>> -> memref<1x1x128xi32, #tpu.memory_space<vmem>>
      %dma_start3A_443 = tpu.memref_squeeze %dma_start3A_442 : memref<1x1x128xi32, #tpu.memory_space<vmem>> -> memref<128xi32, #tpu.memory_space<vmem>>
      %dma_start3A_444 = arith.constant 0 : i32
      %dma_start3A_445 = arith.constant 0 : i32
      %dma_start3A_446 = tpu.memref_slice %arg2[%dma_start3A_444, %dma_start3A_445] : memref<80000x128xf32, #tpu.memory_space<hbm>> -> memref<80000x128xf32, #tpu.memory_space<hbm>>
      tpu.enqueue_indirect_dma source(%dma_start3A_446 : memref<80000x128xf32, #tpu.memory_space<hbm>>) target(%arg9 : memref<128x128xf32, #tpu.memory_space<vmem>>) offsets(%dma_start3A_443 : memref<128xi32, #tpu.memory_space<vmem>>) semaphore(%arg11 : memref<!tpu.dma_semaphore, #tpu.memory_space<semaphore_mem>>)
      %dma_wait3A_447 = arith.constant 0 : i32
      %dma_wait3A_448 = arith.constant 5 : i32
      %dma_wait3A_449 = arith.constant 0 : i32
      %dma_wait3A_450 = tpu.memref_slice %arg7[%dma_wait3A_447, %dma_wait3A_448, %dma_wait3A_449] : memref<2x8x128xi32, #tpu.memory_space<vmem>> -> memref<1x1x128xi32, #tpu.memory_space<vmem>>
      %dma_wait3A_451 = tpu.memref_squeeze %dma_wait3A_450 : memref<1x1x128xi32, #tpu.memory_space<vmem>> -> memref<128xi32, #tpu.memory_space<vmem>>
      %dma_wait3A_452 = arith.constant 0 : i32
      %dma_wait3A_453 = arith.constant 0 : i32
      %dma_wait3A_454 = tpu.memref_slice %arg2[%dma_wait3A_452, %dma_wait3A_453] : memref<80000x128xf32, #tpu.memory_space<hbm>> -> memref<80000x128xf32, #tpu.memory_space<hbm>>
      tpu.wait_indirect_dma semaphore(%arg12 : memref<!tpu.dma_semaphore, #tpu.memory_space<semaphore_mem>>) src(%dma_wait3A_454 : memref<80000x128xf32, #tpu.memory_space<hbm>>) dst(%arg10 : memref<128x128xf32, #tpu.memory_space<vmem>>)
      %run_scoped3A_455 = arith.constant 0 : i32
      %run_scoped3A_456 = arith.constant 5 : i32
      "tpu.region"() ({
        %run_scoped3A_645 = tpu.sem_alloc : memref<!tpu.dma_semaphore, #tpu.memory_space<semaphore_mem>>
        %dma_start3A_646 = arith.constant 0 : i32
        %dma_start3A_647 = tpu.memref_slice %arg8[%run_scoped3A_455, %run_scoped3A_456, %dma_start3A_646] : memref<2x8x128xi32, #tpu.memory_space<vmem>> -> memref<1x1x128xi32, #tpu.memory_space<vmem>>
        %dma_start3A_648 = tpu.memref_squeeze %dma_start3A_647 : memref<1x1x128xi32, #tpu.memory_space<vmem>> -> memref<128xi32, #tpu.memory_space<vmem>>
        %dma_start3A_649 = arith.constant 0 : i32
        %dma_start3A_650 = arith.constant 0 : i32
        %dma_start3A_651 = tpu.memref_slice %arg6[%dma_start3A_649, %dma_start3A_650] : memref<10240x128xf32, #tpu.memory_space<vmem_shared>> -> memref<10240x128xf32, #tpu.memory_space<vmem_shared>>
        tpu.enqueue_indirect_dma source(%arg10 : memref<128x128xf32, #tpu.memory_space<vmem>>) target(%dma_start3A_651 : memref<10240x128xf32, #tpu.memory_space<vmem_shared>>) offsets(%dma_start3A_648 : memref<128xi32, #tpu.memory_space<vmem>>) semaphore(%run_scoped3A_645 : memref<!tpu.dma_semaphore, #tpu.memory_space<semaphore_mem>>) {add = true}
        %dma_wait3A_652 = arith.constant 0 : i32
        %dma_wait3A_653 = tpu.memref_slice %arg8[%run_scoped3A_455, %run_scoped3A_456, %dma_wait3A_652] : memref<2x8x128xi32, #tpu.memory_space<vmem>> -> memref<1x1x128xi32, #tpu.memory_space<vmem>>
        %dma_wait3A_654 = tpu.memref_squeeze %dma_wait3A_653 : memref<1x1x128xi32, #tpu.memory_space<vmem>> -> memref<128xi32, #tpu.memory_space<vmem>>
        %dma_wait3A_655 = arith.constant 0 : i32
        %dma_wait3A_656 = arith.constant 0 : i32
        %dma_wait3A_657 = tpu.memref_slice %arg6[%dma_wait3A_655, %dma_wait3A_656] : memref<10240x128xf32, #tpu.memory_space<vmem_shared>> -> memref<10240x128xf32, #tpu.memory_space<vmem_shared>>
        tpu.wait_indirect_dma semaphore(%run_scoped3A_645 : memref<!tpu.dma_semaphore, #tpu.memory_space<semaphore_mem>>) src(%arg10 : memref<128x128xf32, #tpu.memory_space<vmem>>) dst(%dma_wait3A_657 : memref<10240x128xf32, #tpu.memory_space<vmem_shared>>)
        tpu.yield
      }) : () -> ()
      %dma_start3A_457 = arith.constant 0 : i32
      %dma_start3A_458 = arith.constant 7 : i32
      %dma_start3A_459 = arith.constant 0 : i32
      %dma_start3A_460 = tpu.memref_slice %arg7[%dma_start3A_457, %dma_start3A_458, %dma_start3A_459] : memref<2x8x128xi32, #tpu.memory_space<vmem>> -> memref<1x1x128xi32, #tpu.memory_space<vmem>>
      %dma_start3A_461 = tpu.memref_squeeze %dma_start3A_460 : memref<1x1x128xi32, #tpu.memory_space<vmem>> -> memref<128xi32, #tpu.memory_space<vmem>>
      %dma_start3A_462 = arith.constant 0 : i32
      %dma_start3A_463 = arith.constant 0 : i32
      %dma_start3A_464 = tpu.memref_slice %arg2[%dma_start3A_462, %dma_start3A_463] : memref<80000x128xf32, #tpu.memory_space<hbm>> -> memref<80000x128xf32, #tpu.memory_space<hbm>>
      tpu.enqueue_indirect_dma source(%dma_start3A_464 : memref<80000x128xf32, #tpu.memory_space<hbm>>) target(%arg10 : memref<128x128xf32, #tpu.memory_space<vmem>>) offsets(%dma_start3A_461 : memref<128xi32, #tpu.memory_space<vmem>>) semaphore(%arg12 : memref<!tpu.dma_semaphore, #tpu.memory_space<semaphore_mem>>)
      %dma_wait3A_465 = arith.constant 0 : i32
      %dma_wait3A_466 = arith.constant 6 : i32
      %dma_wait3A_467 = arith.constant 0 : i32
      %dma_wait3A_468 = tpu.memref_slice %arg7[%dma_wait3A_465, %dma_wait3A_466, %dma_wait3A_467] : memref<2x8x128xi32, #tpu.memory_space<vmem>> -> memref<1x1x128xi32, #tpu.memory_space<vmem>>
      %dma_wait3A_469 = tpu.memref_squeeze %dma_wait3A_468 : memref<1x1x128xi32, #tpu.memory_space<vmem>> -> memref<128xi32, #tpu.memory_space<vmem>>
      %dma_wait3A_470 = arith.constant 0 : i32
      %dma_wait3A_471 = arith.constant 0 : i32
      %dma_wait3A_472 = tpu.memref_slice %arg2[%dma_wait3A_470, %dma_wait3A_471] : memref<80000x128xf32, #tpu.memory_space<hbm>> -> memref<80000x128xf32, #tpu.memory_space<hbm>>
      tpu.wait_indirect_dma semaphore(%arg11 : memref<!tpu.dma_semaphore, #tpu.memory_space<semaphore_mem>>) src(%dma_wait3A_472 : memref<80000x128xf32, #tpu.memory_space<hbm>>) dst(%arg9 : memref<128x128xf32, #tpu.memory_space<vmem>>)
      %run_scoped3A_473 = arith.constant 0 : i32
      %run_scoped3A_474 = arith.constant 6 : i32
      "tpu.region"() ({
        %run_scoped3A_645 = tpu.sem_alloc : memref<!tpu.dma_semaphore, #tpu.memory_space<semaphore_mem>>
        %dma_start3A_646 = arith.constant 0 : i32
        %dma_start3A_647 = tpu.memref_slice %arg8[%run_scoped3A_473, %run_scoped3A_474, %dma_start3A_646] : memref<2x8x128xi32, #tpu.memory_space<vmem>> -> memref<1x1x128xi32, #tpu.memory_space<vmem>>
        %dma_start3A_648 = tpu.memref_squeeze %dma_start3A_647 : memref<1x1x128xi32, #tpu.memory_space<vmem>> -> memref<128xi32, #tpu.memory_space<vmem>>
        %dma_start3A_649 = arith.constant 0 : i32
        %dma_start3A_650 = arith.constant 0 : i32
        %dma_start3A_651 = tpu.memref_slice %arg6[%dma_start3A_649, %dma_start3A_650] : memref<10240x128xf32, #tpu.memory_space<vmem_shared>> -> memref<10240x128xf32, #tpu.memory_space<vmem_shared>>
        tpu.enqueue_indirect_dma source(%arg9 : memref<128x128xf32, #tpu.memory_space<vmem>>) target(%dma_start3A_651 : memref<10240x128xf32, #tpu.memory_space<vmem_shared>>) offsets(%dma_start3A_648 : memref<128xi32, #tpu.memory_space<vmem>>) semaphore(%run_scoped3A_645 : memref<!tpu.dma_semaphore, #tpu.memory_space<semaphore_mem>>) {add = true}
        %dma_wait3A_652 = arith.constant 0 : i32
        %dma_wait3A_653 = tpu.memref_slice %arg8[%run_scoped3A_473, %run_scoped3A_474, %dma_wait3A_652] : memref<2x8x128xi32, #tpu.memory_space<vmem>> -> memref<1x1x128xi32, #tpu.memory_space<vmem>>
        %dma_wait3A_654 = tpu.memref_squeeze %dma_wait3A_653 : memref<1x1x128xi32, #tpu.memory_space<vmem>> -> memref<128xi32, #tpu.memory_space<vmem>>
        %dma_wait3A_655 = arith.constant 0 : i32
        %dma_wait3A_656 = arith.constant 0 : i32
        %dma_wait3A_657 = tpu.memref_slice %arg6[%dma_wait3A_655, %dma_wait3A_656] : memref<10240x128xf32, #tpu.memory_space<vmem_shared>> -> memref<10240x128xf32, #tpu.memory_space<vmem_shared>>
        tpu.wait_indirect_dma semaphore(%run_scoped3A_645 : memref<!tpu.dma_semaphore, #tpu.memory_space<semaphore_mem>>) src(%arg9 : memref<128x128xf32, #tpu.memory_space<vmem>>) dst(%dma_wait3A_657 : memref<10240x128xf32, #tpu.memory_space<vmem_shared>>)
        tpu.yield
      }) : () -> ()
      %dma_start3A_475 = arith.constant 1 : i32
      %dma_start3A_476 = arith.constant 0 : i32
      %dma_start3A_477 = arith.constant 0 : i32
      %dma_start3A_478 = tpu.memref_slice %arg7[%dma_start3A_475, %dma_start3A_476, %dma_start3A_477] : memref<2x8x128xi32, #tpu.memory_space<vmem>> -> memref<1x1x128xi32, #tpu.memory_space<vmem>>
      %dma_start3A_479 = tpu.memref_squeeze %dma_start3A_478 : memref<1x1x128xi32, #tpu.memory_space<vmem>> -> memref<128xi32, #tpu.memory_space<vmem>>
      %dma_start3A_480 = arith.constant 0 : i32
      %dma_start3A_481 = arith.constant 0 : i32
      %dma_start3A_482 = tpu.memref_slice %arg2[%dma_start3A_480, %dma_start3A_481] : memref<80000x128xf32, #tpu.memory_space<hbm>> -> memref<80000x128xf32, #tpu.memory_space<hbm>>
      tpu.enqueue_indirect_dma source(%dma_start3A_482 : memref<80000x128xf32, #tpu.memory_space<hbm>>) target(%arg9 : memref<128x128xf32, #tpu.memory_space<vmem>>) offsets(%dma_start3A_479 : memref<128xi32, #tpu.memory_space<vmem>>) semaphore(%arg11 : memref<!tpu.dma_semaphore, #tpu.memory_space<semaphore_mem>>)
      %dma_wait3A_483 = arith.constant 0 : i32
      %dma_wait3A_484 = arith.constant 7 : i32
      %dma_wait3A_485 = arith.constant 0 : i32
      %dma_wait3A_486 = tpu.memref_slice %arg7[%dma_wait3A_483, %dma_wait3A_484, %dma_wait3A_485] : memref<2x8x128xi32, #tpu.memory_space<vmem>> -> memref<1x1x128xi32, #tpu.memory_space<vmem>>
      %dma_wait3A_487 = tpu.memref_squeeze %dma_wait3A_486 : memref<1x1x128xi32, #tpu.memory_space<vmem>> -> memref<128xi32, #tpu.memory_space<vmem>>
      %dma_wait3A_488 = arith.constant 0 : i32
      %dma_wait3A_489 = arith.constant 0 : i32
      %dma_wait3A_490 = tpu.memref_slice %arg2[%dma_wait3A_488, %dma_wait3A_489] : memref<80000x128xf32, #tpu.memory_space<hbm>> -> memref<80000x128xf32, #tpu.memory_space<hbm>>
      tpu.wait_indirect_dma semaphore(%arg12 : memref<!tpu.dma_semaphore, #tpu.memory_space<semaphore_mem>>) src(%dma_wait3A_490 : memref<80000x128xf32, #tpu.memory_space<hbm>>) dst(%arg10 : memref<128x128xf32, #tpu.memory_space<vmem>>)
      %run_scoped3A_491 = arith.constant 0 : i32
      %run_scoped3A_492 = arith.constant 7 : i32
      "tpu.region"() ({
        %run_scoped3A_645 = tpu.sem_alloc : memref<!tpu.dma_semaphore, #tpu.memory_space<semaphore_mem>>
        %dma_start3A_646 = arith.constant 0 : i32
        %dma_start3A_647 = tpu.memref_slice %arg8[%run_scoped3A_491, %run_scoped3A_492, %dma_start3A_646] : memref<2x8x128xi32, #tpu.memory_space<vmem>> -> memref<1x1x128xi32, #tpu.memory_space<vmem>>
        %dma_start3A_648 = tpu.memref_squeeze %dma_start3A_647 : memref<1x1x128xi32, #tpu.memory_space<vmem>> -> memref<128xi32, #tpu.memory_space<vmem>>
        %dma_start3A_649 = arith.constant 0 : i32
        %dma_start3A_650 = arith.constant 0 : i32
        %dma_start3A_651 = tpu.memref_slice %arg6[%dma_start3A_649, %dma_start3A_650] : memref<10240x128xf32, #tpu.memory_space<vmem_shared>> -> memref<10240x128xf32, #tpu.memory_space<vmem_shared>>
        tpu.enqueue_indirect_dma source(%arg10 : memref<128x128xf32, #tpu.memory_space<vmem>>) target(%dma_start3A_651 : memref<10240x128xf32, #tpu.memory_space<vmem_shared>>) offsets(%dma_start3A_648 : memref<128xi32, #tpu.memory_space<vmem>>) semaphore(%run_scoped3A_645 : memref<!tpu.dma_semaphore, #tpu.memory_space<semaphore_mem>>) {add = true}
        %dma_wait3A_652 = arith.constant 0 : i32
        %dma_wait3A_653 = tpu.memref_slice %arg8[%run_scoped3A_491, %run_scoped3A_492, %dma_wait3A_652] : memref<2x8x128xi32, #tpu.memory_space<vmem>> -> memref<1x1x128xi32, #tpu.memory_space<vmem>>
        %dma_wait3A_654 = tpu.memref_squeeze %dma_wait3A_653 : memref<1x1x128xi32, #tpu.memory_space<vmem>> -> memref<128xi32, #tpu.memory_space<vmem>>
        %dma_wait3A_655 = arith.constant 0 : i32
        %dma_wait3A_656 = arith.constant 0 : i32
        %dma_wait3A_657 = tpu.memref_slice %arg6[%dma_wait3A_655, %dma_wait3A_656] : memref<10240x128xf32, #tpu.memory_space<vmem_shared>> -> memref<10240x128xf32, #tpu.memory_space<vmem_shared>>
        tpu.wait_indirect_dma semaphore(%run_scoped3A_645 : memref<!tpu.dma_semaphore, #tpu.memory_space<semaphore_mem>>) src(%arg10 : memref<128x128xf32, #tpu.memory_space<vmem>>) dst(%dma_wait3A_657 : memref<10240x128xf32, #tpu.memory_space<vmem_shared>>)
        tpu.yield
      }) : () -> ()
      %add3A_493 = arith.constant 1 : i32
      %add3A_494 = arith.addi %add3A_342, %add3A_493 : i32
      %add3A_495 = arith.constant 1 : i32
      %add3A_496 = arith.addi %add3A_494, %add3A_495 : i32
      %run_scoped3A_497 = arith.constant 0 : i32
      "tpu.region"() ({
        %run_scoped3A_645 = tpu.sem_alloc : memref<!tpu.dma_semaphore, #tpu.memory_space<semaphore_mem>>
        %dma_start3A_646 = arith.constant 0 : i32
        %dma_start3A_647 = arith.constant 0 : i32
        %dma_start3A_648 = tpu.memref_slice %arg7[%run_scoped3A_497, %dma_start3A_646, %dma_start3A_647] : memref<2x8x128xi32, #tpu.memory_space<vmem>> -> memref<1x8x128xi32, #tpu.memory_space<vmem>>
        %dma_start3A_649 = tpu.memref_squeeze %dma_start3A_648 : memref<1x8x128xi32, #tpu.memory_space<vmem>> -> memref<8x128xi32, #tpu.memory_space<vmem>>
        %dma_start3A_650 = arith.constant 0 : i32
        %dma_start3A_651 = arith.constant 0 : i32
        %dma_start3A_652 = tpu.memref_slice %arg3[%add3A_496, %dma_start3A_650, %dma_start3A_651] : memref<320x8x128xi32, #tpu.memory_space<hbm>> -> memref<1x8x128xi32, #tpu.memory_space<hbm>>
        %dma_start3A_653 = tpu.memref_squeeze %dma_start3A_652 : memref<1x8x128xi32, #tpu.memory_space<hbm>> -> memref<8x128xi32, #tpu.memory_space<hbm>>
        %dma_start3A_654 = arith.constant 0 : i32
        %dma_start3A_655 = arith.constant 0 : i32
        %dma_start3A_656 = tpu.memref_slice %arg7[%run_scoped3A_497, %dma_start3A_654, %dma_start3A_655] : memref<2x8x128xi32, #tpu.memory_space<vmem>> -> memref<1x8x128xi32, #tpu.memory_space<vmem>>
        %dma_start3A_657 = tpu.memref_squeeze %dma_start3A_656 : memref<1x8x128xi32, #tpu.memory_space<vmem>> -> memref<8x128xi32, #tpu.memory_space<vmem>>
        %dma_start3A_658 = arith.constant 0 : i32
        %dma_start3A_659 = arith.constant 0 : i32
        %dma_start3A_660 = tpu.memref_slice %arg3[%add3A_496, %dma_start3A_658, %dma_start3A_659] : memref<320x8x128xi32, #tpu.memory_space<hbm>> -> memref<1x8x128xi32, #tpu.memory_space<hbm>>
        %dma_start3A_661 = tpu.memref_squeeze %dma_start3A_660 : memref<1x8x128xi32, #tpu.memory_space<hbm>> -> memref<8x128xi32, #tpu.memory_space<hbm>>
        tpu.enqueue_dma source(%dma_start3A_661 : memref<8x128xi32, #tpu.memory_space<hbm>>) target(%dma_start3A_657 : memref<8x128xi32, #tpu.memory_space<vmem>>) target_semaphore(%run_scoped3A_645 : memref<!tpu.dma_semaphore, #tpu.memory_space<semaphore_mem>>)
        %dma_wait3A_662 = arith.constant 0 : i32
        %dma_wait3A_663 = arith.constant 0 : i32
        %dma_wait3A_664 = tpu.memref_slice %arg7[%run_scoped3A_497, %dma_wait3A_662, %dma_wait3A_663] : memref<2x8x128xi32, #tpu.memory_space<vmem>> -> memref<1x8x128xi32, #tpu.memory_space<vmem>>
        %dma_wait3A_665 = tpu.memref_squeeze %dma_wait3A_664 : memref<1x8x128xi32, #tpu.memory_space<vmem>> -> memref<8x128xi32, #tpu.memory_space<vmem>>
        %dma_wait3A_666 = arith.constant 0 : i32
        %dma_wait3A_667 = arith.constant 0 : i32
        %dma_wait3A_668 = tpu.memref_slice %arg3[%add3A_496, %dma_wait3A_666, %dma_wait3A_667] : memref<320x8x128xi32, #tpu.memory_space<hbm>> -> memref<1x8x128xi32, #tpu.memory_space<hbm>>
        %dma_wait3A_669 = tpu.memref_squeeze %dma_wait3A_668 : memref<1x8x128xi32, #tpu.memory_space<hbm>> -> memref<8x128xi32, #tpu.memory_space<hbm>>
        %dma_wait3A_670 = arith.constant 0 : i32
        %dma_wait3A_671 = arith.constant 0 : i32
        %dma_wait3A_672 = tpu.memref_slice %arg7[%run_scoped3A_497, %dma_wait3A_670, %dma_wait3A_671] : memref<2x8x128xi32, #tpu.memory_space<vmem>> -> memref<1x8x128xi32, #tpu.memory_space<vmem>>
        %dma_wait3A_673 = tpu.memref_squeeze %dma_wait3A_672 : memref<1x8x128xi32, #tpu.memory_space<vmem>> -> memref<8x128xi32, #tpu.memory_space<vmem>>
        %dma_wait3A_674 = arith.constant 0 : i32
        %dma_wait3A_675 = arith.constant 0 : i32
        %dma_wait3A_676 = tpu.memref_slice %arg3[%add3A_496, %dma_wait3A_674, %dma_wait3A_675] : memref<320x8x128xi32, #tpu.memory_space<hbm>> -> memref<1x8x128xi32, #tpu.memory_space<hbm>>
        %dma_wait3A_677 = tpu.memref_squeeze %dma_wait3A_676 : memref<1x8x128xi32, #tpu.memory_space<hbm>> -> memref<8x128xi32, #tpu.memory_space<hbm>>
        tpu.wait_dma2 semaphore(%run_scoped3A_645 : memref<!tpu.dma_semaphore, #tpu.memory_space<semaphore_mem>>) src(%dma_wait3A_677 : memref<8x128xi32, #tpu.memory_space<hbm>>) dst(%dma_wait3A_673 : memref<8x128xi32, #tpu.memory_space<vmem>>)
        tpu.yield
      }) : () -> ()
      %add3A_498 = arith.constant 1 : i32
      %add3A_499 = arith.addi %add3A_494, %add3A_498 : i32
      %run_scoped3A_500 = arith.constant 0 : i32
      "tpu.region"() ({
        %run_scoped3A_645 = tpu.sem_alloc : memref<!tpu.dma_semaphore, #tpu.memory_space<semaphore_mem>>
        %dma_start3A_646 = arith.constant 0 : i32
        %dma_start3A_647 = arith.constant 0 : i32
        %dma_start3A_648 = tpu.memref_slice %arg8[%run_scoped3A_500, %dma_start3A_646, %dma_start3A_647] : memref<2x8x128xi32, #tpu.memory_space<vmem>> -> memref<1x8x128xi32, #tpu.memory_space<vmem>>
        %dma_start3A_649 = tpu.memref_squeeze %dma_start3A_648 : memref<1x8x128xi32, #tpu.memory_space<vmem>> -> memref<8x128xi32, #tpu.memory_space<vmem>>
        %dma_start3A_650 = arith.constant 0 : i32
        %dma_start3A_651 = arith.constant 0 : i32
        %dma_start3A_652 = tpu.memref_slice %arg4[%add3A_499, %dma_start3A_650, %dma_start3A_651] : memref<320x8x128xi32, #tpu.memory_space<hbm>> -> memref<1x8x128xi32, #tpu.memory_space<hbm>>
        %dma_start3A_653 = tpu.memref_squeeze %dma_start3A_652 : memref<1x8x128xi32, #tpu.memory_space<hbm>> -> memref<8x128xi32, #tpu.memory_space<hbm>>
        %dma_start3A_654 = arith.constant 0 : i32
        %dma_start3A_655 = arith.constant 0 : i32
        %dma_start3A_656 = tpu.memref_slice %arg8[%run_scoped3A_500, %dma_start3A_654, %dma_start3A_655] : memref<2x8x128xi32, #tpu.memory_space<vmem>> -> memref<1x8x128xi32, #tpu.memory_space<vmem>>
        %dma_start3A_657 = tpu.memref_squeeze %dma_start3A_656 : memref<1x8x128xi32, #tpu.memory_space<vmem>> -> memref<8x128xi32, #tpu.memory_space<vmem>>
        %dma_start3A_658 = arith.constant 0 : i32
        %dma_start3A_659 = arith.constant 0 : i32
        %dma_start3A_660 = tpu.memref_slice %arg4[%add3A_499, %dma_start3A_658, %dma_start3A_659] : memref<320x8x128xi32, #tpu.memory_space<hbm>> -> memref<1x8x128xi32, #tpu.memory_space<hbm>>
        %dma_start3A_661 = tpu.memref_squeeze %dma_start3A_660 : memref<1x8x128xi32, #tpu.memory_space<hbm>> -> memref<8x128xi32, #tpu.memory_space<hbm>>
        tpu.enqueue_dma source(%dma_start3A_661 : memref<8x128xi32, #tpu.memory_space<hbm>>) target(%dma_start3A_657 : memref<8x128xi32, #tpu.memory_space<vmem>>) target_semaphore(%run_scoped3A_645 : memref<!tpu.dma_semaphore, #tpu.memory_space<semaphore_mem>>)
        %dma_wait3A_662 = arith.constant 0 : i32
        %dma_wait3A_663 = arith.constant 0 : i32
        %dma_wait3A_664 = tpu.memref_slice %arg8[%run_scoped3A_500, %dma_wait3A_662, %dma_wait3A_663] : memref<2x8x128xi32, #tpu.memory_space<vmem>> -> memref<1x8x128xi32, #tpu.memory_space<vmem>>
        %dma_wait3A_665 = tpu.memref_squeeze %dma_wait3A_664 : memref<1x8x128xi32, #tpu.memory_space<vmem>> -> memref<8x128xi32, #tpu.memory_space<vmem>>
        %dma_wait3A_666 = arith.constant 0 : i32
        %dma_wait3A_667 = arith.constant 0 : i32
        %dma_wait3A_668 = tpu.memref_slice %arg4[%add3A_499, %dma_wait3A_666, %dma_wait3A_667] : memref<320x8x128xi32, #tpu.memory_space<hbm>> -> memref<1x8x128xi32, #tpu.memory_space<hbm>>
        %dma_wait3A_669 = tpu.memref_squeeze %dma_wait3A_668 : memref<1x8x128xi32, #tpu.memory_space<hbm>> -> memref<8x128xi32, #tpu.memory_space<hbm>>
        %dma_wait3A_670 = arith.constant 0 : i32
        %dma_wait3A_671 = arith.constant 0 : i32
        %dma_wait3A_672 = tpu.memref_slice %arg8[%run_scoped3A_500, %dma_wait3A_670, %dma_wait3A_671] : memref<2x8x128xi32, #tpu.memory_space<vmem>> -> memref<1x8x128xi32, #tpu.memory_space<vmem>>
        %dma_wait3A_673 = tpu.memref_squeeze %dma_wait3A_672 : memref<1x8x128xi32, #tpu.memory_space<vmem>> -> memref<8x128xi32, #tpu.memory_space<vmem>>
        %dma_wait3A_674 = arith.constant 0 : i32
        %dma_wait3A_675 = arith.constant 0 : i32
        %dma_wait3A_676 = tpu.memref_slice %arg4[%add3A_499, %dma_wait3A_674, %dma_wait3A_675] : memref<320x8x128xi32, #tpu.memory_space<hbm>> -> memref<1x8x128xi32, #tpu.memory_space<hbm>>
        %dma_wait3A_677 = tpu.memref_squeeze %dma_wait3A_676 : memref<1x8x128xi32, #tpu.memory_space<hbm>> -> memref<8x128xi32, #tpu.memory_space<hbm>>
        tpu.wait_dma2 semaphore(%run_scoped3A_645 : memref<!tpu.dma_semaphore, #tpu.memory_space<semaphore_mem>>) src(%dma_wait3A_677 : memref<8x128xi32, #tpu.memory_space<hbm>>) dst(%dma_wait3A_673 : memref<8x128xi32, #tpu.memory_space<vmem>>)
        tpu.yield
      }) : () -> ()
      %dma_start3A_501 = arith.constant 1 : i32
      %dma_start3A_502 = arith.constant 1 : i32
      %dma_start3A_503 = arith.constant 0 : i32
      %dma_start3A_504 = tpu.memref_slice %arg7[%dma_start3A_501, %dma_start3A_502, %dma_start3A_503] : memref<2x8x128xi32, #tpu.memory_space<vmem>> -> memref<1x1x128xi32, #tpu.memory_space<vmem>>
      %dma_start3A_505 = tpu.memref_squeeze %dma_start3A_504 : memref<1x1x128xi32, #tpu.memory_space<vmem>> -> memref<128xi32, #tpu.memory_space<vmem>>
      %dma_start3A_506 = arith.constant 0 : i32
      %dma_start3A_507 = arith.constant 0 : i32
      %dma_start3A_508 = tpu.memref_slice %arg2[%dma_start3A_506, %dma_start3A_507] : memref<80000x128xf32, #tpu.memory_space<hbm>> -> memref<80000x128xf32, #tpu.memory_space<hbm>>
      tpu.enqueue_indirect_dma source(%dma_start3A_508 : memref<80000x128xf32, #tpu.memory_space<hbm>>) target(%arg10 : memref<128x128xf32, #tpu.memory_space<vmem>>) offsets(%dma_start3A_505 : memref<128xi32, #tpu.memory_space<vmem>>) semaphore(%arg12 : memref<!tpu.dma_semaphore, #tpu.memory_space<semaphore_mem>>)
      %dma_wait3A_509 = arith.constant 1 : i32
      %dma_wait3A_510 = arith.constant 0 : i32
      %dma_wait3A_511 = arith.constant 0 : i32
      %dma_wait3A_512 = tpu.memref_slice %arg7[%dma_wait3A_509, %dma_wait3A_510, %dma_wait3A_511] : memref<2x8x128xi32, #tpu.memory_space<vmem>> -> memref<1x1x128xi32, #tpu.memory_space<vmem>>
      %dma_wait3A_513 = tpu.memref_squeeze %dma_wait3A_512 : memref<1x1x128xi32, #tpu.memory_space<vmem>> -> memref<128xi32, #tpu.memory_space<vmem>>
      %dma_wait3A_514 = arith.constant 0 : i32
      %dma_wait3A_515 = arith.constant 0 : i32
      %dma_wait3A_516 = tpu.memref_slice %arg2[%dma_wait3A_514, %dma_wait3A_515] : memref<80000x128xf32, #tpu.memory_space<hbm>> -> memref<80000x128xf32, #tpu.memory_space<hbm>>
      tpu.wait_indirect_dma semaphore(%arg11 : memref<!tpu.dma_semaphore, #tpu.memory_space<semaphore_mem>>) src(%dma_wait3A_516 : memref<80000x128xf32, #tpu.memory_space<hbm>>) dst(%arg9 : memref<128x128xf32, #tpu.memory_space<vmem>>)
      %run_scoped3A_517 = arith.constant 1 : i32
      %run_scoped3A_518 = arith.constant 0 : i32
      "tpu.region"() ({
        %run_scoped3A_645 = tpu.sem_alloc : memref<!tpu.dma_semaphore, #tpu.memory_space<semaphore_mem>>
        %dma_start3A_646 = arith.constant 0 : i32
        %dma_start3A_647 = tpu.memref_slice %arg8[%run_scoped3A_517, %run_scoped3A_518, %dma_start3A_646] : memref<2x8x128xi32, #tpu.memory_space<vmem>> -> memref<1x1x128xi32, #tpu.memory_space<vmem>>
        %dma_start3A_648 = tpu.memref_squeeze %dma_start3A_647 : memref<1x1x128xi32, #tpu.memory_space<vmem>> -> memref<128xi32, #tpu.memory_space<vmem>>
        %dma_start3A_649 = arith.constant 0 : i32
        %dma_start3A_650 = arith.constant 0 : i32
        %dma_start3A_651 = tpu.memref_slice %arg6[%dma_start3A_649, %dma_start3A_650] : memref<10240x128xf32, #tpu.memory_space<vmem_shared>> -> memref<10240x128xf32, #tpu.memory_space<vmem_shared>>
        tpu.enqueue_indirect_dma source(%arg9 : memref<128x128xf32, #tpu.memory_space<vmem>>) target(%dma_start3A_651 : memref<10240x128xf32, #tpu.memory_space<vmem_shared>>) offsets(%dma_start3A_648 : memref<128xi32, #tpu.memory_space<vmem>>) semaphore(%run_scoped3A_645 : memref<!tpu.dma_semaphore, #tpu.memory_space<semaphore_mem>>) {add = true}
        %dma_wait3A_652 = arith.constant 0 : i32
        %dma_wait3A_653 = tpu.memref_slice %arg8[%run_scoped3A_517, %run_scoped3A_518, %dma_wait3A_652] : memref<2x8x128xi32, #tpu.memory_space<vmem>> -> memref<1x1x128xi32, #tpu.memory_space<vmem>>
        %dma_wait3A_654 = tpu.memref_squeeze %dma_wait3A_653 : memref<1x1x128xi32, #tpu.memory_space<vmem>> -> memref<128xi32, #tpu.memory_space<vmem>>
        %dma_wait3A_655 = arith.constant 0 : i32
        %dma_wait3A_656 = arith.constant 0 : i32
        %dma_wait3A_657 = tpu.memref_slice %arg6[%dma_wait3A_655, %dma_wait3A_656] : memref<10240x128xf32, #tpu.memory_space<vmem_shared>> -> memref<10240x128xf32, #tpu.memory_space<vmem_shared>>
        tpu.wait_indirect_dma semaphore(%run_scoped3A_645 : memref<!tpu.dma_semaphore, #tpu.memory_space<semaphore_mem>>) src(%arg9 : memref<128x128xf32, #tpu.memory_space<vmem>>) dst(%dma_wait3A_657 : memref<10240x128xf32, #tpu.memory_space<vmem_shared>>)
        tpu.yield
      }) : () -> ()
      %dma_start3A_519 = arith.constant 1 : i32
      %dma_start3A_520 = arith.constant 2 : i32
      %dma_start3A_521 = arith.constant 0 : i32
      %dma_start3A_522 = tpu.memref_slice %arg7[%dma_start3A_519, %dma_start3A_520, %dma_start3A_521] : memref<2x8x128xi32, #tpu.memory_space<vmem>> -> memref<1x1x128xi32, #tpu.memory_space<vmem>>
      %dma_start3A_523 = tpu.memref_squeeze %dma_start3A_522 : memref<1x1x128xi32, #tpu.memory_space<vmem>> -> memref<128xi32, #tpu.memory_space<vmem>>
      %dma_start3A_524 = arith.constant 0 : i32
      %dma_start3A_525 = arith.constant 0 : i32
      %dma_start3A_526 = tpu.memref_slice %arg2[%dma_start3A_524, %dma_start3A_525] : memref<80000x128xf32, #tpu.memory_space<hbm>> -> memref<80000x128xf32, #tpu.memory_space<hbm>>
      tpu.enqueue_indirect_dma source(%dma_start3A_526 : memref<80000x128xf32, #tpu.memory_space<hbm>>) target(%arg9 : memref<128x128xf32, #tpu.memory_space<vmem>>) offsets(%dma_start3A_523 : memref<128xi32, #tpu.memory_space<vmem>>) semaphore(%arg11 : memref<!tpu.dma_semaphore, #tpu.memory_space<semaphore_mem>>)
      %dma_wait3A_527 = arith.constant 1 : i32
      %dma_wait3A_528 = arith.constant 1 : i32
      %dma_wait3A_529 = arith.constant 0 : i32
      %dma_wait3A_530 = tpu.memref_slice %arg7[%dma_wait3A_527, %dma_wait3A_528, %dma_wait3A_529] : memref<2x8x128xi32, #tpu.memory_space<vmem>> -> memref<1x1x128xi32, #tpu.memory_space<vmem>>
      %dma_wait3A_531 = tpu.memref_squeeze %dma_wait3A_530 : memref<1x1x128xi32, #tpu.memory_space<vmem>> -> memref<128xi32, #tpu.memory_space<vmem>>
      %dma_wait3A_532 = arith.constant 0 : i32
      %dma_wait3A_533 = arith.constant 0 : i32
      %dma_wait3A_534 = tpu.memref_slice %arg2[%dma_wait3A_532, %dma_wait3A_533] : memref<80000x128xf32, #tpu.memory_space<hbm>> -> memref<80000x128xf32, #tpu.memory_space<hbm>>
      tpu.wait_indirect_dma semaphore(%arg12 : memref<!tpu.dma_semaphore, #tpu.memory_space<semaphore_mem>>) src(%dma_wait3A_534 : memref<80000x128xf32, #tpu.memory_space<hbm>>) dst(%arg10 : memref<128x128xf32, #tpu.memory_space<vmem>>)
      %run_scoped3A_535 = arith.constant 1 : i32
      %run_scoped3A_536 = arith.constant 1 : i32
      "tpu.region"() ({
        %run_scoped3A_645 = tpu.sem_alloc : memref<!tpu.dma_semaphore, #tpu.memory_space<semaphore_mem>>
        %dma_start3A_646 = arith.constant 0 : i32
        %dma_start3A_647 = tpu.memref_slice %arg8[%run_scoped3A_535, %run_scoped3A_536, %dma_start3A_646] : memref<2x8x128xi32, #tpu.memory_space<vmem>> -> memref<1x1x128xi32, #tpu.memory_space<vmem>>
        %dma_start3A_648 = tpu.memref_squeeze %dma_start3A_647 : memref<1x1x128xi32, #tpu.memory_space<vmem>> -> memref<128xi32, #tpu.memory_space<vmem>>
        %dma_start3A_649 = arith.constant 0 : i32
        %dma_start3A_650 = arith.constant 0 : i32
        %dma_start3A_651 = tpu.memref_slice %arg6[%dma_start3A_649, %dma_start3A_650] : memref<10240x128xf32, #tpu.memory_space<vmem_shared>> -> memref<10240x128xf32, #tpu.memory_space<vmem_shared>>
        tpu.enqueue_indirect_dma source(%arg10 : memref<128x128xf32, #tpu.memory_space<vmem>>) target(%dma_start3A_651 : memref<10240x128xf32, #tpu.memory_space<vmem_shared>>) offsets(%dma_start3A_648 : memref<128xi32, #tpu.memory_space<vmem>>) semaphore(%run_scoped3A_645 : memref<!tpu.dma_semaphore, #tpu.memory_space<semaphore_mem>>) {add = true}
        %dma_wait3A_652 = arith.constant 0 : i32
        %dma_wait3A_653 = tpu.memref_slice %arg8[%run_scoped3A_535, %run_scoped3A_536, %dma_wait3A_652] : memref<2x8x128xi32, #tpu.memory_space<vmem>> -> memref<1x1x128xi32, #tpu.memory_space<vmem>>
        %dma_wait3A_654 = tpu.memref_squeeze %dma_wait3A_653 : memref<1x1x128xi32, #tpu.memory_space<vmem>> -> memref<128xi32, #tpu.memory_space<vmem>>
        %dma_wait3A_655 = arith.constant 0 : i32
        %dma_wait3A_656 = arith.constant 0 : i32
        %dma_wait3A_657 = tpu.memref_slice %arg6[%dma_wait3A_655, %dma_wait3A_656] : memref<10240x128xf32, #tpu.memory_space<vmem_shared>> -> memref<10240x128xf32, #tpu.memory_space<vmem_shared>>
        tpu.wait_indirect_dma semaphore(%run_scoped3A_645 : memref<!tpu.dma_semaphore, #tpu.memory_space<semaphore_mem>>) src(%arg10 : memref<128x128xf32, #tpu.memory_space<vmem>>) dst(%dma_wait3A_657 : memref<10240x128xf32, #tpu.memory_space<vmem_shared>>)
        tpu.yield
      }) : () -> ()
      %dma_start3A_537 = arith.constant 1 : i32
      %dma_start3A_538 = arith.constant 3 : i32
      %dma_start3A_539 = arith.constant 0 : i32
      %dma_start3A_540 = tpu.memref_slice %arg7[%dma_start3A_537, %dma_start3A_538, %dma_start3A_539] : memref<2x8x128xi32, #tpu.memory_space<vmem>> -> memref<1x1x128xi32, #tpu.memory_space<vmem>>
      %dma_start3A_541 = tpu.memref_squeeze %dma_start3A_540 : memref<1x1x128xi32, #tpu.memory_space<vmem>> -> memref<128xi32, #tpu.memory_space<vmem>>
      %dma_start3A_542 = arith.constant 0 : i32
      %dma_start3A_543 = arith.constant 0 : i32
      %dma_start3A_544 = tpu.memref_slice %arg2[%dma_start3A_542, %dma_start3A_543] : memref<80000x128xf32, #tpu.memory_space<hbm>> -> memref<80000x128xf32, #tpu.memory_space<hbm>>
      tpu.enqueue_indirect_dma source(%dma_start3A_544 : memref<80000x128xf32, #tpu.memory_space<hbm>>) target(%arg10 : memref<128x128xf32, #tpu.memory_space<vmem>>) offsets(%dma_start3A_541 : memref<128xi32, #tpu.memory_space<vmem>>) semaphore(%arg12 : memref<!tpu.dma_semaphore, #tpu.memory_space<semaphore_mem>>)
      %dma_wait3A_545 = arith.constant 1 : i32
      %dma_wait3A_546 = arith.constant 2 : i32
      %dma_wait3A_547 = arith.constant 0 : i32
      %dma_wait3A_548 = tpu.memref_slice %arg7[%dma_wait3A_545, %dma_wait3A_546, %dma_wait3A_547] : memref<2x8x128xi32, #tpu.memory_space<vmem>> -> memref<1x1x128xi32, #tpu.memory_space<vmem>>
      %dma_wait3A_549 = tpu.memref_squeeze %dma_wait3A_548 : memref<1x1x128xi32, #tpu.memory_space<vmem>> -> memref<128xi32, #tpu.memory_space<vmem>>
      %dma_wait3A_550 = arith.constant 0 : i32
      %dma_wait3A_551 = arith.constant 0 : i32
      %dma_wait3A_552 = tpu.memref_slice %arg2[%dma_wait3A_550, %dma_wait3A_551] : memref<80000x128xf32, #tpu.memory_space<hbm>> -> memref<80000x128xf32, #tpu.memory_space<hbm>>
      tpu.wait_indirect_dma semaphore(%arg11 : memref<!tpu.dma_semaphore, #tpu.memory_space<semaphore_mem>>) src(%dma_wait3A_552 : memref<80000x128xf32, #tpu.memory_space<hbm>>) dst(%arg9 : memref<128x128xf32, #tpu.memory_space<vmem>>)
      %run_scoped3A_553 = arith.constant 1 : i32
      %run_scoped3A_554 = arith.constant 2 : i32
      "tpu.region"() ({
        %run_scoped3A_645 = tpu.sem_alloc : memref<!tpu.dma_semaphore, #tpu.memory_space<semaphore_mem>>
        %dma_start3A_646 = arith.constant 0 : i32
        %dma_start3A_647 = tpu.memref_slice %arg8[%run_scoped3A_553, %run_scoped3A_554, %dma_start3A_646] : memref<2x8x128xi32, #tpu.memory_space<vmem>> -> memref<1x1x128xi32, #tpu.memory_space<vmem>>
        %dma_start3A_648 = tpu.memref_squeeze %dma_start3A_647 : memref<1x1x128xi32, #tpu.memory_space<vmem>> -> memref<128xi32, #tpu.memory_space<vmem>>
        %dma_start3A_649 = arith.constant 0 : i32
        %dma_start3A_650 = arith.constant 0 : i32
        %dma_start3A_651 = tpu.memref_slice %arg6[%dma_start3A_649, %dma_start3A_650] : memref<10240x128xf32, #tpu.memory_space<vmem_shared>> -> memref<10240x128xf32, #tpu.memory_space<vmem_shared>>
        tpu.enqueue_indirect_dma source(%arg9 : memref<128x128xf32, #tpu.memory_space<vmem>>) target(%dma_start3A_651 : memref<10240x128xf32, #tpu.memory_space<vmem_shared>>) offsets(%dma_start3A_648 : memref<128xi32, #tpu.memory_space<vmem>>) semaphore(%run_scoped3A_645 : memref<!tpu.dma_semaphore, #tpu.memory_space<semaphore_mem>>) {add = true}
        %dma_wait3A_652 = arith.constant 0 : i32
        %dma_wait3A_653 = tpu.memref_slice %arg8[%run_scoped3A_553, %run_scoped3A_554, %dma_wait3A_652] : memref<2x8x128xi32, #tpu.memory_space<vmem>> -> memref<1x1x128xi32, #tpu.memory_space<vmem>>
        %dma_wait3A_654 = tpu.memref_squeeze %dma_wait3A_653 : memref<1x1x128xi32, #tpu.memory_space<vmem>> -> memref<128xi32, #tpu.memory_space<vmem>>
        %dma_wait3A_655 = arith.constant 0 : i32
        %dma_wait3A_656 = arith.constant 0 : i32
        %dma_wait3A_657 = tpu.memref_slice %arg6[%dma_wait3A_655, %dma_wait3A_656] : memref<10240x128xf32, #tpu.memory_space<vmem_shared>> -> memref<10240x128xf32, #tpu.memory_space<vmem_shared>>
        tpu.wait_indirect_dma semaphore(%run_scoped3A_645 : memref<!tpu.dma_semaphore, #tpu.memory_space<semaphore_mem>>) src(%arg9 : memref<128x128xf32, #tpu.memory_space<vmem>>) dst(%dma_wait3A_657 : memref<10240x128xf32, #tpu.memory_space<vmem_shared>>)
        tpu.yield
      }) : () -> ()
      %dma_start3A_555 = arith.constant 1 : i32
      %dma_start3A_556 = arith.constant 4 : i32
      %dma_start3A_557 = arith.constant 0 : i32
      %dma_start3A_558 = tpu.memref_slice %arg7[%dma_start3A_555, %dma_start3A_556, %dma_start3A_557] : memref<2x8x128xi32, #tpu.memory_space<vmem>> -> memref<1x1x128xi32, #tpu.memory_space<vmem>>
      %dma_start3A_559 = tpu.memref_squeeze %dma_start3A_558 : memref<1x1x128xi32, #tpu.memory_space<vmem>> -> memref<128xi32, #tpu.memory_space<vmem>>
      %dma_start3A_560 = arith.constant 0 : i32
      %dma_start3A_561 = arith.constant 0 : i32
      %dma_start3A_562 = tpu.memref_slice %arg2[%dma_start3A_560, %dma_start3A_561] : memref<80000x128xf32, #tpu.memory_space<hbm>> -> memref<80000x128xf32, #tpu.memory_space<hbm>>
      tpu.enqueue_indirect_dma source(%dma_start3A_562 : memref<80000x128xf32, #tpu.memory_space<hbm>>) target(%arg9 : memref<128x128xf32, #tpu.memory_space<vmem>>) offsets(%dma_start3A_559 : memref<128xi32, #tpu.memory_space<vmem>>) semaphore(%arg11 : memref<!tpu.dma_semaphore, #tpu.memory_space<semaphore_mem>>)
      %dma_wait3A_563 = arith.constant 1 : i32
      %dma_wait3A_564 = arith.constant 3 : i32
      %dma_wait3A_565 = arith.constant 0 : i32
      %dma_wait3A_566 = tpu.memref_slice %arg7[%dma_wait3A_563, %dma_wait3A_564, %dma_wait3A_565] : memref<2x8x128xi32, #tpu.memory_space<vmem>> -> memref<1x1x128xi32, #tpu.memory_space<vmem>>
      %dma_wait3A_567 = tpu.memref_squeeze %dma_wait3A_566 : memref<1x1x128xi32, #tpu.memory_space<vmem>> -> memref<128xi32, #tpu.memory_space<vmem>>
      %dma_wait3A_568 = arith.constant 0 : i32
      %dma_wait3A_569 = arith.constant 0 : i32
      %dma_wait3A_570 = tpu.memref_slice %arg2[%dma_wait3A_568, %dma_wait3A_569] : memref<80000x128xf32, #tpu.memory_space<hbm>> -> memref<80000x128xf32, #tpu.memory_space<hbm>>
      tpu.wait_indirect_dma semaphore(%arg12 : memref<!tpu.dma_semaphore, #tpu.memory_space<semaphore_mem>>) src(%dma_wait3A_570 : memref<80000x128xf32, #tpu.memory_space<hbm>>) dst(%arg10 : memref<128x128xf32, #tpu.memory_space<vmem>>)
      %run_scoped3A_571 = arith.constant 1 : i32
      %run_scoped3A_572 = arith.constant 3 : i32
      "tpu.region"() ({
        %run_scoped3A_645 = tpu.sem_alloc : memref<!tpu.dma_semaphore, #tpu.memory_space<semaphore_mem>>
        %dma_start3A_646 = arith.constant 0 : i32
        %dma_start3A_647 = tpu.memref_slice %arg8[%run_scoped3A_571, %run_scoped3A_572, %dma_start3A_646] : memref<2x8x128xi32, #tpu.memory_space<vmem>> -> memref<1x1x128xi32, #tpu.memory_space<vmem>>
        %dma_start3A_648 = tpu.memref_squeeze %dma_start3A_647 : memref<1x1x128xi32, #tpu.memory_space<vmem>> -> memref<128xi32, #tpu.memory_space<vmem>>
        %dma_start3A_649 = arith.constant 0 : i32
        %dma_start3A_650 = arith.constant 0 : i32
        %dma_start3A_651 = tpu.memref_slice %arg6[%dma_start3A_649, %dma_start3A_650] : memref<10240x128xf32, #tpu.memory_space<vmem_shared>> -> memref<10240x128xf32, #tpu.memory_space<vmem_shared>>
        tpu.enqueue_indirect_dma source(%arg10 : memref<128x128xf32, #tpu.memory_space<vmem>>) target(%dma_start3A_651 : memref<10240x128xf32, #tpu.memory_space<vmem_shared>>) offsets(%dma_start3A_648 : memref<128xi32, #tpu.memory_space<vmem>>) semaphore(%run_scoped3A_645 : memref<!tpu.dma_semaphore, #tpu.memory_space<semaphore_mem>>) {add = true}
        %dma_wait3A_652 = arith.constant 0 : i32
        %dma_wait3A_653 = tpu.memref_slice %arg8[%run_scoped3A_571, %run_scoped3A_572, %dma_wait3A_652] : memref<2x8x128xi32, #tpu.memory_space<vmem>> -> memref<1x1x128xi32, #tpu.memory_space<vmem>>
        %dma_wait3A_654 = tpu.memref_squeeze %dma_wait3A_653 : memref<1x1x128xi32, #tpu.memory_space<vmem>> -> memref<128xi32, #tpu.memory_space<vmem>>
        %dma_wait3A_655 = arith.constant 0 : i32
        %dma_wait3A_656 = arith.constant 0 : i32
        %dma_wait3A_657 = tpu.memref_slice %arg6[%dma_wait3A_655, %dma_wait3A_656] : memref<10240x128xf32, #tpu.memory_space<vmem_shared>> -> memref<10240x128xf32, #tpu.memory_space<vmem_shared>>
        tpu.wait_indirect_dma semaphore(%run_scoped3A_645 : memref<!tpu.dma_semaphore, #tpu.memory_space<semaphore_mem>>) src(%arg10 : memref<128x128xf32, #tpu.memory_space<vmem>>) dst(%dma_wait3A_657 : memref<10240x128xf32, #tpu.memory_space<vmem_shared>>)
        tpu.yield
      }) : () -> ()
      %dma_start3A_573 = arith.constant 1 : i32
      %dma_start3A_574 = arith.constant 5 : i32
      %dma_start3A_575 = arith.constant 0 : i32
      %dma_start3A_576 = tpu.memref_slice %arg7[%dma_start3A_573, %dma_start3A_574, %dma_start3A_575] : memref<2x8x128xi32, #tpu.memory_space<vmem>> -> memref<1x1x128xi32, #tpu.memory_space<vmem>>
      %dma_start3A_577 = tpu.memref_squeeze %dma_start3A_576 : memref<1x1x128xi32, #tpu.memory_space<vmem>> -> memref<128xi32, #tpu.memory_space<vmem>>
      %dma_start3A_578 = arith.constant 0 : i32
      %dma_start3A_579 = arith.constant 0 : i32
      %dma_start3A_580 = tpu.memref_slice %arg2[%dma_start3A_578, %dma_start3A_579] : memref<80000x128xf32, #tpu.memory_space<hbm>> -> memref<80000x128xf32, #tpu.memory_space<hbm>>
      tpu.enqueue_indirect_dma source(%dma_start3A_580 : memref<80000x128xf32, #tpu.memory_space<hbm>>) target(%arg10 : memref<128x128xf32, #tpu.memory_space<vmem>>) offsets(%dma_start3A_577 : memref<128xi32, #tpu.memory_space<vmem>>) semaphore(%arg12 : memref<!tpu.dma_semaphore, #tpu.memory_space<semaphore_mem>>)
      %dma_wait3A_581 = arith.constant 1 : i32
      %dma_wait3A_582 = arith.constant 4 : i32
      %dma_wait3A_583 = arith.constant 0 : i32
      %dma_wait3A_584 = tpu.memref_slice %arg7[%dma_wait3A_581, %dma_wait3A_582, %dma_wait3A_583] : memref<2x8x128xi32, #tpu.memory_space<vmem>> -> memref<1x1x128xi32, #tpu.memory_space<vmem>>
      %dma_wait3A_585 = tpu.memref_squeeze %dma_wait3A_584 : memref<1x1x128xi32, #tpu.memory_space<vmem>> -> memref<128xi32, #tpu.memory_space<vmem>>
      %dma_wait3A_586 = arith.constant 0 : i32
      %dma_wait3A_587 = arith.constant 0 : i32
      %dma_wait3A_588 = tpu.memref_slice %arg2[%dma_wait3A_586, %dma_wait3A_587] : memref<80000x128xf32, #tpu.memory_space<hbm>> -> memref<80000x128xf32, #tpu.memory_space<hbm>>
      tpu.wait_indirect_dma semaphore(%arg11 : memref<!tpu.dma_semaphore, #tpu.memory_space<semaphore_mem>>) src(%dma_wait3A_588 : memref<80000x128xf32, #tpu.memory_space<hbm>>) dst(%arg9 : memref<128x128xf32, #tpu.memory_space<vmem>>)
      %run_scoped3A_589 = arith.constant 1 : i32
      %run_scoped3A_590 = arith.constant 4 : i32
      "tpu.region"() ({
        %run_scoped3A_645 = tpu.sem_alloc : memref<!tpu.dma_semaphore, #tpu.memory_space<semaphore_mem>>
        %dma_start3A_646 = arith.constant 0 : i32
        %dma_start3A_647 = tpu.memref_slice %arg8[%run_scoped3A_589, %run_scoped3A_590, %dma_start3A_646] : memref<2x8x128xi32, #tpu.memory_space<vmem>> -> memref<1x1x128xi32, #tpu.memory_space<vmem>>
        %dma_start3A_648 = tpu.memref_squeeze %dma_start3A_647 : memref<1x1x128xi32, #tpu.memory_space<vmem>> -> memref<128xi32, #tpu.memory_space<vmem>>
        %dma_start3A_649 = arith.constant 0 : i32
        %dma_start3A_650 = arith.constant 0 : i32
        %dma_start3A_651 = tpu.memref_slice %arg6[%dma_start3A_649, %dma_start3A_650] : memref<10240x128xf32, #tpu.memory_space<vmem_shared>> -> memref<10240x128xf32, #tpu.memory_space<vmem_shared>>
        tpu.enqueue_indirect_dma source(%arg9 : memref<128x128xf32, #tpu.memory_space<vmem>>) target(%dma_start3A_651 : memref<10240x128xf32, #tpu.memory_space<vmem_shared>>) offsets(%dma_start3A_648 : memref<128xi32, #tpu.memory_space<vmem>>) semaphore(%run_scoped3A_645 : memref<!tpu.dma_semaphore, #tpu.memory_space<semaphore_mem>>) {add = true}
        %dma_wait3A_652 = arith.constant 0 : i32
        %dma_wait3A_653 = tpu.memref_slice %arg8[%run_scoped3A_589, %run_scoped3A_590, %dma_wait3A_652] : memref<2x8x128xi32, #tpu.memory_space<vmem>> -> memref<1x1x128xi32, #tpu.memory_space<vmem>>
        %dma_wait3A_654 = tpu.memref_squeeze %dma_wait3A_653 : memref<1x1x128xi32, #tpu.memory_space<vmem>> -> memref<128xi32, #tpu.memory_space<vmem>>
        %dma_wait3A_655 = arith.constant 0 : i32
        %dma_wait3A_656 = arith.constant 0 : i32
        %dma_wait3A_657 = tpu.memref_slice %arg6[%dma_wait3A_655, %dma_wait3A_656] : memref<10240x128xf32, #tpu.memory_space<vmem_shared>> -> memref<10240x128xf32, #tpu.memory_space<vmem_shared>>
        tpu.wait_indirect_dma semaphore(%run_scoped3A_645 : memref<!tpu.dma_semaphore, #tpu.memory_space<semaphore_mem>>) src(%arg9 : memref<128x128xf32, #tpu.memory_space<vmem>>) dst(%dma_wait3A_657 : memref<10240x128xf32, #tpu.memory_space<vmem_shared>>)
        tpu.yield
      }) : () -> ()
      %dma_start3A_591 = arith.constant 1 : i32
      %dma_start3A_592 = arith.constant 6 : i32
      %dma_start3A_593 = arith.constant 0 : i32
      %dma_start3A_594 = tpu.memref_slice %arg7[%dma_start3A_591, %dma_start3A_592, %dma_start3A_593] : memref<2x8x128xi32, #tpu.memory_space<vmem>> -> memref<1x1x128xi32, #tpu.memory_space<vmem>>
      %dma_start3A_595 = tpu.memref_squeeze %dma_start3A_594 : memref<1x1x128xi32, #tpu.memory_space<vmem>> -> memref<128xi32, #tpu.memory_space<vmem>>
      %dma_start3A_596 = arith.constant 0 : i32
      %dma_start3A_597 = arith.constant 0 : i32
      %dma_start3A_598 = tpu.memref_slice %arg2[%dma_start3A_596, %dma_start3A_597] : memref<80000x128xf32, #tpu.memory_space<hbm>> -> memref<80000x128xf32, #tpu.memory_space<hbm>>
      tpu.enqueue_indirect_dma source(%dma_start3A_598 : memref<80000x128xf32, #tpu.memory_space<hbm>>) target(%arg9 : memref<128x128xf32, #tpu.memory_space<vmem>>) offsets(%dma_start3A_595 : memref<128xi32, #tpu.memory_space<vmem>>) semaphore(%arg11 : memref<!tpu.dma_semaphore, #tpu.memory_space<semaphore_mem>>)
      %dma_wait3A_599 = arith.constant 1 : i32
      %dma_wait3A_600 = arith.constant 5 : i32
      %dma_wait3A_601 = arith.constant 0 : i32
      %dma_wait3A_602 = tpu.memref_slice %arg7[%dma_wait3A_599, %dma_wait3A_600, %dma_wait3A_601] : memref<2x8x128xi32, #tpu.memory_space<vmem>> -> memref<1x1x128xi32, #tpu.memory_space<vmem>>
      %dma_wait3A_603 = tpu.memref_squeeze %dma_wait3A_602 : memref<1x1x128xi32, #tpu.memory_space<vmem>> -> memref<128xi32, #tpu.memory_space<vmem>>
      %dma_wait3A_604 = arith.constant 0 : i32
      %dma_wait3A_605 = arith.constant 0 : i32
      %dma_wait3A_606 = tpu.memref_slice %arg2[%dma_wait3A_604, %dma_wait3A_605] : memref<80000x128xf32, #tpu.memory_space<hbm>> -> memref<80000x128xf32, #tpu.memory_space<hbm>>
      tpu.wait_indirect_dma semaphore(%arg12 : memref<!tpu.dma_semaphore, #tpu.memory_space<semaphore_mem>>) src(%dma_wait3A_606 : memref<80000x128xf32, #tpu.memory_space<hbm>>) dst(%arg10 : memref<128x128xf32, #tpu.memory_space<vmem>>)
      %run_scoped3A_607 = arith.constant 1 : i32
      %run_scoped3A_608 = arith.constant 5 : i32
      "tpu.region"() ({
        %run_scoped3A_645 = tpu.sem_alloc : memref<!tpu.dma_semaphore, #tpu.memory_space<semaphore_mem>>
        %dma_start3A_646 = arith.constant 0 : i32
        %dma_start3A_647 = tpu.memref_slice %arg8[%run_scoped3A_607, %run_scoped3A_608, %dma_start3A_646] : memref<2x8x128xi32, #tpu.memory_space<vmem>> -> memref<1x1x128xi32, #tpu.memory_space<vmem>>
        %dma_start3A_648 = tpu.memref_squeeze %dma_start3A_647 : memref<1x1x128xi32, #tpu.memory_space<vmem>> -> memref<128xi32, #tpu.memory_space<vmem>>
        %dma_start3A_649 = arith.constant 0 : i32
        %dma_start3A_650 = arith.constant 0 : i32
        %dma_start3A_651 = tpu.memref_slice %arg6[%dma_start3A_649, %dma_start3A_650] : memref<10240x128xf32, #tpu.memory_space<vmem_shared>> -> memref<10240x128xf32, #tpu.memory_space<vmem_shared>>
        tpu.enqueue_indirect_dma source(%arg10 : memref<128x128xf32, #tpu.memory_space<vmem>>) target(%dma_start3A_651 : memref<10240x128xf32, #tpu.memory_space<vmem_shared>>) offsets(%dma_start3A_648 : memref<128xi32, #tpu.memory_space<vmem>>) semaphore(%run_scoped3A_645 : memref<!tpu.dma_semaphore, #tpu.memory_space<semaphore_mem>>) {add = true}
        %dma_wait3A_652 = arith.constant 0 : i32
        %dma_wait3A_653 = tpu.memref_slice %arg8[%run_scoped3A_607, %run_scoped3A_608, %dma_wait3A_652] : memref<2x8x128xi32, #tpu.memory_space<vmem>> -> memref<1x1x128xi32, #tpu.memory_space<vmem>>
        %dma_wait3A_654 = tpu.memref_squeeze %dma_wait3A_653 : memref<1x1x128xi32, #tpu.memory_space<vmem>> -> memref<128xi32, #tpu.memory_space<vmem>>
        %dma_wait3A_655 = arith.constant 0 : i32
        %dma_wait3A_656 = arith.constant 0 : i32
        %dma_wait3A_657 = tpu.memref_slice %arg6[%dma_wait3A_655, %dma_wait3A_656] : memref<10240x128xf32, #tpu.memory_space<vmem_shared>> -> memref<10240x128xf32, #tpu.memory_space<vmem_shared>>
        tpu.wait_indirect_dma semaphore(%run_scoped3A_645 : memref<!tpu.dma_semaphore, #tpu.memory_space<semaphore_mem>>) src(%arg10 : memref<128x128xf32, #tpu.memory_space<vmem>>) dst(%dma_wait3A_657 : memref<10240x128xf32, #tpu.memory_space<vmem_shared>>)
        tpu.yield
      }) : () -> ()
      %dma_start3A_609 = arith.constant 1 : i32
      %dma_start3A_610 = arith.constant 7 : i32
      %dma_start3A_611 = arith.constant 0 : i32
      %dma_start3A_612 = tpu.memref_slice %arg7[%dma_start3A_609, %dma_start3A_610, %dma_start3A_611] : memref<2x8x128xi32, #tpu.memory_space<vmem>> -> memref<1x1x128xi32, #tpu.memory_space<vmem>>
      %dma_start3A_613 = tpu.memref_squeeze %dma_start3A_612 : memref<1x1x128xi32, #tpu.memory_space<vmem>> -> memref<128xi32, #tpu.memory_space<vmem>>
      %dma_start3A_614 = arith.constant 0 : i32
      %dma_start3A_615 = arith.constant 0 : i32
      %dma_start3A_616 = tpu.memref_slice %arg2[%dma_start3A_614, %dma_start3A_615] : memref<80000x128xf32, #tpu.memory_space<hbm>> -> memref<80000x128xf32, #tpu.memory_space<hbm>>
      tpu.enqueue_indirect_dma source(%dma_start3A_616 : memref<80000x128xf32, #tpu.memory_space<hbm>>) target(%arg10 : memref<128x128xf32, #tpu.memory_space<vmem>>) offsets(%dma_start3A_613 : memref<128xi32, #tpu.memory_space<vmem>>) semaphore(%arg12 : memref<!tpu.dma_semaphore, #tpu.memory_space<semaphore_mem>>)
      %dma_wait3A_617 = arith.constant 1 : i32
      %dma_wait3A_618 = arith.constant 6 : i32
      %dma_wait3A_619 = arith.constant 0 : i32
      %dma_wait3A_620 = tpu.memref_slice %arg7[%dma_wait3A_617, %dma_wait3A_618, %dma_wait3A_619] : memref<2x8x128xi32, #tpu.memory_space<vmem>> -> memref<1x1x128xi32, #tpu.memory_space<vmem>>
      %dma_wait3A_621 = tpu.memref_squeeze %dma_wait3A_620 : memref<1x1x128xi32, #tpu.memory_space<vmem>> -> memref<128xi32, #tpu.memory_space<vmem>>
      %dma_wait3A_622 = arith.constant 0 : i32
      %dma_wait3A_623 = arith.constant 0 : i32
      %dma_wait3A_624 = tpu.memref_slice %arg2[%dma_wait3A_622, %dma_wait3A_623] : memref<80000x128xf32, #tpu.memory_space<hbm>> -> memref<80000x128xf32, #tpu.memory_space<hbm>>
      tpu.wait_indirect_dma semaphore(%arg11 : memref<!tpu.dma_semaphore, #tpu.memory_space<semaphore_mem>>) src(%dma_wait3A_624 : memref<80000x128xf32, #tpu.memory_space<hbm>>) dst(%arg9 : memref<128x128xf32, #tpu.memory_space<vmem>>)
      %run_scoped3A_625 = arith.constant 1 : i32
      %run_scoped3A_626 = arith.constant 6 : i32
      "tpu.region"() ({
        %run_scoped3A_645 = tpu.sem_alloc : memref<!tpu.dma_semaphore, #tpu.memory_space<semaphore_mem>>
        %dma_start3A_646 = arith.constant 0 : i32
        %dma_start3A_647 = tpu.memref_slice %arg8[%run_scoped3A_625, %run_scoped3A_626, %dma_start3A_646] : memref<2x8x128xi32, #tpu.memory_space<vmem>> -> memref<1x1x128xi32, #tpu.memory_space<vmem>>
        %dma_start3A_648 = tpu.memref_squeeze %dma_start3A_647 : memref<1x1x128xi32, #tpu.memory_space<vmem>> -> memref<128xi32, #tpu.memory_space<vmem>>
        %dma_start3A_649 = arith.constant 0 : i32
        %dma_start3A_650 = arith.constant 0 : i32
        %dma_start3A_651 = tpu.memref_slice %arg6[%dma_start3A_649, %dma_start3A_650] : memref<10240x128xf32, #tpu.memory_space<vmem_shared>> -> memref<10240x128xf32, #tpu.memory_space<vmem_shared>>
        tpu.enqueue_indirect_dma source(%arg9 : memref<128x128xf32, #tpu.memory_space<vmem>>) target(%dma_start3A_651 : memref<10240x128xf32, #tpu.memory_space<vmem_shared>>) offsets(%dma_start3A_648 : memref<128xi32, #tpu.memory_space<vmem>>) semaphore(%run_scoped3A_645 : memref<!tpu.dma_semaphore, #tpu.memory_space<semaphore_mem>>) {add = true}
        %dma_wait3A_652 = arith.constant 0 : i32
        %dma_wait3A_653 = tpu.memref_slice %arg8[%run_scoped3A_625, %run_scoped3A_626, %dma_wait3A_652] : memref<2x8x128xi32, #tpu.memory_space<vmem>> -> memref<1x1x128xi32, #tpu.memory_space<vmem>>
        %dma_wait3A_654 = tpu.memref_squeeze %dma_wait3A_653 : memref<1x1x128xi32, #tpu.memory_space<vmem>> -> memref<128xi32, #tpu.memory_space<vmem>>
        %dma_wait3A_655 = arith.constant 0 : i32
        %dma_wait3A_656 = arith.constant 0 : i32
        %dma_wait3A_657 = tpu.memref_slice %arg6[%dma_wait3A_655, %dma_wait3A_656] : memref<10240x128xf32, #tpu.memory_space<vmem_shared>> -> memref<10240x128xf32, #tpu.memory_space<vmem_shared>>
        tpu.wait_indirect_dma semaphore(%run_scoped3A_645 : memref<!tpu.dma_semaphore, #tpu.memory_space<semaphore_mem>>) src(%arg9 : memref<128x128xf32, #tpu.memory_space<vmem>>) dst(%dma_wait3A_657 : memref<10240x128xf32, #tpu.memory_space<vmem_shared>>)
        tpu.yield
      }) : () -> ()
      %dma_start3A_627 = arith.constant 0 : i32
      %dma_start3A_628 = arith.constant 0 : i32
      %dma_start3A_629 = arith.constant 0 : i32
      %dma_start3A_630 = tpu.memref_slice %arg7[%dma_start3A_627, %dma_start3A_628, %dma_start3A_629] : memref<2x8x128xi32, #tpu.memory_space<vmem>> -> memref<1x1x128xi32, #tpu.memory_space<vmem>>
      %dma_start3A_631 = tpu.memref_squeeze %dma_start3A_630 : memref<1x1x128xi32, #tpu.memory_space<vmem>> -> memref<128xi32, #tpu.memory_space<vmem>>
      %dma_start3A_632 = arith.constant 0 : i32
      %dma_start3A_633 = arith.constant 0 : i32
      %dma_start3A_634 = tpu.memref_slice %arg2[%dma_start3A_632, %dma_start3A_633] : memref<80000x128xf32, #tpu.memory_space<hbm>> -> memref<80000x128xf32, #tpu.memory_space<hbm>>
      tpu.enqueue_indirect_dma source(%dma_start3A_634 : memref<80000x128xf32, #tpu.memory_space<hbm>>) target(%arg9 : memref<128x128xf32, #tpu.memory_space<vmem>>) offsets(%dma_start3A_631 : memref<128xi32, #tpu.memory_space<vmem>>) semaphore(%arg11 : memref<!tpu.dma_semaphore, #tpu.memory_space<semaphore_mem>>)
      %dma_wait3A_635 = arith.constant 1 : i32
      %dma_wait3A_636 = arith.constant 7 : i32
      %dma_wait3A_637 = arith.constant 0 : i32
      %dma_wait3A_638 = tpu.memref_slice %arg7[%dma_wait3A_635, %dma_wait3A_636, %dma_wait3A_637] : memref<2x8x128xi32, #tpu.memory_space<vmem>> -> memref<1x1x128xi32, #tpu.memory_space<vmem>>
      %dma_wait3A_639 = tpu.memref_squeeze %dma_wait3A_638 : memref<1x1x128xi32, #tpu.memory_space<vmem>> -> memref<128xi32, #tpu.memory_space<vmem>>
      %dma_wait3A_640 = arith.constant 0 : i32
      %dma_wait3A_641 = arith.constant 0 : i32
      %dma_wait3A_642 = tpu.memref_slice %arg2[%dma_wait3A_640, %dma_wait3A_641] : memref<80000x128xf32, #tpu.memory_space<hbm>> -> memref<80000x128xf32, #tpu.memory_space<hbm>>
      tpu.wait_indirect_dma semaphore(%arg12 : memref<!tpu.dma_semaphore, #tpu.memory_space<semaphore_mem>>) src(%dma_wait3A_642 : memref<80000x128xf32, #tpu.memory_space<hbm>>) dst(%arg10 : memref<128x128xf32, #tpu.memory_space<vmem>>)
      %run_scoped3A_643 = arith.constant 1 : i32
      %run_scoped3A_644 = arith.constant 7 : i32
      "tpu.region"() ({
        %run_scoped3A_645 = tpu.sem_alloc : memref<!tpu.dma_semaphore, #tpu.memory_space<semaphore_mem>>
        %dma_start3A_646 = arith.constant 0 : i32
        %dma_start3A_647 = tpu.memref_slice %arg8[%run_scoped3A_643, %run_scoped3A_644, %dma_start3A_646] : memref<2x8x128xi32, #tpu.memory_space<vmem>> -> memref<1x1x128xi32, #tpu.memory_space<vmem>>
        %dma_start3A_648 = tpu.memref_squeeze %dma_start3A_647 : memref<1x1x128xi32, #tpu.memory_space<vmem>> -> memref<128xi32, #tpu.memory_space<vmem>>
        %dma_start3A_649 = arith.constant 0 : i32
        %dma_start3A_650 = arith.constant 0 : i32
        %dma_start3A_651 = tpu.memref_slice %arg6[%dma_start3A_649, %dma_start3A_650] : memref<10240x128xf32, #tpu.memory_space<vmem_shared>> -> memref<10240x128xf32, #tpu.memory_space<vmem_shared>>
        tpu.enqueue_indirect_dma source(%arg10 : memref<128x128xf32, #tpu.memory_space<vmem>>) target(%dma_start3A_651 : memref<10240x128xf32, #tpu.memory_space<vmem_shared>>) offsets(%dma_start3A_648 : memref<128xi32, #tpu.memory_space<vmem>>) semaphore(%run_scoped3A_645 : memref<!tpu.dma_semaphore, #tpu.memory_space<semaphore_mem>>) {add = true}
        %dma_wait3A_652 = arith.constant 0 : i32
        %dma_wait3A_653 = tpu.memref_slice %arg8[%run_scoped3A_643, %run_scoped3A_644, %dma_wait3A_652] : memref<2x8x128xi32, #tpu.memory_space<vmem>> -> memref<1x1x128xi32, #tpu.memory_space<vmem>>
        %dma_wait3A_654 = tpu.memref_squeeze %dma_wait3A_653 : memref<1x1x128xi32, #tpu.memory_space<vmem>> -> memref<128xi32, #tpu.memory_space<vmem>>
        %dma_wait3A_655 = arith.constant 0 : i32
        %dma_wait3A_656 = arith.constant 0 : i32
        %dma_wait3A_657 = tpu.memref_slice %arg6[%dma_wait3A_655, %dma_wait3A_656] : memref<10240x128xf32, #tpu.memory_space<vmem_shared>> -> memref<10240x128xf32, #tpu.memory_space<vmem_shared>>
        tpu.wait_indirect_dma semaphore(%run_scoped3A_645 : memref<!tpu.dma_semaphore, #tpu.memory_space<semaphore_mem>>) src(%arg10 : memref<128x128xf32, #tpu.memory_space<vmem>>) dst(%dma_wait3A_657 : memref<10240x128xf32, #tpu.memory_space<vmem_shared>>)
        tpu.yield
      }) : () -> ()
    }
    %scan3A_41 = arith.constant 4 : i32
    %add3A_42 = arith.constant 10 : i32
    %add3A_43 = arith.addi %mul3A_2, %add3A_42 : i32
    %sub3A = arith.constant 2 : i32
    %sub3A_44 = arith.subi %add3A_43, %sub3A : i32
    %add3A_45 = arith.constant 1 : i32
    %add3A_46 = arith.addi %sub3A_44, %add3A_45 : i32
    %run_scoped3A_47 = arith.constant 1 : i32
    "tpu.region"() ({
      %run_scoped3A_339 = tpu.sem_alloc : memref<!tpu.dma_semaphore, #tpu.memory_space<semaphore_mem>>
      %dma_start3A_340 = arith.constant 0 : i32
      %dma_start3A_341 = arith.constant 0 : i32
      %dma_start3A_342 = tpu.memref_slice %arg7[%run_scoped3A_47, %dma_start3A_340, %dma_start3A_341] : memref<2x8x128xi32, #tpu.memory_space<vmem>> -> memref<1x8x128xi32, #tpu.memory_space<vmem>>
      %dma_start3A_343 = tpu.memref_squeeze %dma_start3A_342 : memref<1x8x128xi32, #tpu.memory_space<vmem>> -> memref<8x128xi32, #tpu.memory_space<vmem>>
      %dma_start3A_344 = arith.constant 0 : i32
      %dma_start3A_345 = arith.constant 0 : i32
      %dma_start3A_346 = tpu.memref_slice %arg3[%add3A_46, %dma_start3A_344, %dma_start3A_345] : memref<320x8x128xi32, #tpu.memory_space<hbm>> -> memref<1x8x128xi32, #tpu.memory_space<hbm>>
      %dma_start3A_347 = tpu.memref_squeeze %dma_start3A_346 : memref<1x8x128xi32, #tpu.memory_space<hbm>> -> memref<8x128xi32, #tpu.memory_space<hbm>>
      %dma_start3A_348 = arith.constant 0 : i32
      %dma_start3A_349 = arith.constant 0 : i32
      %dma_start3A_350 = tpu.memref_slice %arg7[%run_scoped3A_47, %dma_start3A_348, %dma_start3A_349] : memref<2x8x128xi32, #tpu.memory_space<vmem>> -> memref<1x8x128xi32, #tpu.memory_space<vmem>>
      %dma_start3A_351 = tpu.memref_squeeze %dma_start3A_350 : memref<1x8x128xi32, #tpu.memory_space<vmem>> -> memref<8x128xi32, #tpu.memory_space<vmem>>
      %dma_start3A_352 = arith.constant 0 : i32
      %dma_start3A_353 = arith.constant 0 : i32
      %dma_start3A_354 = tpu.memref_slice %arg3[%add3A_46, %dma_start3A_352, %dma_start3A_353] : memref<320x8x128xi32, #tpu.memory_space<hbm>> -> memref<1x8x128xi32, #tpu.memory_space<hbm>>
      %dma_start3A_355 = tpu.memref_squeeze %dma_start3A_354 : memref<1x8x128xi32, #tpu.memory_space<hbm>> -> memref<8x128xi32, #tpu.memory_space<hbm>>
      tpu.enqueue_dma source(%dma_start3A_355 : memref<8x128xi32, #tpu.memory_space<hbm>>) target(%dma_start3A_351 : memref<8x128xi32, #tpu.memory_space<vmem>>) target_semaphore(%run_scoped3A_339 : memref<!tpu.dma_semaphore, #tpu.memory_space<semaphore_mem>>)
      %dma_wait3A_356 = arith.constant 0 : i32
      %dma_wait3A_357 = arith.constant 0 : i32
      %dma_wait3A_358 = tpu.memref_slice %arg7[%run_scoped3A_47, %dma_wait3A_356, %dma_wait3A_357] : memref<2x8x128xi32, #tpu.memory_space<vmem>> -> memref<1x8x128xi32, #tpu.memory_space<vmem>>
      %dma_wait3A_359 = tpu.memref_squeeze %dma_wait3A_358 : memref<1x8x128xi32, #tpu.memory_space<vmem>> -> memref<8x128xi32, #tpu.memory_space<vmem>>
      %dma_wait3A_360 = arith.constant 0 : i32
      %dma_wait3A_361 = arith.constant 0 : i32
      %dma_wait3A_362 = tpu.memref_slice %arg3[%add3A_46, %dma_wait3A_360, %dma_wait3A_361] : memref<320x8x128xi32, #tpu.memory_space<hbm>> -> memref<1x8x128xi32, #tpu.memory_space<hbm>>
      %dma_wait3A_363 = tpu.memref_squeeze %dma_wait3A_362 : memref<1x8x128xi32, #tpu.memory_space<hbm>> -> memref<8x128xi32, #tpu.memory_space<hbm>>
      %dma_wait3A_364 = arith.constant 0 : i32
      %dma_wait3A_365 = arith.constant 0 : i32
      %dma_wait3A_366 = tpu.memref_slice %arg7[%run_scoped3A_47, %dma_wait3A_364, %dma_wait3A_365] : memref<2x8x128xi32, #tpu.memory_space<vmem>> -> memref<1x8x128xi32, #tpu.memory_space<vmem>>
      %dma_wait3A_367 = tpu.memref_squeeze %dma_wait3A_366 : memref<1x8x128xi32, #tpu.memory_space<vmem>> -> memref<8x128xi32, #tpu.memory_space<vmem>>
      %dma_wait3A_368 = arith.constant 0 : i32
      %dma_wait3A_369 = arith.constant 0 : i32
      %dma_wait3A_370 = tpu.memref_slice %arg3[%add3A_46, %dma_wait3A_368, %dma_wait3A_369] : memref<320x8x128xi32, #tpu.memory_space<hbm>> -> memref<1x8x128xi32, #tpu.memory_space<hbm>>
      %dma_wait3A_371 = tpu.memref_squeeze %dma_wait3A_370 : memref<1x8x128xi32, #tpu.memory_space<hbm>> -> memref<8x128xi32, #tpu.memory_space<hbm>>
      tpu.wait_dma2 semaphore(%run_scoped3A_339 : memref<!tpu.dma_semaphore, #tpu.memory_space<semaphore_mem>>) src(%dma_wait3A_371 : memref<8x128xi32, #tpu.memory_space<hbm>>) dst(%dma_wait3A_367 : memref<8x128xi32, #tpu.memory_space<vmem>>)
      tpu.yield
    }) : () -> ()
    %add3A_48 = arith.constant 1 : i32
    %add3A_49 = arith.addi %sub3A_44, %add3A_48 : i32
    %run_scoped3A_50 = arith.constant 1 : i32
    "tpu.region"() ({
      %run_scoped3A_339 = tpu.sem_alloc : memref<!tpu.dma_semaphore, #tpu.memory_space<semaphore_mem>>
      %dma_start3A_340 = arith.constant 0 : i32
      %dma_start3A_341 = arith.constant 0 : i32
      %dma_start3A_342 = tpu.memref_slice %arg8[%run_scoped3A_50, %dma_start3A_340, %dma_start3A_341] : memref<2x8x128xi32, #tpu.memory_space<vmem>> -> memref<1x8x128xi32, #tpu.memory_space<vmem>>
      %dma_start3A_343 = tpu.memref_squeeze %dma_start3A_342 : memref<1x8x128xi32, #tpu.memory_space<vmem>> -> memref<8x128xi32, #tpu.memory_space<vmem>>
      %dma_start3A_344 = arith.constant 0 : i32
      %dma_start3A_345 = arith.constant 0 : i32
      %dma_start3A_346 = tpu.memref_slice %arg4[%add3A_49, %dma_start3A_344, %dma_start3A_345] : memref<320x8x128xi32, #tpu.memory_space<hbm>> -> memref<1x8x128xi32, #tpu.memory_space<hbm>>
      %dma_start3A_347 = tpu.memref_squeeze %dma_start3A_346 : memref<1x8x128xi32, #tpu.memory_space<hbm>> -> memref<8x128xi32, #tpu.memory_space<hbm>>
      %dma_start3A_348 = arith.constant 0 : i32
      %dma_start3A_349 = arith.constant 0 : i32
      %dma_start3A_350 = tpu.memref_slice %arg8[%run_scoped3A_50, %dma_start3A_348, %dma_start3A_349] : memref<2x8x128xi32, #tpu.memory_space<vmem>> -> memref<1x8x128xi32, #tpu.memory_space<vmem>>
      %dma_start3A_351 = tpu.memref_squeeze %dma_start3A_350 : memref<1x8x128xi32, #tpu.memory_space<vmem>> -> memref<8x128xi32, #tpu.memory_space<vmem>>
      %dma_start3A_352 = arith.constant 0 : i32
      %dma_start3A_353 = arith.constant 0 : i32
      %dma_start3A_354 = tpu.memref_slice %arg4[%add3A_49, %dma_start3A_352, %dma_start3A_353] : memref<320x8x128xi32, #tpu.memory_space<hbm>> -> memref<1x8x128xi32, #tpu.memory_space<hbm>>
      %dma_start3A_355 = tpu.memref_squeeze %dma_start3A_354 : memref<1x8x128xi32, #tpu.memory_space<hbm>> -> memref<8x128xi32, #tpu.memory_space<hbm>>
      tpu.enqueue_dma source(%dma_start3A_355 : memref<8x128xi32, #tpu.memory_space<hbm>>) target(%dma_start3A_351 : memref<8x128xi32, #tpu.memory_space<vmem>>) target_semaphore(%run_scoped3A_339 : memref<!tpu.dma_semaphore, #tpu.memory_space<semaphore_mem>>)
      %dma_wait3A_356 = arith.constant 0 : i32
      %dma_wait3A_357 = arith.constant 0 : i32
      %dma_wait3A_358 = tpu.memref_slice %arg8[%run_scoped3A_50, %dma_wait3A_356, %dma_wait3A_357] : memref<2x8x128xi32, #tpu.memory_space<vmem>> -> memref<1x8x128xi32, #tpu.memory_space<vmem>>
      %dma_wait3A_359 = tpu.memref_squeeze %dma_wait3A_358 : memref<1x8x128xi32, #tpu.memory_space<vmem>> -> memref<8x128xi32, #tpu.memory_space<vmem>>
      %dma_wait3A_360 = arith.constant 0 : i32
      %dma_wait3A_361 = arith.constant 0 : i32
      %dma_wait3A_362 = tpu.memref_slice %arg4[%add3A_49, %dma_wait3A_360, %dma_wait3A_361] : memref<320x8x128xi32, #tpu.memory_space<hbm>> -> memref<1x8x128xi32, #tpu.memory_space<hbm>>
      %dma_wait3A_363 = tpu.memref_squeeze %dma_wait3A_362 : memref<1x8x128xi32, #tpu.memory_space<hbm>> -> memref<8x128xi32, #tpu.memory_space<hbm>>
      %dma_wait3A_364 = arith.constant 0 : i32
      %dma_wait3A_365 = arith.constant 0 : i32
      %dma_wait3A_366 = tpu.memref_slice %arg8[%run_scoped3A_50, %dma_wait3A_364, %dma_wait3A_365] : memref<2x8x128xi32, #tpu.memory_space<vmem>> -> memref<1x8x128xi32, #tpu.memory_space<vmem>>
      %dma_wait3A_367 = tpu.memref_squeeze %dma_wait3A_366 : memref<1x8x128xi32, #tpu.memory_space<vmem>> -> memref<8x128xi32, #tpu.memory_space<vmem>>
      %dma_wait3A_368 = arith.constant 0 : i32
      %dma_wait3A_369 = arith.constant 0 : i32
      %dma_wait3A_370 = tpu.memref_slice %arg4[%add3A_49, %dma_wait3A_368, %dma_wait3A_369] : memref<320x8x128xi32, #tpu.memory_space<hbm>> -> memref<1x8x128xi32, #tpu.memory_space<hbm>>
      %dma_wait3A_371 = tpu.memref_squeeze %dma_wait3A_370 : memref<1x8x128xi32, #tpu.memory_space<hbm>> -> memref<8x128xi32, #tpu.memory_space<hbm>>
      tpu.wait_dma2 semaphore(%run_scoped3A_339 : memref<!tpu.dma_semaphore, #tpu.memory_space<semaphore_mem>>) src(%dma_wait3A_371 : memref<8x128xi32, #tpu.memory_space<hbm>>) dst(%dma_wait3A_367 : memref<8x128xi32, #tpu.memory_space<vmem>>)
      tpu.yield
    }) : () -> ()
    %dma_start3A_51 = arith.constant 0 : i32
    %dma_start3A_52 = arith.constant 1 : i32
    %dma_start3A_53 = arith.constant 0 : i32
    %dma_start3A_54 = tpu.memref_slice %arg7[%dma_start3A_51, %dma_start3A_52, %dma_start3A_53] : memref<2x8x128xi32, #tpu.memory_space<vmem>> -> memref<1x1x128xi32, #tpu.memory_space<vmem>>
    %dma_start3A_55 = tpu.memref_squeeze %dma_start3A_54 : memref<1x1x128xi32, #tpu.memory_space<vmem>> -> memref<128xi32, #tpu.memory_space<vmem>>
    %dma_start3A_56 = arith.constant 0 : i32
    %dma_start3A_57 = arith.constant 0 : i32
    %dma_start3A_58 = tpu.memref_slice %arg2[%dma_start3A_56, %dma_start3A_57] : memref<80000x128xf32, #tpu.memory_space<hbm>> -> memref<80000x128xf32, #tpu.memory_space<hbm>>
    tpu.enqueue_indirect_dma source(%dma_start3A_58 : memref<80000x128xf32, #tpu.memory_space<hbm>>) target(%arg10 : memref<128x128xf32, #tpu.memory_space<vmem>>) offsets(%dma_start3A_55 : memref<128xi32, #tpu.memory_space<vmem>>) semaphore(%arg12 : memref<!tpu.dma_semaphore, #tpu.memory_space<semaphore_mem>>)
    %dma_wait3A = arith.constant 0 : i32
    %dma_wait3A_59 = arith.constant 0 : i32
    %dma_wait3A_60 = arith.constant 0 : i32
    %dma_wait3A_61 = tpu.memref_slice %arg7[%dma_wait3A, %dma_wait3A_59, %dma_wait3A_60] : memref<2x8x128xi32, #tpu.memory_space<vmem>> -> memref<1x1x128xi32, #tpu.memory_space<vmem>>
    %dma_wait3A_62 = tpu.memref_squeeze %dma_wait3A_61 : memref<1x1x128xi32, #tpu.memory_space<vmem>> -> memref<128xi32, #tpu.memory_space<vmem>>
    %dma_wait3A_63 = arith.constant 0 : i32
    %dma_wait3A_64 = arith.constant 0 : i32
    %dma_wait3A_65 = tpu.memref_slice %arg2[%dma_wait3A_63, %dma_wait3A_64] : memref<80000x128xf32, #tpu.memory_space<hbm>> -> memref<80000x128xf32, #tpu.memory_space<hbm>>
    tpu.wait_indirect_dma semaphore(%arg11 : memref<!tpu.dma_semaphore, #tpu.memory_space<semaphore_mem>>) src(%dma_wait3A_65 : memref<80000x128xf32, #tpu.memory_space<hbm>>) dst(%arg9 : memref<128x128xf32, #tpu.memory_space<vmem>>)
    %run_scoped3A_66 = arith.constant 0 : i32
    %run_scoped3A_67 = arith.constant 0 : i32
    "tpu.region"() ({
      %run_scoped3A_339 = tpu.sem_alloc : memref<!tpu.dma_semaphore, #tpu.memory_space<semaphore_mem>>
      %dma_start3A_340 = arith.constant 0 : i32
      %dma_start3A_341 = tpu.memref_slice %arg8[%run_scoped3A_66, %run_scoped3A_67, %dma_start3A_340] : memref<2x8x128xi32, #tpu.memory_space<vmem>> -> memref<1x1x128xi32, #tpu.memory_space<vmem>>
      %dma_start3A_342 = tpu.memref_squeeze %dma_start3A_341 : memref<1x1x128xi32, #tpu.memory_space<vmem>> -> memref<128xi32, #tpu.memory_space<vmem>>
      %dma_start3A_343 = arith.constant 0 : i32
      %dma_start3A_344 = arith.constant 0 : i32
      %dma_start3A_345 = tpu.memref_slice %arg6[%dma_start3A_343, %dma_start3A_344] : memref<10240x128xf32, #tpu.memory_space<vmem_shared>> -> memref<10240x128xf32, #tpu.memory_space<vmem_shared>>
      tpu.enqueue_indirect_dma source(%arg9 : memref<128x128xf32, #tpu.memory_space<vmem>>) target(%dma_start3A_345 : memref<10240x128xf32, #tpu.memory_space<vmem_shared>>) offsets(%dma_start3A_342 : memref<128xi32, #tpu.memory_space<vmem>>) semaphore(%run_scoped3A_339 : memref<!tpu.dma_semaphore, #tpu.memory_space<semaphore_mem>>) {add = true}
      %dma_wait3A_346 = arith.constant 0 : i32
      %dma_wait3A_347 = tpu.memref_slice %arg8[%run_scoped3A_66, %run_scoped3A_67, %dma_wait3A_346] : memref<2x8x128xi32, #tpu.memory_space<vmem>> -> memref<1x1x128xi32, #tpu.memory_space<vmem>>
      %dma_wait3A_348 = tpu.memref_squeeze %dma_wait3A_347 : memref<1x1x128xi32, #tpu.memory_space<vmem>> -> memref<128xi32, #tpu.memory_space<vmem>>
      %dma_wait3A_349 = arith.constant 0 : i32
      %dma_wait3A_350 = arith.constant 0 : i32
      %dma_wait3A_351 = tpu.memref_slice %arg6[%dma_wait3A_349, %dma_wait3A_350] : memref<10240x128xf32, #tpu.memory_space<vmem_shared>> -> memref<10240x128xf32, #tpu.memory_space<vmem_shared>>
      tpu.wait_indirect_dma semaphore(%run_scoped3A_339 : memref<!tpu.dma_semaphore, #tpu.memory_space<semaphore_mem>>) src(%arg9 : memref<128x128xf32, #tpu.memory_space<vmem>>) dst(%dma_wait3A_351 : memref<10240x128xf32, #tpu.memory_space<vmem_shared>>)
      tpu.yield
    }) : () -> ()
    %dma_start3A_68 = arith.constant 0 : i32
    %dma_start3A_69 = arith.constant 2 : i32
    %dma_start3A_70 = arith.constant 0 : i32
    %dma_start3A_71 = tpu.memref_slice %arg7[%dma_start3A_68, %dma_start3A_69, %dma_start3A_70] : memref<2x8x128xi32, #tpu.memory_space<vmem>> -> memref<1x1x128xi32, #tpu.memory_space<vmem>>
    %dma_start3A_72 = tpu.memref_squeeze %dma_start3A_71 : memref<1x1x128xi32, #tpu.memory_space<vmem>> -> memref<128xi32, #tpu.memory_space<vmem>>
    %dma_start3A_73 = arith.constant 0 : i32
    %dma_start3A_74 = arith.constant 0 : i32
    %dma_start3A_75 = tpu.memref_slice %arg2[%dma_start3A_73, %dma_start3A_74] : memref<80000x128xf32, #tpu.memory_space<hbm>> -> memref<80000x128xf32, #tpu.memory_space<hbm>>
    tpu.enqueue_indirect_dma source(%dma_start3A_75 : memref<80000x128xf32, #tpu.memory_space<hbm>>) target(%arg9 : memref<128x128xf32, #tpu.memory_space<vmem>>) offsets(%dma_start3A_72 : memref<128xi32, #tpu.memory_space<vmem>>) semaphore(%arg11 : memref<!tpu.dma_semaphore, #tpu.memory_space<semaphore_mem>>)
    %dma_wait3A_76 = arith.constant 0 : i32
    %dma_wait3A_77 = arith.constant 1 : i32
    %dma_wait3A_78 = arith.constant 0 : i32
    %dma_wait3A_79 = tpu.memref_slice %arg7[%dma_wait3A_76, %dma_wait3A_77, %dma_wait3A_78] : memref<2x8x128xi32, #tpu.memory_space<vmem>> -> memref<1x1x128xi32, #tpu.memory_space<vmem>>
    %dma_wait3A_80 = tpu.memref_squeeze %dma_wait3A_79 : memref<1x1x128xi32, #tpu.memory_space<vmem>> -> memref<128xi32, #tpu.memory_space<vmem>>
    %dma_wait3A_81 = arith.constant 0 : i32
    %dma_wait3A_82 = arith.constant 0 : i32
    %dma_wait3A_83 = tpu.memref_slice %arg2[%dma_wait3A_81, %dma_wait3A_82] : memref<80000x128xf32, #tpu.memory_space<hbm>> -> memref<80000x128xf32, #tpu.memory_space<hbm>>
    tpu.wait_indirect_dma semaphore(%arg12 : memref<!tpu.dma_semaphore, #tpu.memory_space<semaphore_mem>>) src(%dma_wait3A_83 : memref<80000x128xf32, #tpu.memory_space<hbm>>) dst(%arg10 : memref<128x128xf32, #tpu.memory_space<vmem>>)
    %run_scoped3A_84 = arith.constant 0 : i32
    %run_scoped3A_85 = arith.constant 1 : i32
    "tpu.region"() ({
      %run_scoped3A_339 = tpu.sem_alloc : memref<!tpu.dma_semaphore, #tpu.memory_space<semaphore_mem>>
      %dma_start3A_340 = arith.constant 0 : i32
      %dma_start3A_341 = tpu.memref_slice %arg8[%run_scoped3A_84, %run_scoped3A_85, %dma_start3A_340] : memref<2x8x128xi32, #tpu.memory_space<vmem>> -> memref<1x1x128xi32, #tpu.memory_space<vmem>>
      %dma_start3A_342 = tpu.memref_squeeze %dma_start3A_341 : memref<1x1x128xi32, #tpu.memory_space<vmem>> -> memref<128xi32, #tpu.memory_space<vmem>>
      %dma_start3A_343 = arith.constant 0 : i32
      %dma_start3A_344 = arith.constant 0 : i32
      %dma_start3A_345 = tpu.memref_slice %arg6[%dma_start3A_343, %dma_start3A_344] : memref<10240x128xf32, #tpu.memory_space<vmem_shared>> -> memref<10240x128xf32, #tpu.memory_space<vmem_shared>>
      tpu.enqueue_indirect_dma source(%arg10 : memref<128x128xf32, #tpu.memory_space<vmem>>) target(%dma_start3A_345 : memref<10240x128xf32, #tpu.memory_space<vmem_shared>>) offsets(%dma_start3A_342 : memref<128xi32, #tpu.memory_space<vmem>>) semaphore(%run_scoped3A_339 : memref<!tpu.dma_semaphore, #tpu.memory_space<semaphore_mem>>) {add = true}
      %dma_wait3A_346 = arith.constant 0 : i32
      %dma_wait3A_347 = tpu.memref_slice %arg8[%run_scoped3A_84, %run_scoped3A_85, %dma_wait3A_346] : memref<2x8x128xi32, #tpu.memory_space<vmem>> -> memref<1x1x128xi32, #tpu.memory_space<vmem>>
      %dma_wait3A_348 = tpu.memref_squeeze %dma_wait3A_347 : memref<1x1x128xi32, #tpu.memory_space<vmem>> -> memref<128xi32, #tpu.memory_space<vmem>>
      %dma_wait3A_349 = arith.constant 0 : i32
      %dma_wait3A_350 = arith.constant 0 : i32
      %dma_wait3A_351 = tpu.memref_slice %arg6[%dma_wait3A_349, %dma_wait3A_350] : memref<10240x128xf32, #tpu.memory_space<vmem_shared>> -> memref<10240x128xf32, #tpu.memory_space<vmem_shared>>
      tpu.wait_indirect_dma semaphore(%run_scoped3A_339 : memref<!tpu.dma_semaphore, #tpu.memory_space<semaphore_mem>>) src(%arg10 : memref<128x128xf32, #tpu.memory_space<vmem>>) dst(%dma_wait3A_351 : memref<10240x128xf32, #tpu.memory_space<vmem_shared>>)
      tpu.yield
    }) : () -> ()
    %dma_start3A_86 = arith.constant 0 : i32
    %dma_start3A_87 = arith.constant 3 : i32
    %dma_start3A_88 = arith.constant 0 : i32
    %dma_start3A_89 = tpu.memref_slice %arg7[%dma_start3A_86, %dma_start3A_87, %dma_start3A_88] : memref<2x8x128xi32, #tpu.memory_space<vmem>> -> memref<1x1x128xi32, #tpu.memory_space<vmem>>
    %dma_start3A_90 = tpu.memref_squeeze %dma_start3A_89 : memref<1x1x128xi32, #tpu.memory_space<vmem>> -> memref<128xi32, #tpu.memory_space<vmem>>
    %dma_start3A_91 = arith.constant 0 : i32
    %dma_start3A_92 = arith.constant 0 : i32
    %dma_start3A_93 = tpu.memref_slice %arg2[%dma_start3A_91, %dma_start3A_92] : memref<80000x128xf32, #tpu.memory_space<hbm>> -> memref<80000x128xf32, #tpu.memory_space<hbm>>
    tpu.enqueue_indirect_dma source(%dma_start3A_93 : memref<80000x128xf32, #tpu.memory_space<hbm>>) target(%arg10 : memref<128x128xf32, #tpu.memory_space<vmem>>) offsets(%dma_start3A_90 : memref<128xi32, #tpu.memory_space<vmem>>) semaphore(%arg12 : memref<!tpu.dma_semaphore, #tpu.memory_space<semaphore_mem>>)
    %dma_wait3A_94 = arith.constant 0 : i32
    %dma_wait3A_95 = arith.constant 2 : i32
    %dma_wait3A_96 = arith.constant 0 : i32
    %dma_wait3A_97 = tpu.memref_slice %arg7[%dma_wait3A_94, %dma_wait3A_95, %dma_wait3A_96] : memref<2x8x128xi32, #tpu.memory_space<vmem>> -> memref<1x1x128xi32, #tpu.memory_space<vmem>>
    %dma_wait3A_98 = tpu.memref_squeeze %dma_wait3A_97 : memref<1x1x128xi32, #tpu.memory_space<vmem>> -> memref<128xi32, #tpu.memory_space<vmem>>
    %dma_wait3A_99 = arith.constant 0 : i32
    %dma_wait3A_100 = arith.constant 0 : i32
    %dma_wait3A_101 = tpu.memref_slice %arg2[%dma_wait3A_99, %dma_wait3A_100] : memref<80000x128xf32, #tpu.memory_space<hbm>> -> memref<80000x128xf32, #tpu.memory_space<hbm>>
    tpu.wait_indirect_dma semaphore(%arg11 : memref<!tpu.dma_semaphore, #tpu.memory_space<semaphore_mem>>) src(%dma_wait3A_101 : memref<80000x128xf32, #tpu.memory_space<hbm>>) dst(%arg9 : memref<128x128xf32, #tpu.memory_space<vmem>>)
    %run_scoped3A_102 = arith.constant 0 : i32
    %run_scoped3A_103 = arith.constant 2 : i32
    "tpu.region"() ({
      %run_scoped3A_339 = tpu.sem_alloc : memref<!tpu.dma_semaphore, #tpu.memory_space<semaphore_mem>>
      %dma_start3A_340 = arith.constant 0 : i32
      %dma_start3A_341 = tpu.memref_slice %arg8[%run_scoped3A_102, %run_scoped3A_103, %dma_start3A_340] : memref<2x8x128xi32, #tpu.memory_space<vmem>> -> memref<1x1x128xi32, #tpu.memory_space<vmem>>
      %dma_start3A_342 = tpu.memref_squeeze %dma_start3A_341 : memref<1x1x128xi32, #tpu.memory_space<vmem>> -> memref<128xi32, #tpu.memory_space<vmem>>
      %dma_start3A_343 = arith.constant 0 : i32
      %dma_start3A_344 = arith.constant 0 : i32
      %dma_start3A_345 = tpu.memref_slice %arg6[%dma_start3A_343, %dma_start3A_344] : memref<10240x128xf32, #tpu.memory_space<vmem_shared>> -> memref<10240x128xf32, #tpu.memory_space<vmem_shared>>
      tpu.enqueue_indirect_dma source(%arg9 : memref<128x128xf32, #tpu.memory_space<vmem>>) target(%dma_start3A_345 : memref<10240x128xf32, #tpu.memory_space<vmem_shared>>) offsets(%dma_start3A_342 : memref<128xi32, #tpu.memory_space<vmem>>) semaphore(%run_scoped3A_339 : memref<!tpu.dma_semaphore, #tpu.memory_space<semaphore_mem>>) {add = true}
      %dma_wait3A_346 = arith.constant 0 : i32
      %dma_wait3A_347 = tpu.memref_slice %arg8[%run_scoped3A_102, %run_scoped3A_103, %dma_wait3A_346] : memref<2x8x128xi32, #tpu.memory_space<vmem>> -> memref<1x1x128xi32, #tpu.memory_space<vmem>>
      %dma_wait3A_348 = tpu.memref_squeeze %dma_wait3A_347 : memref<1x1x128xi32, #tpu.memory_space<vmem>> -> memref<128xi32, #tpu.memory_space<vmem>>
      %dma_wait3A_349 = arith.constant 0 : i32
      %dma_wait3A_350 = arith.constant 0 : i32
      %dma_wait3A_351 = tpu.memref_slice %arg6[%dma_wait3A_349, %dma_wait3A_350] : memref<10240x128xf32, #tpu.memory_space<vmem_shared>> -> memref<10240x128xf32, #tpu.memory_space<vmem_shared>>
      tpu.wait_indirect_dma semaphore(%run_scoped3A_339 : memref<!tpu.dma_semaphore, #tpu.memory_space<semaphore_mem>>) src(%arg9 : memref<128x128xf32, #tpu.memory_space<vmem>>) dst(%dma_wait3A_351 : memref<10240x128xf32, #tpu.memory_space<vmem_shared>>)
      tpu.yield
    }) : () -> ()
    %dma_start3A_104 = arith.constant 0 : i32
    %dma_start3A_105 = arith.constant 4 : i32
    %dma_start3A_106 = arith.constant 0 : i32
    %dma_start3A_107 = tpu.memref_slice %arg7[%dma_start3A_104, %dma_start3A_105, %dma_start3A_106] : memref<2x8x128xi32, #tpu.memory_space<vmem>> -> memref<1x1x128xi32, #tpu.memory_space<vmem>>
    %dma_start3A_108 = tpu.memref_squeeze %dma_start3A_107 : memref<1x1x128xi32, #tpu.memory_space<vmem>> -> memref<128xi32, #tpu.memory_space<vmem>>
    %dma_start3A_109 = arith.constant 0 : i32
    %dma_start3A_110 = arith.constant 0 : i32
    %dma_start3A_111 = tpu.memref_slice %arg2[%dma_start3A_109, %dma_start3A_110] : memref<80000x128xf32, #tpu.memory_space<hbm>> -> memref<80000x128xf32, #tpu.memory_space<hbm>>
    tpu.enqueue_indirect_dma source(%dma_start3A_111 : memref<80000x128xf32, #tpu.memory_space<hbm>>) target(%arg9 : memref<128x128xf32, #tpu.memory_space<vmem>>) offsets(%dma_start3A_108 : memref<128xi32, #tpu.memory_space<vmem>>) semaphore(%arg11 : memref<!tpu.dma_semaphore, #tpu.memory_space<semaphore_mem>>)
    %dma_wait3A_112 = arith.constant 0 : i32
    %dma_wait3A_113 = arith.constant 3 : i32
    %dma_wait3A_114 = arith.constant 0 : i32
    %dma_wait3A_115 = tpu.memref_slice %arg7[%dma_wait3A_112, %dma_wait3A_113, %dma_wait3A_114] : memref<2x8x128xi32, #tpu.memory_space<vmem>> -> memref<1x1x128xi32, #tpu.memory_space<vmem>>
    %dma_wait3A_116 = tpu.memref_squeeze %dma_wait3A_115 : memref<1x1x128xi32, #tpu.memory_space<vmem>> -> memref<128xi32, #tpu.memory_space<vmem>>
    %dma_wait3A_117 = arith.constant 0 : i32
    %dma_wait3A_118 = arith.constant 0 : i32
    %dma_wait3A_119 = tpu.memref_slice %arg2[%dma_wait3A_117, %dma_wait3A_118] : memref<80000x128xf32, #tpu.memory_space<hbm>> -> memref<80000x128xf32, #tpu.memory_space<hbm>>
    tpu.wait_indirect_dma semaphore(%arg12 : memref<!tpu.dma_semaphore, #tpu.memory_space<semaphore_mem>>) src(%dma_wait3A_119 : memref<80000x128xf32, #tpu.memory_space<hbm>>) dst(%arg10 : memref<128x128xf32, #tpu.memory_space<vmem>>)
    %run_scoped3A_120 = arith.constant 0 : i32
    %run_scoped3A_121 = arith.constant 3 : i32
    "tpu.region"() ({
      %run_scoped3A_339 = tpu.sem_alloc : memref<!tpu.dma_semaphore, #tpu.memory_space<semaphore_mem>>
      %dma_start3A_340 = arith.constant 0 : i32
      %dma_start3A_341 = tpu.memref_slice %arg8[%run_scoped3A_120, %run_scoped3A_121, %dma_start3A_340] : memref<2x8x128xi32, #tpu.memory_space<vmem>> -> memref<1x1x128xi32, #tpu.memory_space<vmem>>
      %dma_start3A_342 = tpu.memref_squeeze %dma_start3A_341 : memref<1x1x128xi32, #tpu.memory_space<vmem>> -> memref<128xi32, #tpu.memory_space<vmem>>
      %dma_start3A_343 = arith.constant 0 : i32
      %dma_start3A_344 = arith.constant 0 : i32
      %dma_start3A_345 = tpu.memref_slice %arg6[%dma_start3A_343, %dma_start3A_344] : memref<10240x128xf32, #tpu.memory_space<vmem_shared>> -> memref<10240x128xf32, #tpu.memory_space<vmem_shared>>
      tpu.enqueue_indirect_dma source(%arg10 : memref<128x128xf32, #tpu.memory_space<vmem>>) target(%dma_start3A_345 : memref<10240x128xf32, #tpu.memory_space<vmem_shared>>) offsets(%dma_start3A_342 : memref<128xi32, #tpu.memory_space<vmem>>) semaphore(%run_scoped3A_339 : memref<!tpu.dma_semaphore, #tpu.memory_space<semaphore_mem>>) {add = true}
      %dma_wait3A_346 = arith.constant 0 : i32
      %dma_wait3A_347 = tpu.memref_slice %arg8[%run_scoped3A_120, %run_scoped3A_121, %dma_wait3A_346] : memref<2x8x128xi32, #tpu.memory_space<vmem>> -> memref<1x1x128xi32, #tpu.memory_space<vmem>>
      %dma_wait3A_348 = tpu.memref_squeeze %dma_wait3A_347 : memref<1x1x128xi32, #tpu.memory_space<vmem>> -> memref<128xi32, #tpu.memory_space<vmem>>
      %dma_wait3A_349 = arith.constant 0 : i32
      %dma_wait3A_350 = arith.constant 0 : i32
      %dma_wait3A_351 = tpu.memref_slice %arg6[%dma_wait3A_349, %dma_wait3A_350] : memref<10240x128xf32, #tpu.memory_space<vmem_shared>> -> memref<10240x128xf32, #tpu.memory_space<vmem_shared>>
      tpu.wait_indirect_dma semaphore(%run_scoped3A_339 : memref<!tpu.dma_semaphore, #tpu.memory_space<semaphore_mem>>) src(%arg10 : memref<128x128xf32, #tpu.memory_space<vmem>>) dst(%dma_wait3A_351 : memref<10240x128xf32, #tpu.memory_space<vmem_shared>>)
      tpu.yield
    }) : () -> ()
    %dma_start3A_122 = arith.constant 0 : i32
    %dma_start3A_123 = arith.constant 5 : i32
    %dma_start3A_124 = arith.constant 0 : i32
    %dma_start3A_125 = tpu.memref_slice %arg7[%dma_start3A_122, %dma_start3A_123, %dma_start3A_124] : memref<2x8x128xi32, #tpu.memory_space<vmem>> -> memref<1x1x128xi32, #tpu.memory_space<vmem>>
    %dma_start3A_126 = tpu.memref_squeeze %dma_start3A_125 : memref<1x1x128xi32, #tpu.memory_space<vmem>> -> memref<128xi32, #tpu.memory_space<vmem>>
    %dma_start3A_127 = arith.constant 0 : i32
    %dma_start3A_128 = arith.constant 0 : i32
    %dma_start3A_129 = tpu.memref_slice %arg2[%dma_start3A_127, %dma_start3A_128] : memref<80000x128xf32, #tpu.memory_space<hbm>> -> memref<80000x128xf32, #tpu.memory_space<hbm>>
    tpu.enqueue_indirect_dma source(%dma_start3A_129 : memref<80000x128xf32, #tpu.memory_space<hbm>>) target(%arg10 : memref<128x128xf32, #tpu.memory_space<vmem>>) offsets(%dma_start3A_126 : memref<128xi32, #tpu.memory_space<vmem>>) semaphore(%arg12 : memref<!tpu.dma_semaphore, #tpu.memory_space<semaphore_mem>>)
    %dma_wait3A_130 = arith.constant 0 : i32
    %dma_wait3A_131 = arith.constant 4 : i32
    %dma_wait3A_132 = arith.constant 0 : i32
    %dma_wait3A_133 = tpu.memref_slice %arg7[%dma_wait3A_130, %dma_wait3A_131, %dma_wait3A_132] : memref<2x8x128xi32, #tpu.memory_space<vmem>> -> memref<1x1x128xi32, #tpu.memory_space<vmem>>
    %dma_wait3A_134 = tpu.memref_squeeze %dma_wait3A_133 : memref<1x1x128xi32, #tpu.memory_space<vmem>> -> memref<128xi32, #tpu.memory_space<vmem>>
    %dma_wait3A_135 = arith.constant 0 : i32
    %dma_wait3A_136 = arith.constant 0 : i32
    %dma_wait3A_137 = tpu.memref_slice %arg2[%dma_wait3A_135, %dma_wait3A_136] : memref<80000x128xf32, #tpu.memory_space<hbm>> -> memref<80000x128xf32, #tpu.memory_space<hbm>>
    tpu.wait_indirect_dma semaphore(%arg11 : memref<!tpu.dma_semaphore, #tpu.memory_space<semaphore_mem>>) src(%dma_wait3A_137 : memref<80000x128xf32, #tpu.memory_space<hbm>>) dst(%arg9 : memref<128x128xf32, #tpu.memory_space<vmem>>)
    %run_scoped3A_138 = arith.constant 0 : i32
    %run_scoped3A_139 = arith.constant 4 : i32
    "tpu.region"() ({
      %run_scoped3A_339 = tpu.sem_alloc : memref<!tpu.dma_semaphore, #tpu.memory_space<semaphore_mem>>
      %dma_start3A_340 = arith.constant 0 : i32
      %dma_start3A_341 = tpu.memref_slice %arg8[%run_scoped3A_138, %run_scoped3A_139, %dma_start3A_340] : memref<2x8x128xi32, #tpu.memory_space<vmem>> -> memref<1x1x128xi32, #tpu.memory_space<vmem>>
      %dma_start3A_342 = tpu.memref_squeeze %dma_start3A_341 : memref<1x1x128xi32, #tpu.memory_space<vmem>> -> memref<128xi32, #tpu.memory_space<vmem>>
      %dma_start3A_343 = arith.constant 0 : i32
      %dma_start3A_344 = arith.constant 0 : i32
      %dma_start3A_345 = tpu.memref_slice %arg6[%dma_start3A_343, %dma_start3A_344] : memref<10240x128xf32, #tpu.memory_space<vmem_shared>> -> memref<10240x128xf32, #tpu.memory_space<vmem_shared>>
      tpu.enqueue_indirect_dma source(%arg9 : memref<128x128xf32, #tpu.memory_space<vmem>>) target(%dma_start3A_345 : memref<10240x128xf32, #tpu.memory_space<vmem_shared>>) offsets(%dma_start3A_342 : memref<128xi32, #tpu.memory_space<vmem>>) semaphore(%run_scoped3A_339 : memref<!tpu.dma_semaphore, #tpu.memory_space<semaphore_mem>>) {add = true}
      %dma_wait3A_346 = arith.constant 0 : i32
      %dma_wait3A_347 = tpu.memref_slice %arg8[%run_scoped3A_138, %run_scoped3A_139, %dma_wait3A_346] : memref<2x8x128xi32, #tpu.memory_space<vmem>> -> memref<1x1x128xi32, #tpu.memory_space<vmem>>
      %dma_wait3A_348 = tpu.memref_squeeze %dma_wait3A_347 : memref<1x1x128xi32, #tpu.memory_space<vmem>> -> memref<128xi32, #tpu.memory_space<vmem>>
      %dma_wait3A_349 = arith.constant 0 : i32
      %dma_wait3A_350 = arith.constant 0 : i32
      %dma_wait3A_351 = tpu.memref_slice %arg6[%dma_wait3A_349, %dma_wait3A_350] : memref<10240x128xf32, #tpu.memory_space<vmem_shared>> -> memref<10240x128xf32, #tpu.memory_space<vmem_shared>>
      tpu.wait_indirect_dma semaphore(%run_scoped3A_339 : memref<!tpu.dma_semaphore, #tpu.memory_space<semaphore_mem>>) src(%arg9 : memref<128x128xf32, #tpu.memory_space<vmem>>) dst(%dma_wait3A_351 : memref<10240x128xf32, #tpu.memory_space<vmem_shared>>)
      tpu.yield
    }) : () -> ()
    %dma_start3A_140 = arith.constant 0 : i32
    %dma_start3A_141 = arith.constant 6 : i32
    %dma_start3A_142 = arith.constant 0 : i32
    %dma_start3A_143 = tpu.memref_slice %arg7[%dma_start3A_140, %dma_start3A_141, %dma_start3A_142] : memref<2x8x128xi32, #tpu.memory_space<vmem>> -> memref<1x1x128xi32, #tpu.memory_space<vmem>>
    %dma_start3A_144 = tpu.memref_squeeze %dma_start3A_143 : memref<1x1x128xi32, #tpu.memory_space<vmem>> -> memref<128xi32, #tpu.memory_space<vmem>>
    %dma_start3A_145 = arith.constant 0 : i32
    %dma_start3A_146 = arith.constant 0 : i32
    %dma_start3A_147 = tpu.memref_slice %arg2[%dma_start3A_145, %dma_start3A_146] : memref<80000x128xf32, #tpu.memory_space<hbm>> -> memref<80000x128xf32, #tpu.memory_space<hbm>>
    tpu.enqueue_indirect_dma source(%dma_start3A_147 : memref<80000x128xf32, #tpu.memory_space<hbm>>) target(%arg9 : memref<128x128xf32, #tpu.memory_space<vmem>>) offsets(%dma_start3A_144 : memref<128xi32, #tpu.memory_space<vmem>>) semaphore(%arg11 : memref<!tpu.dma_semaphore, #tpu.memory_space<semaphore_mem>>)
    %dma_wait3A_148 = arith.constant 0 : i32
    %dma_wait3A_149 = arith.constant 5 : i32
    %dma_wait3A_150 = arith.constant 0 : i32
    %dma_wait3A_151 = tpu.memref_slice %arg7[%dma_wait3A_148, %dma_wait3A_149, %dma_wait3A_150] : memref<2x8x128xi32, #tpu.memory_space<vmem>> -> memref<1x1x128xi32, #tpu.memory_space<vmem>>
    %dma_wait3A_152 = tpu.memref_squeeze %dma_wait3A_151 : memref<1x1x128xi32, #tpu.memory_space<vmem>> -> memref<128xi32, #tpu.memory_space<vmem>>
    %dma_wait3A_153 = arith.constant 0 : i32
    %dma_wait3A_154 = arith.constant 0 : i32
    %dma_wait3A_155 = tpu.memref_slice %arg2[%dma_wait3A_153, %dma_wait3A_154] : memref<80000x128xf32, #tpu.memory_space<hbm>> -> memref<80000x128xf32, #tpu.memory_space<hbm>>
    tpu.wait_indirect_dma semaphore(%arg12 : memref<!tpu.dma_semaphore, #tpu.memory_space<semaphore_mem>>) src(%dma_wait3A_155 : memref<80000x128xf32, #tpu.memory_space<hbm>>) dst(%arg10 : memref<128x128xf32, #tpu.memory_space<vmem>>)
    %run_scoped3A_156 = arith.constant 0 : i32
    %run_scoped3A_157 = arith.constant 5 : i32
    "tpu.region"() ({
      %run_scoped3A_339 = tpu.sem_alloc : memref<!tpu.dma_semaphore, #tpu.memory_space<semaphore_mem>>
      %dma_start3A_340 = arith.constant 0 : i32
      %dma_start3A_341 = tpu.memref_slice %arg8[%run_scoped3A_156, %run_scoped3A_157, %dma_start3A_340] : memref<2x8x128xi32, #tpu.memory_space<vmem>> -> memref<1x1x128xi32, #tpu.memory_space<vmem>>
      %dma_start3A_342 = tpu.memref_squeeze %dma_start3A_341 : memref<1x1x128xi32, #tpu.memory_space<vmem>> -> memref<128xi32, #tpu.memory_space<vmem>>
      %dma_start3A_343 = arith.constant 0 : i32
      %dma_start3A_344 = arith.constant 0 : i32
      %dma_start3A_345 = tpu.memref_slice %arg6[%dma_start3A_343, %dma_start3A_344] : memref<10240x128xf32, #tpu.memory_space<vmem_shared>> -> memref<10240x128xf32, #tpu.memory_space<vmem_shared>>
      tpu.enqueue_indirect_dma source(%arg10 : memref<128x128xf32, #tpu.memory_space<vmem>>) target(%dma_start3A_345 : memref<10240x128xf32, #tpu.memory_space<vmem_shared>>) offsets(%dma_start3A_342 : memref<128xi32, #tpu.memory_space<vmem>>) semaphore(%run_scoped3A_339 : memref<!tpu.dma_semaphore, #tpu.memory_space<semaphore_mem>>) {add = true}
      %dma_wait3A_346 = arith.constant 0 : i32
      %dma_wait3A_347 = tpu.memref_slice %arg8[%run_scoped3A_156, %run_scoped3A_157, %dma_wait3A_346] : memref<2x8x128xi32, #tpu.memory_space<vmem>> -> memref<1x1x128xi32, #tpu.memory_space<vmem>>
      %dma_wait3A_348 = tpu.memref_squeeze %dma_wait3A_347 : memref<1x1x128xi32, #tpu.memory_space<vmem>> -> memref<128xi32, #tpu.memory_space<vmem>>
      %dma_wait3A_349 = arith.constant 0 : i32
      %dma_wait3A_350 = arith.constant 0 : i32
      %dma_wait3A_351 = tpu.memref_slice %arg6[%dma_wait3A_349, %dma_wait3A_350] : memref<10240x128xf32, #tpu.memory_space<vmem_shared>> -> memref<10240x128xf32, #tpu.memory_space<vmem_shared>>
      tpu.wait_indirect_dma semaphore(%run_scoped3A_339 : memref<!tpu.dma_semaphore, #tpu.memory_space<semaphore_mem>>) src(%arg10 : memref<128x128xf32, #tpu.memory_space<vmem>>) dst(%dma_wait3A_351 : memref<10240x128xf32, #tpu.memory_space<vmem_shared>>)
      tpu.yield
    }) : () -> ()
    %dma_start3A_158 = arith.constant 0 : i32
    %dma_start3A_159 = arith.constant 7 : i32
    %dma_start3A_160 = arith.constant 0 : i32
    %dma_start3A_161 = tpu.memref_slice %arg7[%dma_start3A_158, %dma_start3A_159, %dma_start3A_160] : memref<2x8x128xi32, #tpu.memory_space<vmem>> -> memref<1x1x128xi32, #tpu.memory_space<vmem>>
    %dma_start3A_162 = tpu.memref_squeeze %dma_start3A_161 : memref<1x1x128xi32, #tpu.memory_space<vmem>> -> memref<128xi32, #tpu.memory_space<vmem>>
    %dma_start3A_163 = arith.constant 0 : i32
    %dma_start3A_164 = arith.constant 0 : i32
    %dma_start3A_165 = tpu.memref_slice %arg2[%dma_start3A_163, %dma_start3A_164] : memref<80000x128xf32, #tpu.memory_space<hbm>> -> memref<80000x128xf32, #tpu.memory_space<hbm>>
    tpu.enqueue_indirect_dma source(%dma_start3A_165 : memref<80000x128xf32, #tpu.memory_space<hbm>>) target(%arg10 : memref<128x128xf32, #tpu.memory_space<vmem>>) offsets(%dma_start3A_162 : memref<128xi32, #tpu.memory_space<vmem>>) semaphore(%arg12 : memref<!tpu.dma_semaphore, #tpu.memory_space<semaphore_mem>>)
    %dma_wait3A_166 = arith.constant 0 : i32
    %dma_wait3A_167 = arith.constant 6 : i32
    %dma_wait3A_168 = arith.constant 0 : i32
    %dma_wait3A_169 = tpu.memref_slice %arg7[%dma_wait3A_166, %dma_wait3A_167, %dma_wait3A_168] : memref<2x8x128xi32, #tpu.memory_space<vmem>> -> memref<1x1x128xi32, #tpu.memory_space<vmem>>
    %dma_wait3A_170 = tpu.memref_squeeze %dma_wait3A_169 : memref<1x1x128xi32, #tpu.memory_space<vmem>> -> memref<128xi32, #tpu.memory_space<vmem>>
    %dma_wait3A_171 = arith.constant 0 : i32
    %dma_wait3A_172 = arith.constant 0 : i32
    %dma_wait3A_173 = tpu.memref_slice %arg2[%dma_wait3A_171, %dma_wait3A_172] : memref<80000x128xf32, #tpu.memory_space<hbm>> -> memref<80000x128xf32, #tpu.memory_space<hbm>>
    tpu.wait_indirect_dma semaphore(%arg11 : memref<!tpu.dma_semaphore, #tpu.memory_space<semaphore_mem>>) src(%dma_wait3A_173 : memref<80000x128xf32, #tpu.memory_space<hbm>>) dst(%arg9 : memref<128x128xf32, #tpu.memory_space<vmem>>)
    %run_scoped3A_174 = arith.constant 0 : i32
    %run_scoped3A_175 = arith.constant 6 : i32
    "tpu.region"() ({
      %run_scoped3A_339 = tpu.sem_alloc : memref<!tpu.dma_semaphore, #tpu.memory_space<semaphore_mem>>
      %dma_start3A_340 = arith.constant 0 : i32
      %dma_start3A_341 = tpu.memref_slice %arg8[%run_scoped3A_174, %run_scoped3A_175, %dma_start3A_340] : memref<2x8x128xi32, #tpu.memory_space<vmem>> -> memref<1x1x128xi32, #tpu.memory_space<vmem>>
      %dma_start3A_342 = tpu.memref_squeeze %dma_start3A_341 : memref<1x1x128xi32, #tpu.memory_space<vmem>> -> memref<128xi32, #tpu.memory_space<vmem>>
      %dma_start3A_343 = arith.constant 0 : i32
      %dma_start3A_344 = arith.constant 0 : i32
      %dma_start3A_345 = tpu.memref_slice %arg6[%dma_start3A_343, %dma_start3A_344] : memref<10240x128xf32, #tpu.memory_space<vmem_shared>> -> memref<10240x128xf32, #tpu.memory_space<vmem_shared>>
      tpu.enqueue_indirect_dma source(%arg9 : memref<128x128xf32, #tpu.memory_space<vmem>>) target(%dma_start3A_345 : memref<10240x128xf32, #tpu.memory_space<vmem_shared>>) offsets(%dma_start3A_342 : memref<128xi32, #tpu.memory_space<vmem>>) semaphore(%run_scoped3A_339 : memref<!tpu.dma_semaphore, #tpu.memory_space<semaphore_mem>>) {add = true}
      %dma_wait3A_346 = arith.constant 0 : i32
      %dma_wait3A_347 = tpu.memref_slice %arg8[%run_scoped3A_174, %run_scoped3A_175, %dma_wait3A_346] : memref<2x8x128xi32, #tpu.memory_space<vmem>> -> memref<1x1x128xi32, #tpu.memory_space<vmem>>
      %dma_wait3A_348 = tpu.memref_squeeze %dma_wait3A_347 : memref<1x1x128xi32, #tpu.memory_space<vmem>> -> memref<128xi32, #tpu.memory_space<vmem>>
      %dma_wait3A_349 = arith.constant 0 : i32
      %dma_wait3A_350 = arith.constant 0 : i32
      %dma_wait3A_351 = tpu.memref_slice %arg6[%dma_wait3A_349, %dma_wait3A_350] : memref<10240x128xf32, #tpu.memory_space<vmem_shared>> -> memref<10240x128xf32, #tpu.memory_space<vmem_shared>>
      tpu.wait_indirect_dma semaphore(%run_scoped3A_339 : memref<!tpu.dma_semaphore, #tpu.memory_space<semaphore_mem>>) src(%arg9 : memref<128x128xf32, #tpu.memory_space<vmem>>) dst(%dma_wait3A_351 : memref<10240x128xf32, #tpu.memory_space<vmem_shared>>)
      tpu.yield
    }) : () -> ()
    %dma_start3A_176 = arith.constant 1 : i32
    %dma_start3A_177 = arith.constant 0 : i32
    %dma_start3A_178 = arith.constant 0 : i32
    %dma_start3A_179 = tpu.memref_slice %arg7[%dma_start3A_176, %dma_start3A_177, %dma_start3A_178] : memref<2x8x128xi32, #tpu.memory_space<vmem>> -> memref<1x1x128xi32, #tpu.memory_space<vmem>>
    %dma_start3A_180 = tpu.memref_squeeze %dma_start3A_179 : memref<1x1x128xi32, #tpu.memory_space<vmem>> -> memref<128xi32, #tpu.memory_space<vmem>>
    %dma_start3A_181 = arith.constant 0 : i32
    %dma_start3A_182 = arith.constant 0 : i32
    %dma_start3A_183 = tpu.memref_slice %arg2[%dma_start3A_181, %dma_start3A_182] : memref<80000x128xf32, #tpu.memory_space<hbm>> -> memref<80000x128xf32, #tpu.memory_space<hbm>>
    tpu.enqueue_indirect_dma source(%dma_start3A_183 : memref<80000x128xf32, #tpu.memory_space<hbm>>) target(%arg9 : memref<128x128xf32, #tpu.memory_space<vmem>>) offsets(%dma_start3A_180 : memref<128xi32, #tpu.memory_space<vmem>>) semaphore(%arg11 : memref<!tpu.dma_semaphore, #tpu.memory_space<semaphore_mem>>)
    %dma_wait3A_184 = arith.constant 0 : i32
    %dma_wait3A_185 = arith.constant 7 : i32
    %dma_wait3A_186 = arith.constant 0 : i32
    %dma_wait3A_187 = tpu.memref_slice %arg7[%dma_wait3A_184, %dma_wait3A_185, %dma_wait3A_186] : memref<2x8x128xi32, #tpu.memory_space<vmem>> -> memref<1x1x128xi32, #tpu.memory_space<vmem>>
    %dma_wait3A_188 = tpu.memref_squeeze %dma_wait3A_187 : memref<1x1x128xi32, #tpu.memory_space<vmem>> -> memref<128xi32, #tpu.memory_space<vmem>>
    %dma_wait3A_189 = arith.constant 0 : i32
    %dma_wait3A_190 = arith.constant 0 : i32
    %dma_wait3A_191 = tpu.memref_slice %arg2[%dma_wait3A_189, %dma_wait3A_190] : memref<80000x128xf32, #tpu.memory_space<hbm>> -> memref<80000x128xf32, #tpu.memory_space<hbm>>
    tpu.wait_indirect_dma semaphore(%arg12 : memref<!tpu.dma_semaphore, #tpu.memory_space<semaphore_mem>>) src(%dma_wait3A_191 : memref<80000x128xf32, #tpu.memory_space<hbm>>) dst(%arg10 : memref<128x128xf32, #tpu.memory_space<vmem>>)
    %run_scoped3A_192 = arith.constant 0 : i32
    %run_scoped3A_193 = arith.constant 7 : i32
    "tpu.region"() ({
      %run_scoped3A_339 = tpu.sem_alloc : memref<!tpu.dma_semaphore, #tpu.memory_space<semaphore_mem>>
      %dma_start3A_340 = arith.constant 0 : i32
      %dma_start3A_341 = tpu.memref_slice %arg8[%run_scoped3A_192, %run_scoped3A_193, %dma_start3A_340] : memref<2x8x128xi32, #tpu.memory_space<vmem>> -> memref<1x1x128xi32, #tpu.memory_space<vmem>>
      %dma_start3A_342 = tpu.memref_squeeze %dma_start3A_341 : memref<1x1x128xi32, #tpu.memory_space<vmem>> -> memref<128xi32, #tpu.memory_space<vmem>>
      %dma_start3A_343 = arith.constant 0 : i32
      %dma_start3A_344 = arith.constant 0 : i32
      %dma_start3A_345 = tpu.memref_slice %arg6[%dma_start3A_343, %dma_start3A_344] : memref<10240x128xf32, #tpu.memory_space<vmem_shared>> -> memref<10240x128xf32, #tpu.memory_space<vmem_shared>>
      tpu.enqueue_indirect_dma source(%arg10 : memref<128x128xf32, #tpu.memory_space<vmem>>) target(%dma_start3A_345 : memref<10240x128xf32, #tpu.memory_space<vmem_shared>>) offsets(%dma_start3A_342 : memref<128xi32, #tpu.memory_space<vmem>>) semaphore(%run_scoped3A_339 : memref<!tpu.dma_semaphore, #tpu.memory_space<semaphore_mem>>) {add = true}
      %dma_wait3A_346 = arith.constant 0 : i32
      %dma_wait3A_347 = tpu.memref_slice %arg8[%run_scoped3A_192, %run_scoped3A_193, %dma_wait3A_346] : memref<2x8x128xi32, #tpu.memory_space<vmem>> -> memref<1x1x128xi32, #tpu.memory_space<vmem>>
      %dma_wait3A_348 = tpu.memref_squeeze %dma_wait3A_347 : memref<1x1x128xi32, #tpu.memory_space<vmem>> -> memref<128xi32, #tpu.memory_space<vmem>>
      %dma_wait3A_349 = arith.constant 0 : i32
      %dma_wait3A_350 = arith.constant 0 : i32
      %dma_wait3A_351 = tpu.memref_slice %arg6[%dma_wait3A_349, %dma_wait3A_350] : memref<10240x128xf32, #tpu.memory_space<vmem_shared>> -> memref<10240x128xf32, #tpu.memory_space<vmem_shared>>
      tpu.wait_indirect_dma semaphore(%run_scoped3A_339 : memref<!tpu.dma_semaphore, #tpu.memory_space<semaphore_mem>>) src(%arg10 : memref<128x128xf32, #tpu.memory_space<vmem>>) dst(%dma_wait3A_351 : memref<10240x128xf32, #tpu.memory_space<vmem_shared>>)
      tpu.yield
    }) : () -> ()
    %add3A_194 = arith.constant 10 : i32
    %add3A_195 = arith.addi %mul3A_2, %add3A_194 : i32
    %sub3A_196 = arith.constant 1 : i32
    %sub3A_197 = arith.subi %add3A_195, %sub3A_196 : i32
    %dma_start3A_198 = arith.constant 1 : i32
    %dma_start3A_199 = arith.constant 1 : i32
    %dma_start3A_200 = arith.constant 0 : i32
    %dma_start3A_201 = tpu.memref_slice %arg7[%dma_start3A_198, %dma_start3A_199, %dma_start3A_200] : memref<2x8x128xi32, #tpu.memory_space<vmem>> -> memref<1x1x128xi32, #tpu.memory_space<vmem>>
    %dma_start3A_202 = tpu.memref_squeeze %dma_start3A_201 : memref<1x1x128xi32, #tpu.memory_space<vmem>> -> memref<128xi32, #tpu.memory_space<vmem>>
    %dma_start3A_203 = arith.constant 0 : i32
    %dma_start3A_204 = arith.constant 0 : i32
    %dma_start3A_205 = tpu.memref_slice %arg2[%dma_start3A_203, %dma_start3A_204] : memref<80000x128xf32, #tpu.memory_space<hbm>> -> memref<80000x128xf32, #tpu.memory_space<hbm>>
    tpu.enqueue_indirect_dma source(%dma_start3A_205 : memref<80000x128xf32, #tpu.memory_space<hbm>>) target(%arg10 : memref<128x128xf32, #tpu.memory_space<vmem>>) offsets(%dma_start3A_202 : memref<128xi32, #tpu.memory_space<vmem>>) semaphore(%arg12 : memref<!tpu.dma_semaphore, #tpu.memory_space<semaphore_mem>>)
    %dma_wait3A_206 = arith.constant 1 : i32
    %dma_wait3A_207 = arith.constant 0 : i32
    %dma_wait3A_208 = arith.constant 0 : i32
    %dma_wait3A_209 = tpu.memref_slice %arg7[%dma_wait3A_206, %dma_wait3A_207, %dma_wait3A_208] : memref<2x8x128xi32, #tpu.memory_space<vmem>> -> memref<1x1x128xi32, #tpu.memory_space<vmem>>
    %dma_wait3A_210 = tpu.memref_squeeze %dma_wait3A_209 : memref<1x1x128xi32, #tpu.memory_space<vmem>> -> memref<128xi32, #tpu.memory_space<vmem>>
    %dma_wait3A_211 = arith.constant 0 : i32
    %dma_wait3A_212 = arith.constant 0 : i32
    %dma_wait3A_213 = tpu.memref_slice %arg2[%dma_wait3A_211, %dma_wait3A_212] : memref<80000x128xf32, #tpu.memory_space<hbm>> -> memref<80000x128xf32, #tpu.memory_space<hbm>>
    tpu.wait_indirect_dma semaphore(%arg11 : memref<!tpu.dma_semaphore, #tpu.memory_space<semaphore_mem>>) src(%dma_wait3A_213 : memref<80000x128xf32, #tpu.memory_space<hbm>>) dst(%arg9 : memref<128x128xf32, #tpu.memory_space<vmem>>)
    %run_scoped3A_214 = arith.constant 1 : i32
    %run_scoped3A_215 = arith.constant 0 : i32
    "tpu.region"() ({
      %run_scoped3A_339 = tpu.sem_alloc : memref<!tpu.dma_semaphore, #tpu.memory_space<semaphore_mem>>
      %dma_start3A_340 = arith.constant 0 : i32
      %dma_start3A_341 = tpu.memref_slice %arg8[%run_scoped3A_214, %run_scoped3A_215, %dma_start3A_340] : memref<2x8x128xi32, #tpu.memory_space<vmem>> -> memref<1x1x128xi32, #tpu.memory_space<vmem>>
      %dma_start3A_342 = tpu.memref_squeeze %dma_start3A_341 : memref<1x1x128xi32, #tpu.memory_space<vmem>> -> memref<128xi32, #tpu.memory_space<vmem>>
      %dma_start3A_343 = arith.constant 0 : i32
      %dma_start3A_344 = arith.constant 0 : i32
      %dma_start3A_345 = tpu.memref_slice %arg6[%dma_start3A_343, %dma_start3A_344] : memref<10240x128xf32, #tpu.memory_space<vmem_shared>> -> memref<10240x128xf32, #tpu.memory_space<vmem_shared>>
      tpu.enqueue_indirect_dma source(%arg9 : memref<128x128xf32, #tpu.memory_space<vmem>>) target(%dma_start3A_345 : memref<10240x128xf32, #tpu.memory_space<vmem_shared>>) offsets(%dma_start3A_342 : memref<128xi32, #tpu.memory_space<vmem>>) semaphore(%run_scoped3A_339 : memref<!tpu.dma_semaphore, #tpu.memory_space<semaphore_mem>>) {add = true}
      %dma_wait3A_346 = arith.constant 0 : i32
      %dma_wait3A_347 = tpu.memref_slice %arg8[%run_scoped3A_214, %run_scoped3A_215, %dma_wait3A_346] : memref<2x8x128xi32, #tpu.memory_space<vmem>> -> memref<1x1x128xi32, #tpu.memory_space<vmem>>
      %dma_wait3A_348 = tpu.memref_squeeze %dma_wait3A_347 : memref<1x1x128xi32, #tpu.memory_space<vmem>> -> memref<128xi32, #tpu.memory_space<vmem>>
      %dma_wait3A_349 = arith.constant 0 : i32
      %dma_wait3A_350 = arith.constant 0 : i32
      %dma_wait3A_351 = tpu.memref_slice %arg6[%dma_wait3A_349, %dma_wait3A_350] : memref<10240x128xf32, #tpu.memory_space<vmem_shared>> -> memref<10240x128xf32, #tpu.memory_space<vmem_shared>>
      tpu.wait_indirect_dma semaphore(%run_scoped3A_339 : memref<!tpu.dma_semaphore, #tpu.memory_space<semaphore_mem>>) src(%arg9 : memref<128x128xf32, #tpu.memory_space<vmem>>) dst(%dma_wait3A_351 : memref<10240x128xf32, #tpu.memory_space<vmem_shared>>)
      tpu.yield
    }) : () -> ()
    %dma_start3A_216 = arith.constant 1 : i32
    %dma_start3A_217 = arith.constant 2 : i32
    %dma_start3A_218 = arith.constant 0 : i32
    %dma_start3A_219 = tpu.memref_slice %arg7[%dma_start3A_216, %dma_start3A_217, %dma_start3A_218] : memref<2x8x128xi32, #tpu.memory_space<vmem>> -> memref<1x1x128xi32, #tpu.memory_space<vmem>>
    %dma_start3A_220 = tpu.memref_squeeze %dma_start3A_219 : memref<1x1x128xi32, #tpu.memory_space<vmem>> -> memref<128xi32, #tpu.memory_space<vmem>>
    %dma_start3A_221 = arith.constant 0 : i32
    %dma_start3A_222 = arith.constant 0 : i32
    %dma_start3A_223 = tpu.memref_slice %arg2[%dma_start3A_221, %dma_start3A_222] : memref<80000x128xf32, #tpu.memory_space<hbm>> -> memref<80000x128xf32, #tpu.memory_space<hbm>>
    tpu.enqueue_indirect_dma source(%dma_start3A_223 : memref<80000x128xf32, #tpu.memory_space<hbm>>) target(%arg9 : memref<128x128xf32, #tpu.memory_space<vmem>>) offsets(%dma_start3A_220 : memref<128xi32, #tpu.memory_space<vmem>>) semaphore(%arg11 : memref<!tpu.dma_semaphore, #tpu.memory_space<semaphore_mem>>)
    %dma_wait3A_224 = arith.constant 1 : i32
    %dma_wait3A_225 = arith.constant 1 : i32
    %dma_wait3A_226 = arith.constant 0 : i32
    %dma_wait3A_227 = tpu.memref_slice %arg7[%dma_wait3A_224, %dma_wait3A_225, %dma_wait3A_226] : memref<2x8x128xi32, #tpu.memory_space<vmem>> -> memref<1x1x128xi32, #tpu.memory_space<vmem>>
    %dma_wait3A_228 = tpu.memref_squeeze %dma_wait3A_227 : memref<1x1x128xi32, #tpu.memory_space<vmem>> -> memref<128xi32, #tpu.memory_space<vmem>>
    %dma_wait3A_229 = arith.constant 0 : i32
    %dma_wait3A_230 = arith.constant 0 : i32
    %dma_wait3A_231 = tpu.memref_slice %arg2[%dma_wait3A_229, %dma_wait3A_230] : memref<80000x128xf32, #tpu.memory_space<hbm>> -> memref<80000x128xf32, #tpu.memory_space<hbm>>
    tpu.wait_indirect_dma semaphore(%arg12 : memref<!tpu.dma_semaphore, #tpu.memory_space<semaphore_mem>>) src(%dma_wait3A_231 : memref<80000x128xf32, #tpu.memory_space<hbm>>) dst(%arg10 : memref<128x128xf32, #tpu.memory_space<vmem>>)
    %run_scoped3A_232 = arith.constant 1 : i32
    %run_scoped3A_233 = arith.constant 1 : i32
    "tpu.region"() ({
      %run_scoped3A_339 = tpu.sem_alloc : memref<!tpu.dma_semaphore, #tpu.memory_space<semaphore_mem>>
      %dma_start3A_340 = arith.constant 0 : i32
      %dma_start3A_341 = tpu.memref_slice %arg8[%run_scoped3A_232, %run_scoped3A_233, %dma_start3A_340] : memref<2x8x128xi32, #tpu.memory_space<vmem>> -> memref<1x1x128xi32, #tpu.memory_space<vmem>>
      %dma_start3A_342 = tpu.memref_squeeze %dma_start3A_341 : memref<1x1x128xi32, #tpu.memory_space<vmem>> -> memref<128xi32, #tpu.memory_space<vmem>>
      %dma_start3A_343 = arith.constant 0 : i32
      %dma_start3A_344 = arith.constant 0 : i32
      %dma_start3A_345 = tpu.memref_slice %arg6[%dma_start3A_343, %dma_start3A_344] : memref<10240x128xf32, #tpu.memory_space<vmem_shared>> -> memref<10240x128xf32, #tpu.memory_space<vmem_shared>>
      tpu.enqueue_indirect_dma source(%arg10 : memref<128x128xf32, #tpu.memory_space<vmem>>) target(%dma_start3A_345 : memref<10240x128xf32, #tpu.memory_space<vmem_shared>>) offsets(%dma_start3A_342 : memref<128xi32, #tpu.memory_space<vmem>>) semaphore(%run_scoped3A_339 : memref<!tpu.dma_semaphore, #tpu.memory_space<semaphore_mem>>) {add = true}
      %dma_wait3A_346 = arith.constant 0 : i32
      %dma_wait3A_347 = tpu.memref_slice %arg8[%run_scoped3A_232, %run_scoped3A_233, %dma_wait3A_346] : memref<2x8x128xi32, #tpu.memory_space<vmem>> -> memref<1x1x128xi32, #tpu.memory_space<vmem>>
      %dma_wait3A_348 = tpu.memref_squeeze %dma_wait3A_347 : memref<1x1x128xi32, #tpu.memory_space<vmem>> -> memref<128xi32, #tpu.memory_space<vmem>>
      %dma_wait3A_349 = arith.constant 0 : i32
      %dma_wait3A_350 = arith.constant 0 : i32
      %dma_wait3A_351 = tpu.memref_slice %arg6[%dma_wait3A_349, %dma_wait3A_350] : memref<10240x128xf32, #tpu.memory_space<vmem_shared>> -> memref<10240x128xf32, #tpu.memory_space<vmem_shared>>
      tpu.wait_indirect_dma semaphore(%run_scoped3A_339 : memref<!tpu.dma_semaphore, #tpu.memory_space<semaphore_mem>>) src(%arg10 : memref<128x128xf32, #tpu.memory_space<vmem>>) dst(%dma_wait3A_351 : memref<10240x128xf32, #tpu.memory_space<vmem_shared>>)
      tpu.yield
    }) : () -> ()
    %dma_start3A_234 = arith.constant 1 : i32
    %dma_start3A_235 = arith.constant 3 : i32
    %dma_start3A_236 = arith.constant 0 : i32
    %dma_start3A_237 = tpu.memref_slice %arg7[%dma_start3A_234, %dma_start3A_235, %dma_start3A_236] : memref<2x8x128xi32, #tpu.memory_space<vmem>> -> memref<1x1x128xi32, #tpu.memory_space<vmem>>
    %dma_start3A_238 = tpu.memref_squeeze %dma_start3A_237 : memref<1x1x128xi32, #tpu.memory_space<vmem>> -> memref<128xi32, #tpu.memory_space<vmem>>
    %dma_start3A_239 = arith.constant 0 : i32
    %dma_start3A_240 = arith.constant 0 : i32
    %dma_start3A_241 = tpu.memref_slice %arg2[%dma_start3A_239, %dma_start3A_240] : memref<80000x128xf32, #tpu.memory_space<hbm>> -> memref<80000x128xf32, #tpu.memory_space<hbm>>
    tpu.enqueue_indirect_dma source(%dma_start3A_241 : memref<80000x128xf32, #tpu.memory_space<hbm>>) target(%arg10 : memref<128x128xf32, #tpu.memory_space<vmem>>) offsets(%dma_start3A_238 : memref<128xi32, #tpu.memory_space<vmem>>) semaphore(%arg12 : memref<!tpu.dma_semaphore, #tpu.memory_space<semaphore_mem>>)
    %dma_wait3A_242 = arith.constant 1 : i32
    %dma_wait3A_243 = arith.constant 2 : i32
    %dma_wait3A_244 = arith.constant 0 : i32
    %dma_wait3A_245 = tpu.memref_slice %arg7[%dma_wait3A_242, %dma_wait3A_243, %dma_wait3A_244] : memref<2x8x128xi32, #tpu.memory_space<vmem>> -> memref<1x1x128xi32, #tpu.memory_space<vmem>>
    %dma_wait3A_246 = tpu.memref_squeeze %dma_wait3A_245 : memref<1x1x128xi32, #tpu.memory_space<vmem>> -> memref<128xi32, #tpu.memory_space<vmem>>
    %dma_wait3A_247 = arith.constant 0 : i32
    %dma_wait3A_248 = arith.constant 0 : i32
    %dma_wait3A_249 = tpu.memref_slice %arg2[%dma_wait3A_247, %dma_wait3A_248] : memref<80000x128xf32, #tpu.memory_space<hbm>> -> memref<80000x128xf32, #tpu.memory_space<hbm>>
    tpu.wait_indirect_dma semaphore(%arg11 : memref<!tpu.dma_semaphore, #tpu.memory_space<semaphore_mem>>) src(%dma_wait3A_249 : memref<80000x128xf32, #tpu.memory_space<hbm>>) dst(%arg9 : memref<128x128xf32, #tpu.memory_space<vmem>>)
    %run_scoped3A_250 = arith.constant 1 : i32
    %run_scoped3A_251 = arith.constant 2 : i32
    "tpu.region"() ({
      %run_scoped3A_339 = tpu.sem_alloc : memref<!tpu.dma_semaphore, #tpu.memory_space<semaphore_mem>>
      %dma_start3A_340 = arith.constant 0 : i32
      %dma_start3A_341 = tpu.memref_slice %arg8[%run_scoped3A_250, %run_scoped3A_251, %dma_start3A_340] : memref<2x8x128xi32, #tpu.memory_space<vmem>> -> memref<1x1x128xi32, #tpu.memory_space<vmem>>
      %dma_start3A_342 = tpu.memref_squeeze %dma_start3A_341 : memref<1x1x128xi32, #tpu.memory_space<vmem>> -> memref<128xi32, #tpu.memory_space<vmem>>
      %dma_start3A_343 = arith.constant 0 : i32
      %dma_start3A_344 = arith.constant 0 : i32
      %dma_start3A_345 = tpu.memref_slice %arg6[%dma_start3A_343, %dma_start3A_344] : memref<10240x128xf32, #tpu.memory_space<vmem_shared>> -> memref<10240x128xf32, #tpu.memory_space<vmem_shared>>
      tpu.enqueue_indirect_dma source(%arg9 : memref<128x128xf32, #tpu.memory_space<vmem>>) target(%dma_start3A_345 : memref<10240x128xf32, #tpu.memory_space<vmem_shared>>) offsets(%dma_start3A_342 : memref<128xi32, #tpu.memory_space<vmem>>) semaphore(%run_scoped3A_339 : memref<!tpu.dma_semaphore, #tpu.memory_space<semaphore_mem>>) {add = true}
      %dma_wait3A_346 = arith.constant 0 : i32
      %dma_wait3A_347 = tpu.memref_slice %arg8[%run_scoped3A_250, %run_scoped3A_251, %dma_wait3A_346] : memref<2x8x128xi32, #tpu.memory_space<vmem>> -> memref<1x1x128xi32, #tpu.memory_space<vmem>>
      %dma_wait3A_348 = tpu.memref_squeeze %dma_wait3A_347 : memref<1x1x128xi32, #tpu.memory_space<vmem>> -> memref<128xi32, #tpu.memory_space<vmem>>
      %dma_wait3A_349 = arith.constant 0 : i32
      %dma_wait3A_350 = arith.constant 0 : i32
      %dma_wait3A_351 = tpu.memref_slice %arg6[%dma_wait3A_349, %dma_wait3A_350] : memref<10240x128xf32, #tpu.memory_space<vmem_shared>> -> memref<10240x128xf32, #tpu.memory_space<vmem_shared>>
      tpu.wait_indirect_dma semaphore(%run_scoped3A_339 : memref<!tpu.dma_semaphore, #tpu.memory_space<semaphore_mem>>) src(%arg9 : memref<128x128xf32, #tpu.memory_space<vmem>>) dst(%dma_wait3A_351 : memref<10240x128xf32, #tpu.memory_space<vmem_shared>>)
      tpu.yield
    }) : () -> ()
    %dma_start3A_252 = arith.constant 1 : i32
    %dma_start3A_253 = arith.constant 4 : i32
    %dma_start3A_254 = arith.constant 0 : i32
    %dma_start3A_255 = tpu.memref_slice %arg7[%dma_start3A_252, %dma_start3A_253, %dma_start3A_254] : memref<2x8x128xi32, #tpu.memory_space<vmem>> -> memref<1x1x128xi32, #tpu.memory_space<vmem>>
    %dma_start3A_256 = tpu.memref_squeeze %dma_start3A_255 : memref<1x1x128xi32, #tpu.memory_space<vmem>> -> memref<128xi32, #tpu.memory_space<vmem>>
    %dma_start3A_257 = arith.constant 0 : i32
    %dma_start3A_258 = arith.constant 0 : i32
    %dma_start3A_259 = tpu.memref_slice %arg2[%dma_start3A_257, %dma_start3A_258] : memref<80000x128xf32, #tpu.memory_space<hbm>> -> memref<80000x128xf32, #tpu.memory_space<hbm>>
    tpu.enqueue_indirect_dma source(%dma_start3A_259 : memref<80000x128xf32, #tpu.memory_space<hbm>>) target(%arg9 : memref<128x128xf32, #tpu.memory_space<vmem>>) offsets(%dma_start3A_256 : memref<128xi32, #tpu.memory_space<vmem>>) semaphore(%arg11 : memref<!tpu.dma_semaphore, #tpu.memory_space<semaphore_mem>>)
    %dma_wait3A_260 = arith.constant 1 : i32
    %dma_wait3A_261 = arith.constant 3 : i32
    %dma_wait3A_262 = arith.constant 0 : i32
    %dma_wait3A_263 = tpu.memref_slice %arg7[%dma_wait3A_260, %dma_wait3A_261, %dma_wait3A_262] : memref<2x8x128xi32, #tpu.memory_space<vmem>> -> memref<1x1x128xi32, #tpu.memory_space<vmem>>
    %dma_wait3A_264 = tpu.memref_squeeze %dma_wait3A_263 : memref<1x1x128xi32, #tpu.memory_space<vmem>> -> memref<128xi32, #tpu.memory_space<vmem>>
    %dma_wait3A_265 = arith.constant 0 : i32
    %dma_wait3A_266 = arith.constant 0 : i32
    %dma_wait3A_267 = tpu.memref_slice %arg2[%dma_wait3A_265, %dma_wait3A_266] : memref<80000x128xf32, #tpu.memory_space<hbm>> -> memref<80000x128xf32, #tpu.memory_space<hbm>>
    tpu.wait_indirect_dma semaphore(%arg12 : memref<!tpu.dma_semaphore, #tpu.memory_space<semaphore_mem>>) src(%dma_wait3A_267 : memref<80000x128xf32, #tpu.memory_space<hbm>>) dst(%arg10 : memref<128x128xf32, #tpu.memory_space<vmem>>)
    %run_scoped3A_268 = arith.constant 1 : i32
    %run_scoped3A_269 = arith.constant 3 : i32
    "tpu.region"() ({
      %run_scoped3A_339 = tpu.sem_alloc : memref<!tpu.dma_semaphore, #tpu.memory_space<semaphore_mem>>
      %dma_start3A_340 = arith.constant 0 : i32
      %dma_start3A_341 = tpu.memref_slice %arg8[%run_scoped3A_268, %run_scoped3A_269, %dma_start3A_340] : memref<2x8x128xi32, #tpu.memory_space<vmem>> -> memref<1x1x128xi32, #tpu.memory_space<vmem>>
      %dma_start3A_342 = tpu.memref_squeeze %dma_start3A_341 : memref<1x1x128xi32, #tpu.memory_space<vmem>> -> memref<128xi32, #tpu.memory_space<vmem>>
      %dma_start3A_343 = arith.constant 0 : i32
      %dma_start3A_344 = arith.constant 0 : i32
      %dma_start3A_345 = tpu.memref_slice %arg6[%dma_start3A_343, %dma_start3A_344] : memref<10240x128xf32, #tpu.memory_space<vmem_shared>> -> memref<10240x128xf32, #tpu.memory_space<vmem_shared>>
      tpu.enqueue_indirect_dma source(%arg10 : memref<128x128xf32, #tpu.memory_space<vmem>>) target(%dma_start3A_345 : memref<10240x128xf32, #tpu.memory_space<vmem_shared>>) offsets(%dma_start3A_342 : memref<128xi32, #tpu.memory_space<vmem>>) semaphore(%run_scoped3A_339 : memref<!tpu.dma_semaphore, #tpu.memory_space<semaphore_mem>>) {add = true}
      %dma_wait3A_346 = arith.constant 0 : i32
      %dma_wait3A_347 = tpu.memref_slice %arg8[%run_scoped3A_268, %run_scoped3A_269, %dma_wait3A_346] : memref<2x8x128xi32, #tpu.memory_space<vmem>> -> memref<1x1x128xi32, #tpu.memory_space<vmem>>
      %dma_wait3A_348 = tpu.memref_squeeze %dma_wait3A_347 : memref<1x1x128xi32, #tpu.memory_space<vmem>> -> memref<128xi32, #tpu.memory_space<vmem>>
      %dma_wait3A_349 = arith.constant 0 : i32
      %dma_wait3A_350 = arith.constant 0 : i32
      %dma_wait3A_351 = tpu.memref_slice %arg6[%dma_wait3A_349, %dma_wait3A_350] : memref<10240x128xf32, #tpu.memory_space<vmem_shared>> -> memref<10240x128xf32, #tpu.memory_space<vmem_shared>>
      tpu.wait_indirect_dma semaphore(%run_scoped3A_339 : memref<!tpu.dma_semaphore, #tpu.memory_space<semaphore_mem>>) src(%arg10 : memref<128x128xf32, #tpu.memory_space<vmem>>) dst(%dma_wait3A_351 : memref<10240x128xf32, #tpu.memory_space<vmem_shared>>)
      tpu.yield
    }) : () -> ()
    %dma_start3A_270 = arith.constant 1 : i32
    %dma_start3A_271 = arith.constant 5 : i32
    %dma_start3A_272 = arith.constant 0 : i32
    %dma_start3A_273 = tpu.memref_slice %arg7[%dma_start3A_270, %dma_start3A_271, %dma_start3A_272] : memref<2x8x128xi32, #tpu.memory_space<vmem>> -> memref<1x1x128xi32, #tpu.memory_space<vmem>>
    %dma_start3A_274 = tpu.memref_squeeze %dma_start3A_273 : memref<1x1x128xi32, #tpu.memory_space<vmem>> -> memref<128xi32, #tpu.memory_space<vmem>>
    %dma_start3A_275 = arith.constant 0 : i32
    %dma_start3A_276 = arith.constant 0 : i32
    %dma_start3A_277 = tpu.memref_slice %arg2[%dma_start3A_275, %dma_start3A_276] : memref<80000x128xf32, #tpu.memory_space<hbm>> -> memref<80000x128xf32, #tpu.memory_space<hbm>>
    tpu.enqueue_indirect_dma source(%dma_start3A_277 : memref<80000x128xf32, #tpu.memory_space<hbm>>) target(%arg10 : memref<128x128xf32, #tpu.memory_space<vmem>>) offsets(%dma_start3A_274 : memref<128xi32, #tpu.memory_space<vmem>>) semaphore(%arg12 : memref<!tpu.dma_semaphore, #tpu.memory_space<semaphore_mem>>)
    %dma_wait3A_278 = arith.constant 1 : i32
    %dma_wait3A_279 = arith.constant 4 : i32
    %dma_wait3A_280 = arith.constant 0 : i32
    %dma_wait3A_281 = tpu.memref_slice %arg7[%dma_wait3A_278, %dma_wait3A_279, %dma_wait3A_280] : memref<2x8x128xi32, #tpu.memory_space<vmem>> -> memref<1x1x128xi32, #tpu.memory_space<vmem>>
    %dma_wait3A_282 = tpu.memref_squeeze %dma_wait3A_281 : memref<1x1x128xi32, #tpu.memory_space<vmem>> -> memref<128xi32, #tpu.memory_space<vmem>>
    %dma_wait3A_283 = arith.constant 0 : i32
    %dma_wait3A_284 = arith.constant 0 : i32
    %dma_wait3A_285 = tpu.memref_slice %arg2[%dma_wait3A_283, %dma_wait3A_284] : memref<80000x128xf32, #tpu.memory_space<hbm>> -> memref<80000x128xf32, #tpu.memory_space<hbm>>
    tpu.wait_indirect_dma semaphore(%arg11 : memref<!tpu.dma_semaphore, #tpu.memory_space<semaphore_mem>>) src(%dma_wait3A_285 : memref<80000x128xf32, #tpu.memory_space<hbm>>) dst(%arg9 : memref<128x128xf32, #tpu.memory_space<vmem>>)
    %run_scoped3A_286 = arith.constant 1 : i32
    %run_scoped3A_287 = arith.constant 4 : i32
    "tpu.region"() ({
      %run_scoped3A_339 = tpu.sem_alloc : memref<!tpu.dma_semaphore, #tpu.memory_space<semaphore_mem>>
      %dma_start3A_340 = arith.constant 0 : i32
      %dma_start3A_341 = tpu.memref_slice %arg8[%run_scoped3A_286, %run_scoped3A_287, %dma_start3A_340] : memref<2x8x128xi32, #tpu.memory_space<vmem>> -> memref<1x1x128xi32, #tpu.memory_space<vmem>>
      %dma_start3A_342 = tpu.memref_squeeze %dma_start3A_341 : memref<1x1x128xi32, #tpu.memory_space<vmem>> -> memref<128xi32, #tpu.memory_space<vmem>>
      %dma_start3A_343 = arith.constant 0 : i32
      %dma_start3A_344 = arith.constant 0 : i32
      %dma_start3A_345 = tpu.memref_slice %arg6[%dma_start3A_343, %dma_start3A_344] : memref<10240x128xf32, #tpu.memory_space<vmem_shared>> -> memref<10240x128xf32, #tpu.memory_space<vmem_shared>>
      tpu.enqueue_indirect_dma source(%arg9 : memref<128x128xf32, #tpu.memory_space<vmem>>) target(%dma_start3A_345 : memref<10240x128xf32, #tpu.memory_space<vmem_shared>>) offsets(%dma_start3A_342 : memref<128xi32, #tpu.memory_space<vmem>>) semaphore(%run_scoped3A_339 : memref<!tpu.dma_semaphore, #tpu.memory_space<semaphore_mem>>) {add = true}
      %dma_wait3A_346 = arith.constant 0 : i32
      %dma_wait3A_347 = tpu.memref_slice %arg8[%run_scoped3A_286, %run_scoped3A_287, %dma_wait3A_346] : memref<2x8x128xi32, #tpu.memory_space<vmem>> -> memref<1x1x128xi32, #tpu.memory_space<vmem>>
      %dma_wait3A_348 = tpu.memref_squeeze %dma_wait3A_347 : memref<1x1x128xi32, #tpu.memory_space<vmem>> -> memref<128xi32, #tpu.memory_space<vmem>>
      %dma_wait3A_349 = arith.constant 0 : i32
      %dma_wait3A_350 = arith.constant 0 : i32
      %dma_wait3A_351 = tpu.memref_slice %arg6[%dma_wait3A_349, %dma_wait3A_350] : memref<10240x128xf32, #tpu.memory_space<vmem_shared>> -> memref<10240x128xf32, #tpu.memory_space<vmem_shared>>
      tpu.wait_indirect_dma semaphore(%run_scoped3A_339 : memref<!tpu.dma_semaphore, #tpu.memory_space<semaphore_mem>>) src(%arg9 : memref<128x128xf32, #tpu.memory_space<vmem>>) dst(%dma_wait3A_351 : memref<10240x128xf32, #tpu.memory_space<vmem_shared>>)
      tpu.yield
    }) : () -> ()
    %dma_start3A_288 = arith.constant 1 : i32
    %dma_start3A_289 = arith.constant 6 : i32
    %dma_start3A_290 = arith.constant 0 : i32
    %dma_start3A_291 = tpu.memref_slice %arg7[%dma_start3A_288, %dma_start3A_289, %dma_start3A_290] : memref<2x8x128xi32, #tpu.memory_space<vmem>> -> memref<1x1x128xi32, #tpu.memory_space<vmem>>
    %dma_start3A_292 = tpu.memref_squeeze %dma_start3A_291 : memref<1x1x128xi32, #tpu.memory_space<vmem>> -> memref<128xi32, #tpu.memory_space<vmem>>
    %dma_start3A_293 = arith.constant 0 : i32
    %dma_start3A_294 = arith.constant 0 : i32
    %dma_start3A_295 = tpu.memref_slice %arg2[%dma_start3A_293, %dma_start3A_294] : memref<80000x128xf32, #tpu.memory_space<hbm>> -> memref<80000x128xf32, #tpu.memory_space<hbm>>
    tpu.enqueue_indirect_dma source(%dma_start3A_295 : memref<80000x128xf32, #tpu.memory_space<hbm>>) target(%arg9 : memref<128x128xf32, #tpu.memory_space<vmem>>) offsets(%dma_start3A_292 : memref<128xi32, #tpu.memory_space<vmem>>) semaphore(%arg11 : memref<!tpu.dma_semaphore, #tpu.memory_space<semaphore_mem>>)
    %dma_wait3A_296 = arith.constant 1 : i32
    %dma_wait3A_297 = arith.constant 5 : i32
    %dma_wait3A_298 = arith.constant 0 : i32
    %dma_wait3A_299 = tpu.memref_slice %arg7[%dma_wait3A_296, %dma_wait3A_297, %dma_wait3A_298] : memref<2x8x128xi32, #tpu.memory_space<vmem>> -> memref<1x1x128xi32, #tpu.memory_space<vmem>>
    %dma_wait3A_300 = tpu.memref_squeeze %dma_wait3A_299 : memref<1x1x128xi32, #tpu.memory_space<vmem>> -> memref<128xi32, #tpu.memory_space<vmem>>
    %dma_wait3A_301 = arith.constant 0 : i32
    %dma_wait3A_302 = arith.constant 0 : i32
    %dma_wait3A_303 = tpu.memref_slice %arg2[%dma_wait3A_301, %dma_wait3A_302] : memref<80000x128xf32, #tpu.memory_space<hbm>> -> memref<80000x128xf32, #tpu.memory_space<hbm>>
    tpu.wait_indirect_dma semaphore(%arg12 : memref<!tpu.dma_semaphore, #tpu.memory_space<semaphore_mem>>) src(%dma_wait3A_303 : memref<80000x128xf32, #tpu.memory_space<hbm>>) dst(%arg10 : memref<128x128xf32, #tpu.memory_space<vmem>>)
    %run_scoped3A_304 = arith.constant 1 : i32
    %run_scoped3A_305 = arith.constant 5 : i32
    "tpu.region"() ({
      %run_scoped3A_339 = tpu.sem_alloc : memref<!tpu.dma_semaphore, #tpu.memory_space<semaphore_mem>>
      %dma_start3A_340 = arith.constant 0 : i32
      %dma_start3A_341 = tpu.memref_slice %arg8[%run_scoped3A_304, %run_scoped3A_305, %dma_start3A_340] : memref<2x8x128xi32, #tpu.memory_space<vmem>> -> memref<1x1x128xi32, #tpu.memory_space<vmem>>
      %dma_start3A_342 = tpu.memref_squeeze %dma_start3A_341 : memref<1x1x128xi32, #tpu.memory_space<vmem>> -> memref<128xi32, #tpu.memory_space<vmem>>
      %dma_start3A_343 = arith.constant 0 : i32
      %dma_start3A_344 = arith.constant 0 : i32
      %dma_start3A_345 = tpu.memref_slice %arg6[%dma_start3A_343, %dma_start3A_344] : memref<10240x128xf32, #tpu.memory_space<vmem_shared>> -> memref<10240x128xf32, #tpu.memory_space<vmem_shared>>
      tpu.enqueue_indirect_dma source(%arg10 : memref<128x128xf32, #tpu.memory_space<vmem>>) target(%dma_start3A_345 : memref<10240x128xf32, #tpu.memory_space<vmem_shared>>) offsets(%dma_start3A_342 : memref<128xi32, #tpu.memory_space<vmem>>) semaphore(%run_scoped3A_339 : memref<!tpu.dma_semaphore, #tpu.memory_space<semaphore_mem>>) {add = true}
      %dma_wait3A_346 = arith.constant 0 : i32
      %dma_wait3A_347 = tpu.memref_slice %arg8[%run_scoped3A_304, %run_scoped3A_305, %dma_wait3A_346] : memref<2x8x128xi32, #tpu.memory_space<vmem>> -> memref<1x1x128xi32, #tpu.memory_space<vmem>>
      %dma_wait3A_348 = tpu.memref_squeeze %dma_wait3A_347 : memref<1x1x128xi32, #tpu.memory_space<vmem>> -> memref<128xi32, #tpu.memory_space<vmem>>
      %dma_wait3A_349 = arith.constant 0 : i32
      %dma_wait3A_350 = arith.constant 0 : i32
      %dma_wait3A_351 = tpu.memref_slice %arg6[%dma_wait3A_349, %dma_wait3A_350] : memref<10240x128xf32, #tpu.memory_space<vmem_shared>> -> memref<10240x128xf32, #tpu.memory_space<vmem_shared>>
      tpu.wait_indirect_dma semaphore(%run_scoped3A_339 : memref<!tpu.dma_semaphore, #tpu.memory_space<semaphore_mem>>) src(%arg10 : memref<128x128xf32, #tpu.memory_space<vmem>>) dst(%dma_wait3A_351 : memref<10240x128xf32, #tpu.memory_space<vmem_shared>>)
      tpu.yield
    }) : () -> ()
    %dma_start3A_306 = arith.constant 1 : i32
    %dma_start3A_307 = arith.constant 7 : i32
    %dma_start3A_308 = arith.constant 0 : i32
    %dma_start3A_309 = tpu.memref_slice %arg7[%dma_start3A_306, %dma_start3A_307, %dma_start3A_308] : memref<2x8x128xi32, #tpu.memory_space<vmem>> -> memref<1x1x128xi32, #tpu.memory_space<vmem>>
    %dma_start3A_310 = tpu.memref_squeeze %dma_start3A_309 : memref<1x1x128xi32, #tpu.memory_space<vmem>> -> memref<128xi32, #tpu.memory_space<vmem>>
    %dma_start3A_311 = arith.constant 0 : i32
    %dma_start3A_312 = arith.constant 0 : i32
    %dma_start3A_313 = tpu.memref_slice %arg2[%dma_start3A_311, %dma_start3A_312] : memref<80000x128xf32, #tpu.memory_space<hbm>> -> memref<80000x128xf32, #tpu.memory_space<hbm>>
    tpu.enqueue_indirect_dma source(%dma_start3A_313 : memref<80000x128xf32, #tpu.memory_space<hbm>>) target(%arg10 : memref<128x128xf32, #tpu.memory_space<vmem>>) offsets(%dma_start3A_310 : memref<128xi32, #tpu.memory_space<vmem>>) semaphore(%arg12 : memref<!tpu.dma_semaphore, #tpu.memory_space<semaphore_mem>>)
    %dma_wait3A_314 = arith.constant 1 : i32
    %dma_wait3A_315 = arith.constant 6 : i32
    %dma_wait3A_316 = arith.constant 0 : i32
    %dma_wait3A_317 = tpu.memref_slice %arg7[%dma_wait3A_314, %dma_wait3A_315, %dma_wait3A_316] : memref<2x8x128xi32, #tpu.memory_space<vmem>> -> memref<1x1x128xi32, #tpu.memory_space<vmem>>
    %dma_wait3A_318 = tpu.memref_squeeze %dma_wait3A_317 : memref<1x1x128xi32, #tpu.memory_space<vmem>> -> memref<128xi32, #tpu.memory_space<vmem>>
    %dma_wait3A_319 = arith.constant 0 : i32
    %dma_wait3A_320 = arith.constant 0 : i32
    %dma_wait3A_321 = tpu.memref_slice %arg2[%dma_wait3A_319, %dma_wait3A_320] : memref<80000x128xf32, #tpu.memory_space<hbm>> -> memref<80000x128xf32, #tpu.memory_space<hbm>>
    tpu.wait_indirect_dma semaphore(%arg11 : memref<!tpu.dma_semaphore, #tpu.memory_space<semaphore_mem>>) src(%dma_wait3A_321 : memref<80000x128xf32, #tpu.memory_space<hbm>>) dst(%arg9 : memref<128x128xf32, #tpu.memory_space<vmem>>)
    %run_scoped3A_322 = arith.constant 1 : i32
    %run_scoped3A_323 = arith.constant 6 : i32
    "tpu.region"() ({
      %run_scoped3A_339 = tpu.sem_alloc : memref<!tpu.dma_semaphore, #tpu.memory_space<semaphore_mem>>
      %dma_start3A_340 = arith.constant 0 : i32
      %dma_start3A_341 = tpu.memref_slice %arg8[%run_scoped3A_322, %run_scoped3A_323, %dma_start3A_340] : memref<2x8x128xi32, #tpu.memory_space<vmem>> -> memref<1x1x128xi32, #tpu.memory_space<vmem>>
      %dma_start3A_342 = tpu.memref_squeeze %dma_start3A_341 : memref<1x1x128xi32, #tpu.memory_space<vmem>> -> memref<128xi32, #tpu.memory_space<vmem>>
      %dma_start3A_343 = arith.constant 0 : i32
      %dma_start3A_344 = arith.constant 0 : i32
      %dma_start3A_345 = tpu.memref_slice %arg6[%dma_start3A_343, %dma_start3A_344] : memref<10240x128xf32, #tpu.memory_space<vmem_shared>> -> memref<10240x128xf32, #tpu.memory_space<vmem_shared>>
      tpu.enqueue_indirect_dma source(%arg9 : memref<128x128xf32, #tpu.memory_space<vmem>>) target(%dma_start3A_345 : memref<10240x128xf32, #tpu.memory_space<vmem_shared>>) offsets(%dma_start3A_342 : memref<128xi32, #tpu.memory_space<vmem>>) semaphore(%run_scoped3A_339 : memref<!tpu.dma_semaphore, #tpu.memory_space<semaphore_mem>>) {add = true}
      %dma_wait3A_346 = arith.constant 0 : i32
      %dma_wait3A_347 = tpu.memref_slice %arg8[%run_scoped3A_322, %run_scoped3A_323, %dma_wait3A_346] : memref<2x8x128xi32, #tpu.memory_space<vmem>> -> memref<1x1x128xi32, #tpu.memory_space<vmem>>
      %dma_wait3A_348 = tpu.memref_squeeze %dma_wait3A_347 : memref<1x1x128xi32, #tpu.memory_space<vmem>> -> memref<128xi32, #tpu.memory_space<vmem>>
      %dma_wait3A_349 = arith.constant 0 : i32
      %dma_wait3A_350 = arith.constant 0 : i32
      %dma_wait3A_351 = tpu.memref_slice %arg6[%dma_wait3A_349, %dma_wait3A_350] : memref<10240x128xf32, #tpu.memory_space<vmem_shared>> -> memref<10240x128xf32, #tpu.memory_space<vmem_shared>>
      tpu.wait_indirect_dma semaphore(%run_scoped3A_339 : memref<!tpu.dma_semaphore, #tpu.memory_space<semaphore_mem>>) src(%arg9 : memref<128x128xf32, #tpu.memory_space<vmem>>) dst(%dma_wait3A_351 : memref<10240x128xf32, #tpu.memory_space<vmem_shared>>)
      tpu.yield
    }) : () -> ()
    %dma_wait3A_324 = arith.constant 1 : i32
    %dma_wait3A_325 = arith.constant 7 : i32
    %dma_wait3A_326 = arith.constant 0 : i32
    %dma_wait3A_327 = tpu.memref_slice %arg7[%dma_wait3A_324, %dma_wait3A_325, %dma_wait3A_326] : memref<2x8x128xi32, #tpu.memory_space<vmem>> -> memref<1x1x128xi32, #tpu.memory_space<vmem>>
    %dma_wait3A_328 = tpu.memref_squeeze %dma_wait3A_327 : memref<1x1x128xi32, #tpu.memory_space<vmem>> -> memref<128xi32, #tpu.memory_space<vmem>>
    %dma_wait3A_329 = arith.constant 0 : i32
    %dma_wait3A_330 = arith.constant 0 : i32
    %dma_wait3A_331 = tpu.memref_slice %arg2[%dma_wait3A_329, %dma_wait3A_330] : memref<80000x128xf32, #tpu.memory_space<hbm>> -> memref<80000x128xf32, #tpu.memory_space<hbm>>
    tpu.wait_indirect_dma semaphore(%arg12 : memref<!tpu.dma_semaphore, #tpu.memory_space<semaphore_mem>>) src(%dma_wait3A_331 : memref<80000x128xf32, #tpu.memory_space<hbm>>) dst(%arg10 : memref<128x128xf32, #tpu.memory_space<vmem>>)
    %run_scoped3A_332 = arith.constant 1 : i32
    %run_scoped3A_333 = arith.constant 7 : i32
    "tpu.region"() ({
      %run_scoped3A_339 = tpu.sem_alloc : memref<!tpu.dma_semaphore, #tpu.memory_space<semaphore_mem>>
      %dma_start3A_340 = arith.constant 0 : i32
      %dma_start3A_341 = tpu.memref_slice %arg8[%run_scoped3A_332, %run_scoped3A_333, %dma_start3A_340] : memref<2x8x128xi32, #tpu.memory_space<vmem>> -> memref<1x1x128xi32, #tpu.memory_space<vmem>>
      %dma_start3A_342 = tpu.memref_squeeze %dma_start3A_341 : memref<1x1x128xi32, #tpu.memory_space<vmem>> -> memref<128xi32, #tpu.memory_space<vmem>>
      %dma_start3A_343 = arith.constant 0 : i32
      %dma_start3A_344 = arith.constant 0 : i32
      %dma_start3A_345 = tpu.memref_slice %arg6[%dma_start3A_343, %dma_start3A_344] : memref<10240x128xf32, #tpu.memory_space<vmem_shared>> -> memref<10240x128xf32, #tpu.memory_space<vmem_shared>>
      tpu.enqueue_indirect_dma source(%arg10 : memref<128x128xf32, #tpu.memory_space<vmem>>) target(%dma_start3A_345 : memref<10240x128xf32, #tpu.memory_space<vmem_shared>>) offsets(%dma_start3A_342 : memref<128xi32, #tpu.memory_space<vmem>>) semaphore(%run_scoped3A_339 : memref<!tpu.dma_semaphore, #tpu.memory_space<semaphore_mem>>) {add = true}
      %dma_wait3A_346 = arith.constant 0 : i32
      %dma_wait3A_347 = tpu.memref_slice %arg8[%run_scoped3A_332, %run_scoped3A_333, %dma_wait3A_346] : memref<2x8x128xi32, #tpu.memory_space<vmem>> -> memref<1x1x128xi32, #tpu.memory_space<vmem>>
      %dma_wait3A_348 = tpu.memref_squeeze %dma_wait3A_347 : memref<1x1x128xi32, #tpu.memory_space<vmem>> -> memref<128xi32, #tpu.memory_space<vmem>>
      %dma_wait3A_349 = arith.constant 0 : i32
      %dma_wait3A_350 = arith.constant 0 : i32
      %dma_wait3A_351 = tpu.memref_slice %arg6[%dma_wait3A_349, %dma_wait3A_350] : memref<10240x128xf32, #tpu.memory_space<vmem_shared>> -> memref<10240x128xf32, #tpu.memory_space<vmem_shared>>
      tpu.wait_indirect_dma semaphore(%run_scoped3A_339 : memref<!tpu.dma_semaphore, #tpu.memory_space<semaphore_mem>>) src(%arg10 : memref<128x128xf32, #tpu.memory_space<vmem>>) dst(%dma_wait3A_351 : memref<10240x128xf32, #tpu.memory_space<vmem_shared>>)
      tpu.yield
    }) : () -> ()
    %barrier3A_334 = arith.constant 0 : index
    tpu.barrier barrier_id(%barrier3A_334)
    %mul3A_335 = arith.constant 640 : i32
    %mul3A_336 = arith.muli %arg1, %mul3A_335 : i32
    %mul3A_337 = arith.constant 640 : i32
    %mul3A_338 = arith.muli %arg1, %mul3A_337 : i32
    "tpu.region"() ({
      %run_scoped3A_339 = tpu.sem_alloc : memref<!tpu.dma_semaphore, #tpu.memory_space<semaphore_mem>>
      %dma_start3A_340 = arith.constant 0 : i32
      %dma_start3A_341 = tpu.memref_slice %arg5[%arg0, %mul3A_338, %dma_start3A_340] : memref<2x10240x128xf32, #tpu.memory_space<hbm>> -> memref<1x640x128xf32, #tpu.memory_space<hbm>>
      %dma_start3A_342 = tpu.memref_squeeze %dma_start3A_341 : memref<1x640x128xf32, #tpu.memory_space<hbm>> -> memref<640x128xf32, #tpu.memory_space<hbm>>
      %dma_start3A_343 = arith.constant 0 : i32
      %dma_start3A_344 = tpu.memref_slice %arg6[%mul3A_336, %dma_start3A_343] : memref<10240x128xf32, #tpu.memory_space<vmem_shared>> -> memref<640x128xf32, #tpu.memory_space<vmem_shared>>
      tpu.enqueue_dma source(%dma_start3A_344 : memref<640x128xf32, #tpu.memory_space<vmem_shared>>) target(%dma_start3A_342 : memref<640x128xf32, #tpu.memory_space<hbm>>) target_semaphore(%run_scoped3A_339 : memref<!tpu.dma_semaphore, #tpu.memory_space<semaphore_mem>>)
      %dma_wait3A_345 = arith.constant 0 : i32
      %dma_wait3A_346 = tpu.memref_slice %arg5[%arg0, %mul3A_338, %dma_wait3A_345] : memref<2x10240x128xf32, #tpu.memory_space<hbm>> -> memref<1x640x128xf32, #tpu.memory_space<hbm>>
      %dma_wait3A_347 = tpu.memref_squeeze %dma_wait3A_346 : memref<1x640x128xf32, #tpu.memory_space<hbm>> -> memref<640x128xf32, #tpu.memory_space<hbm>>
      %dma_wait3A_348 = arith.constant 0 : i32
      %dma_wait3A_349 = tpu.memref_slice %arg6[%mul3A_336, %dma_wait3A_348] : memref<10240x128xf32, #tpu.memory_space<vmem_shared>> -> memref<640x128xf32, #tpu.memory_space<vmem_shared>>
      tpu.wait_dma2 semaphore(%run_scoped3A_339 : memref<!tpu.dma_semaphore, #tpu.memory_space<semaphore_mem>>) src(%dma_wait3A_349 : memref<640x128xf32, #tpu.memory_space<vmem_shared>>) dst(%dma_wait3A_347 : memref<640x128xf32, #tpu.memory_space<hbm>>)
      tpu.yield
    }) : () -> ()
    return
  }
}

module attributes {stable_mosaic.version = 14 : i64} {
  func.func @_xw_body(%arg0: i32, %arg1: i32, %arg2: memref<1000x128xf32, #tpu.memory_space<vmem>>, %arg3: memref<1x128x128xf32, #tpu.memory_space<vmem>>, %arg4: memref<1x1000x128xf32, #tpu.memory_space<vmem>>) attributes {dimension_semantics = [#tpu.dimension_semantics<arbitrary>, #tpu.dimension_semantics<arbitrary>], iteration_bounds = array<i64: 10, 8>, scalar_prefetch = 0 : i64, scratch_operands = 0 : i64, tpu.core_type = #tpu.core_type<tc>, window_params = [{transform_indices = @transform_0, window_bounds = array<i64: 1000, 128>}, {transform_indices = @transform_1, window_bounds = array<i64: 1, 128, 128>}, {transform_indices = @transform_2, window_bounds = array<i64: 1, 1000, 128>}]} {
    %get3A = arith.constant 0 : index
    %get3A_0 = arith.constant 0 : index
    %get3A_1 = vector.load %arg2[%get3A, %get3A_0] : memref<1000x128xf32, #tpu.memory_space<vmem>>, vector<1000x128xf32>
    %get3A_2 = arith.constant 0 : index
    %get3A_3 = arith.constant 0 : index
    %get3A_4 = arith.constant 0 : index
    %get3A_5 = vector.load %arg3[%get3A_2, %get3A_3, %get3A_4] : memref<1x128x128xf32, #tpu.memory_space<vmem>>, vector<1x128x128xf32>
    %get3A_6 = vector.shape_cast %get3A_5 : vector<1x128x128xf32> to vector<128x128xf32>
    %dot_general3A = arith.constant dense<0.000000e+00> : vector<1000x128xf32>
    %dot_general3A_7 = tpu.matmul %get3A_1, %get3A_6, %dot_general3A {dimension_numbers = #tpu.dot_dimension_numbers<[1], [0], [0], [1], [0, 0, 1, 1], [], []>, transpose_lhs_hint = false} : vector<1000x128xf32>, vector<128x128xf32>, vector<1000x128xf32> -> vector<1000x128xf32>
    %swap3A = arith.constant 0 : index
    %swap3A_8 = arith.constant 0 : index
    %swap3A_9 = arith.constant 0 : index
    %swap3A_10 = vector.load %arg4[%swap3A, %swap3A_8, %swap3A_9] : memref<1x1000x128xf32, #tpu.memory_space<vmem>>, vector<1x1000x128xf32>
    %swap3A_11 = vector.shape_cast %swap3A_10 : vector<1x1000x128xf32> to vector<1000x128xf32>
    %swap3A_12 = vector.shape_cast %dot_general3A_7 : vector<1000x128xf32> to vector<1x1000x128xf32>
    tpu.vector_store %arg4[%swap3A, %swap3A_8, %swap3A_9], %swap3A_12 {strides = array<i32>} : memref<1x1000x128xf32, #tpu.memory_space<vmem>>, vector<1x1000x128xf32>,
    return
  }
  func.func @transform_0(%arg0: i32, %arg1: i32) -> (i32, i32) {
    %c0_i32 = arith.constant 0 : i32
    %c0_i32_0 = arith.constant 0 : i32
    return %arg0, %c0_i32 : i32, i32
  }
  func.func @transform_1(%arg0: i32, %arg1: i32) -> (i32, i32, i32) {
    %c0_i32 = arith.constant 0 : i32
    %c0_i32_0 = arith.constant 0 : i32
    %c0_i32_1 = arith.constant 0 : i32
    return %arg1, %c0_i32, %c0_i32_0 : i32, i32, i32
  }
  func.func @transform_2(%arg0: i32, %arg1: i32) -> (i32, i32, i32) {
    %c0_i32 = arith.constant 0 : i32
    %c0_i32_0 = arith.constant 0 : i32
    return %arg1, %arg0, %c0_i32 : i32, i32, i32
  }
}

module attributes {stable_mosaic.version = 14 : i64} {
  func.func @_fin_body(%arg0: i32, %arg1: memref<2x1000x128xf32, #tpu.memory_space<vmem>>, %arg2: memref<1000x128xf32, #tpu.memory_space<vmem>>, %arg3: memref<128x128xf32, #tpu.memory_space<vmem>>, %arg4: memref<1x128xf32, #tpu.memory_space<vmem>>, %arg5: memref<1000x128xf32, #tpu.memory_space<vmem>>) attributes {dimension_semantics = [#tpu.dimension_semantics<arbitrary>], iteration_bounds = array<i64: 10>, scalar_prefetch = 0 : i64, scratch_operands = 0 : i64, tpu.core_type = #tpu.core_type<tc>, window_params = [{transform_indices = @transform_0, window_bounds = array<i64: 2, 1000, 128>}, {transform_indices = @transform_1, window_bounds = array<i64: 1000, 128>}, {pipeline_mode = #tpu.pipeline_mode<synchronous>, transform_indices = @transform_2, window_bounds = array<i64: 128, 128>}, {pipeline_mode = #tpu.pipeline_mode<synchronous>, transform_indices = @transform_3, window_bounds = array<i64: 1, 128>}, {transform_indices = @transform_4, window_bounds = array<i64: 1000, 128>}]} {
    %get3A = arith.constant 0 : index
    %get3A_0 = arith.constant 0 : index
    %get3A_1 = arith.constant 0 : index
    %get3A_2 = vector.load %arg1[%get3A, %get3A_0, %get3A_1] : memref<2x1000x128xf32, #tpu.memory_space<vmem>>, vector<1x1000x128xf32>
    %get3A_3 = vector.shape_cast %get3A_2 : vector<1x1000x128xf32> to vector<1000x128xf32>
    %get3A_4 = arith.constant 1 : index
    %get3A_5 = arith.constant 0 : index
    %get3A_6 = arith.constant 0 : index
    %get3A_7 = vector.load %arg1[%get3A_4, %get3A_5, %get3A_6] : memref<2x1000x128xf32, #tpu.memory_space<vmem>>, vector<1x1000x128xf32>
    %get3A_8 = vector.shape_cast %get3A_7 : vector<1x1000x128xf32> to vector<1000x128xf32>
    %add3A = arith.addf %get3A_3, %get3A_8 : vector<1000x128xf32>
    %get3A_9 = arith.constant 0 : index
    %get3A_10 = arith.constant 0 : index
    %get3A_11 = vector.load %arg4[%get3A_9, %get3A_10] : memref<1x128xf32, #tpu.memory_space<vmem>>, vector<1x128xf32>
    %add3A_12 = vector.broadcast %get3A_11 : vector<1x128xf32> to vector<1000x128xf32>
    %add3A_13 = arith.addf %add3A, %add3A_12 : vector<1000x128xf32>
    %get3A_14 = arith.constant 0 : index
    %get3A_15 = arith.constant 0 : index
    %get3A_16 = vector.load %arg2[%get3A_14, %get3A_15] : memref<1000x128xf32, #tpu.memory_space<vmem>>, vector<1000x128xf32>
    %get3A_17 = arith.constant 0 : index
    %get3A_18 = arith.constant 0 : index
    %get3A_19 = vector.load %arg3[%get3A_17, %get3A_18] : memref<128x128xf32, #tpu.memory_space<vmem>>, vector<128x128xf32>
    %dot_general3A = arith.constant dense<0.000000e+00> : vector<1000x128xf32>
    %dot_general3A_20 = tpu.matmul %get3A_16, %get3A_19, %dot_general3A {dimension_numbers = #tpu.dot_dimension_numbers<[1], [0], [0], [1], [0, 0, 1, 1], [], []>, transpose_lhs_hint = false} : vector<1000x128xf32>, vector<128x128xf32>, vector<1000x128xf32> -> vector<1000x128xf32>
    %add3A_21 = arith.addf %add3A_13, %dot_general3A_20 : vector<1000x128xf32>
    %swap3A = arith.constant 0 : index
    %swap3A_22 = arith.constant 0 : index
    %swap3A_23 = vector.load %arg5[%swap3A, %swap3A_22] : memref<1000x128xf32, #tpu.memory_space<vmem>>, vector<1000x128xf32>
    tpu.vector_store %arg5[%swap3A, %swap3A_22], %add3A_21 {strides = array<i32>} : memref<1000x128xf32, #tpu.memory_space<vmem>>, vector<1000x128xf32>,
    return
  }
  func.func @transform_0(%arg0: i32) -> (i32, i32, i32) {
    %c0_i32 = arith.constant 0 : i32
    %c0_i32_0 = arith.constant 0 : i32
    %c0_i32_1 = arith.constant 0 : i32
    return %c0_i32, %arg0, %c0_i32_0 : i32, i32, i32
  }
  func.func @transform_1(%arg0: i32) -> (i32, i32) {
    %c0_i32 = arith.constant 0 : i32
    %c0_i32_0 = arith.constant 0 : i32
    return %arg0, %c0_i32 : i32, i32
  }
  func.func @transform_2(%arg0: i32) -> (i32, i32) {
    %c0_i32 = arith.constant 0 : i32
    %c0_i32_0 = arith.constant 0 : i32
    %c0_i32_1 = arith.constant 0 : i32
    return %c0_i32, %c0_i32_0 : i32, i32
  }
  func.func @transform_3(%arg0: i32) -> (i32, i32) {
    %c0_i32 = arith.constant 0 : i32
    %c0_i32_0 = arith.constant 0 : i32
    %c0_i32_1 = arith.constant 0 : i32
    return %c0_i32, %c0_i32_0 : i32, i32
  }
  func.func @transform_4(%arg0: i32) -> (i32, i32) {
    %c0_i32 = arith.constant 0 : i32
    %c0_i32_0 = arith.constant 0 : i32
    return %arg0, %c0_i32 : i32, i32
  }
}

</mosaic_0001>

<sc_bundles>
// kernel: kernel.5.cloned.1.call-start
scs
__scs_entry_jumppad:
0x0: {  	(pc) =	sbr.rel $0x88, $3  }
0x1: {  	(tag) =	ssettag $0x0;
	lr =	simm.s32 $0x1  }
0x2: {  	[smem:$0x3F9B] =	sst lr;
	_ =	strace $0xD0000000  }
0x3: {  	_ = 	snop  }
0x4: {  	_ = 	snop  }
0x5: {  	_ = 	snop  }
0x6: {  	_ = 	snop  }
0x7: {  	_ = 	snop  }
__scs_overlays_trampoline_lowered:
0x8: {  	[smem:$0x3FAA] =	sst s0  }
0x9: {  	[smem:$0x3FAB] =	sst s1  }
0xa: {  	[smem:$0x3FAC] =	sst s2  }
0xb: {  	[smem:$0x3FAD] =	sst s3  }
0xc: {  	[smem:$0x3FAE] =	sst s4  }
0xd: {  	[smem:$0x3FAF] =	sst s5  }
0xe: {  	[smem:$0x3FB0] =	sst s6  }
0xf: {  	[smem:$0x3FB1] =	sst s7  }
0x10: {  	[smem:$0x3FB2] =	sst s8  }
0x11: {  	[smem:$0x3FB3] =	sst s9;
	s0 =	simm.s32 @!p0 $0x0  }
0x12: {  	s1 =	sld [smem:$0x3F99];
	s0 =	simm.s32 @p0 $0x1  }
0x13: {  	[smem:$0x3FB4] =	sst s0;
	s0 =	simm.s32 @!p1 $0x0  }
0x14: {  	s2 =	sld [smem:$0x3F98];
	s0 =	simm.s32 @p1 $0x1  }
0x15: {  	[smem:$0x3FB5] =	sst s0;
	s0 =	simm.s32 @!p2 $0x0  }
0x16: {  	s3 =	sld [smem:$0x3FDB];
	s0 =	simm.s32 @p2 $0x1  }
0x17: {  	s4 =	simm.s32 $0x1BF5;
	[smem:$0x3FB7] =	sst s0  }
0x18: {  	s0 =	sld [smem:$0x3F9A];
	_ =	swait.ge [sflag:s4], $0x0  }
0x19: {  	s7 =	sld [smem:$0x3F9B]  }
0x1a: {  	s8 =	sadd.s32 $0xFFFFE003, lr  }
0x1b: {  	s9 =	sadd.s32 $0xFFFFFEF7, lr;
	s5 =	simm.s32 $0xFFFFFFFF;
	p2 =	slt.u32 s8, $0xFFFFF086  }
0x1c: {  	p1 =	slt.u32 s9, $0xF7A;
	s5 =	simm.s32 @!p2 $0x0  }
0x1d: {  	s5 =	simm.s32 @p1 $0x1;
	p0 =	seq.s32 s7, s2  }
0x1e: {  	s7 =	smul.u32 @!p0 $0xF7A, s2;
	p2 =	seq.s32 @!p0 s5, $0x0  }
0x1f: {  	s9 =	smul.u32 $0xF7A, s1;
	s8 =	simm.s32 @!p0 $0x1BF5;
	p2 =	por !p2, p0  }
0x20: {  	[sflag:s8] =	ssyncset.s32 @!p0 $0xFFFFF086;
	s6 =	sadd.s32 @!p0 s3, s7;
	s7 =	simm.s32 @!p0 $0x108  }
0x21: {  	s3 =	sadd.s32 s3, s9;
	s6 =	sadd.s32 @!p0 $0x88, s6;
	s7 =	simm.s32 @p2 $0x1082  }
0x22: {  	[simem:s7], [sflag:s8] =	dma.local @!p0 [hbm:s6], $0xF7A  }
0x23: {  	s9 =	sor.u32 $0xD0000000, s2;
	s6 =	simm.s32 $0x108;
	_ =	swait.ge @!p0 [sflag:s8], $0x0  }
0x24: {  	s3 =	sadd.s32 $0x88, s3;
	s6 =	simm.s32 @!p1 $0x1082;
	[sflag:s4] =	ssyncset.s32 $0xFFFFF086  }
0x25: {  	[simem:s6], [sflag:s4] =	dma.local [hbm:s3], $0xF7A  }
0x26: {  	[smem:$0x3F9B] =	sst s1;
	(tag) =	ssettag s2;
	_ =	strace s9  }
0x27: {  	s1 =	sld [smem:$0x3FAB]  }
0x28: {  	s2 =	sld [smem:$0x3FAC]  }
0x29: {  	s4 =	sld [smem:$0x3FAE]  }
0x2a: {  	p0 =	seq.s32 s5, $0x0;
	s5 =	sld [smem:$0x3FAF]  }
0x2b: {  	s6 =	sld [smem:$0x3FB0]  }
0x2c: {  	s7 =	sld [smem:$0x3FB1]  }
0x2d: {  	s3 =	simm.s32 $0x108;
	s8 =	sld [smem:$0x3FB2]  }
0x2e: {  	s3 =	simm.s32 @!p0 $0x1082;
	s9 =	sld [smem:$0x3FB3]  }
0x2f: {  	lr =	sadd.s32 s0, s3;
	s0 =	sld [smem:$0x3FAA]  }
0x30: {  	s3 =	sld [smem:$0x3FAD]  }
0x31: {  	[smem:$0x3FB6] =	sst s10  }
0x32: {  	s10 =	sld [smem:$0x3FB4];
	_ =	sdelay $0x3  }
0x33: {  	p0 =	seq.s32 s10, $0x1;
	s10 =	sld [smem:$0x3FB6];
	_ =	sdelay $0x3  }
0x34: {  	[smem:$0x3FB6] =	sst s10  }
0x35: {  	s10 =	sld [smem:$0x3FB5];
	_ =	sdelay $0x3  }
0x36: {  	p1 =	seq.s32 s10, $0x1;
	s10 =	sld [smem:$0x3FB6];
	_ =	sdelay $0x3  }
0x37: {  	[smem:$0x3FB6] =	sst s10  }
0x38: {  	s10 =	sld [smem:$0x3FB7]  }
0x39: {  	_ = 	snop;
	(pc) =	sbr.ind lr, $3  }
0x3a: {  	_ = 	snop  }
0x3b: {  	_ = 	snop  }
0x3c: {  	p2 =	seq.s32 s10, $0x1;
	s10 =	sld [smem:$0x3FB6]  }
0x3d: {  	_ =	shalt  }
0x3e: {  	_ =	shalt  }
0x3f: {  	_ =	shalt  }
0x40: {  	_ =	shalt  }
0x41: {  	_ =	shalt  }
0x42: {  	_ =	shalt  }
0x43: {  	_ =	shalt  }
0x44: {  	_ =	shalt  }
0x45: {  	_ =	shalt  }
0x46: {  	_ =	shalt  }
0x47: {  	_ =	shalt  }
0x48: {  	_ =	shalt  }
0x49: {  	_ =	shalt  }
0x4a: {  	_ =	shalt  }
0x4b: {  	_ =	shalt  }
0x4c: {  	_ =	shalt  }
0x4d: {  	_ =	shalt  }
0x4e: {  	_ =	shalt  }
0x4f: {  	_ =	shalt  }
0x50: {  	_ =	shalt  }
0x51: {  	_ =	shalt  }
0x52: {  	_ =	shalt  }
0x53: {  	_ =	shalt  }
0x54: {  	_ =	shalt  }
0x55: {  	_ =	shalt  }
0x56: {  	_ =	shalt  }
0x57: {  	_ =	shalt  }
0x58: {  	_ =	shalt  }
0x59: {  	_ =	shalt  }
0x5a: {  	_ =	shalt  }
0x5b: {  	_ =	shalt  }
0x5c: {  	_ =	shalt  }
0x5d: {  	_ =	shalt  }
0x5e: {  	_ =	shalt  }
0x5f: {  	_ =	shalt  }
0x60: {  	_ =	shalt  }
0x61: {  	_ =	shalt  }
0x62: {  	_ =	shalt  }
0x63: {  	_ =	shalt  }
0x64: {  	_ =	shalt  }
0x65: {  	_ =	shalt  }
0x66: {  	_ =	shalt  }
0x67: {  	_ =	shalt  }
0x68: {  	_ =	shalt  }
0x69: {  	_ =	shalt  }
0x6a: {  	_ =	shalt  }
0x6b: {  	_ =	shalt  }
0x6c: {  	_ =	shalt  }
0x6d: {  	_ =	shalt  }
0x6e: {  	_ =	shalt  }
0x6f: {  	_ =	shalt  }
0x70: {  	_ =	shalt  }
0x71: {  	_ =	shalt  }
0x72: {  	_ =	shalt  }
0x73: {  	_ =	shalt  }
0x74: {  	_ =	shalt  }
0x75: {  	_ =	shalt  }
0x76: {  	_ =	shalt  }
0x77: {  	_ =	shalt  }
0x78: {  	_ =	shalt  }
0x79: {  	_ =	shalt  }
0x7a: {  	_ =	shalt  }
0x7b: {  	_ =	shalt  }
0x7c: {  	_ =	shalt  }
0x7d: {  	_ =	shalt  }
0x7e: {  	_ =	shalt  }
0x7f: {  	_ =	shalt  }
0x80: {  	_ =	shalt  }
0x81: {  	_ =	shalt  }
0x82: {  	_ =	shalt  }
0x83: {  	_ =	shalt  }
0x84: {  	_ =	shalt  }
0x85: {  	_ =	shalt  }
0x86: {  	_ =	shalt  }
0x87: {  	_ =	shalt  }
.Lfunc_end0:
.L_simem_size_0:
called_computation_lowered:
.L_overlay_start_0:
0x88: {  	s2 =	sld [smem:$0x3FD9]  }
0x89: {  	s3 =	sld [smem:$0x3FFE];
	_ =	sdelay $0x1  }
0x8a: {  	s1 =	srdreg.scid  }
0x8b: {  	s0 =	sand.u32 $0x1, s1  }
0x8c: {  	s17 =	sshll.u32 s0, $0xA;
	s2 =	sadd.s32 s3, s2  }
0x8d: {  	s2 =	sadd.s32 s2, s17  }
0x8e: {  	[smem:$0x3FC2] =	sst s2  }
0x8f: {  	_ = 	snop  }
0x90: {  	s2 =	sld [smem:$0x3FD0];
	(tm) =	ssettm $0x1  }
0x91: {  	s18 =	sld [smem:$0x3FFB];
	_ =	sdelay $0x3  }
0x92: {  	_ =	strace s18  }
0x93: {  	s3 =	sld [smem:$0x3FFC];
	_ =	sdelay $0x3  }
0x94: {  	_ =	strace s3  }
0x95: {  	s3 =	sld [smem:$0x3FFD];
	_ =	sdelay $0x3  }
0x96: {  	_ =	strace s3  }
0x97: {  	_ =	strace $0x8FFFFFFF  }
0x98: {  	s19 =	sld [smem:$0x3FDB];
	_ =	sdelay $0x1  }
0x99: {  	s4 =	simm.s32 $_scs_section_size  }
0x9a: {  	s5 =	simm.s32 $_size__tile_overlayer_lowered;
	s6 =	simm.s32 $_tile_overlayer_lowered  }
0x9b: {  	s22 =	simm.s32 $0x1BFF;
	s21 =	sshll.u32 s6, $0x1;
	s3 =	sadd.s32 s4, s19  }
0x9c: {  	s7 =	simm.s32 $0x0;
	s20 =	sshll.u32 s5, $0x1;
	s5 =	sadd.s32 s21, s3  }
0x9d: {  	[timem:s7], [sflag:s22] =	dma.local [hbm:s5], s20  }
0x9e: {  	_ =	swait.ge [sflag:s22], s20  }
0x9f: {  	s4 =	ssub.s32 $0x0, s20;
	[sflag:s22] =	ssyncset.done $0x0  }
0xa0: {  	[sflag:s22] =	ssyncadd.s32 s4;
	_ =	sdelay $0x1  }
0xa1: {  	s23 =	simm.s32 $0x1B8B  }
0xa2: {  	_ =	swait.ge [sflag:s23], $0x1  }
0xa3: {  	[sflag:s23] =	ssyncset.done $0x0  }
0xa4: {  	s25 =	simm.s32 $0x1B8E;
	s24 =	sld [smem:$0x3FFE];
	[sflag:s23] =	ssyncadd.s32 $0xFFFFFFFF  }
0xa5: {  	s26 =	simm.s32 $execute0_lowered;
	[smem:$0x3FD2] =	sst s25  }
0xa6: {  	s5 =	sshll.u32 s26, $0x1;
	_ =	strace $0x80000046;
	[dreg:$0x1] =	wrdreg $0xFFFFFFFF  }
0xa7: {  	s28 =	simm.s32 $_size_execute0_lowered;
	s3 =	sadd.s32 s3, s5;
	[dreg:$0x0] =	wrdreg $0x0  }
0xa8: {  	s5 =	sshll.u32 s28, $0x1;
	[dreg:$0x2] =	wrdreg s3  }
0xa9: {  	[dreg:$0x3] =	wrdreg s5  }
0xaa: {  	[dreg:$0x4] =	wrdreg $0xC0  }
0xab: {  	_ =	task [dreg:s7], $0x5FFFF  }
0xac: {  	[dreg:$0x1] =	wrdreg $0xFFFFFFFF  }
0xad: {  	[dreg:$0x0] =	wrdreg $0x60  }
0xae: {  	[dreg:$0x2] =	wrdreg s24  }
0xaf: {  	[dreg:$0x3] =	wrdreg s2  }
0xb0: {  	[dreg:$0x4] =	wrdreg $0x0  }
0xb1: {  	[dreg:$0x5] =	wrdreg $0x9  }
0xb2: {  	_ =	task.clear_ibuf [dreg:s7], $0x6FFFF;
	_ =	strace $0x90000046  }
0xb3: {  	s29 =	simm.s32 $0x9;
	_ =	strace $0x80000048  }
0xb4: {  	_ =	swait.ge [sflag:s29], $0x1  }
0xb5: {  	[sflag:s29] =	ssyncadd.s32 $0xFFFFFFFF  }
0xb6: {  	_ =	strace $0x90000048  }
0xb7: {  	_ =	sfence  }
0xb8: {  	s30 =	sld [smem:$0x0];
	_ =	sdelay $0x2  }
0xb9: {  	s31 =	sshll.u32 s1, $0xD;
	s1 =	sshrl.u32 s1, $0x2  }
0xba: {  	s3 =	sand.u32 $0x4000, s31;
	s1 =	sadd.s32 s1, s30  }
0xbb: {  	s0 =	sor.u32 s3, s0;
	s1 =	sshll.u32 s1, $0x11  }
0xbc: {  	s0 =	sor.u32 s1, s0  }
0xbd: {  	s0 =	sadd.s32 $0x8F2B, s0  }
0xbe: {  	[sflag:s0] =	ssyncadd.remote.s32 $0x1  }
0xbf: {  	_ =	sfence.sel $0xFFFF  }
0xc0: {  	[dreg:$0x0] =	wrdreg $0xFFFFFFFF;
	(pc) =	sbr.abs _section_cstart, $3  }
0xc1: {  	[dreg:$0x1] =	wrdreg $0xFFFFFFFF  }
0xc2: {  	_ =	task.clear_ibuf [dreg:s7], $0x2FFFF;
	_ =	strace $0x9FFFFFFF  }
0xc3: {  	(tm) =	ssettm $0x7FFFFFFF  }
tec
execute0_lowered:
.L_overlay_start_1:
0x0: {  	(tag) =	ssettag $0x1  }
0x1: {  	s0 =	rddreg [dreg:$0x0]  }
0x2: {  	s1 =	rddreg [dreg:$0x1];
	s3 =	srdreg.scid  }
0x3: {  	s2 =	rddreg [dreg:$0x2];
	s11 =	stileid.u32  }
0x4: {  	s28 =	simm.s32 $0x2;
	s31 =	simm.s32 $0x14300;
	s7 =	smul.u32 $0x14000, s11  }
0x5: {  	s13 =	simm.s32 $0x14E00;
	s29 =	simm.s32 $0x14F80;
	s8 =	smul.u32 $0x50000, s11  }
0x6: {  	s5 =	sand.u32 $0x1, s3;
	s3 =	simm.s32 $0x0;
	s22 =	smul.u32 $0x500, s11  }
0x7: {  	s4 =	sadd.s32 $0x800, s0;
	s14 =	sadd.s32 $0x139000, s0;
	s6 =	smul.u32 $0x140000, s5  }
0x8: {  	[smem:$0x7FF] =	sst s3;
	s15 =	ssub.s32 $0x2, s5;
	s9 =	sshll.u32 s5, $0x4  }
0x9: {  	s5 =	smul.u32 $0x5000, s5;
	_ =	strace $0x80000047;
	s9 =	sor.u32 s11, s9  }
0xa: {  	s10 =	sshrl.u32 s15, $0x1;
	s8 =	sshrl.u32 s8, $0x2;
	s16 =	smul.u32 $0x500, s9  }
0xb: {  	s6 =	sadd.s32 s7, s6;
	s12 =	sadd.s32 s8, s2;
	s9 =	smul.u32 $0x2800, s9  }
0xc: {  	s24 =	sadd.s32 s5, s1;
	s5 =	sadd.s32 s5, s14;
	s6 =	sshrl.u32 s6, $0x3  }
0xd: {  	s17 =	sadd.s32 $0x4000, s12;
	s18 =	sadd.s32 $0x8000, s12;
	[dreg:$0x6] =	wrdreg s12  }
0xe: {  	s19 =	sadd.s32 $0xC000, s12;
	s20 =	sadd.s32 $0x10000, s12;
	[dreg:$0x7] =	wrdreg s17  }
0xf: {  	s25 =	sadd.s32 s22, s24;
	s26 =	sadd.s32 s22, s5;
	[dreg:$0x8] =	wrdreg s18  }
0x10: {  	s22 =	simm.s32 $0x14C00;
	s24 =	simm.s32 $0x19000;
	[dreg:$0x9] =	wrdreg s19  }
0x11: {  	s5 =	simm.s32 $0x14600;
	s0 =	sadd.s32 s6, s0;
	[dreg:$0xa] =	wrdreg s20  }
0x12: {  	s6 =	ssub.s32 s15, s10;
	s21 =	sadd.s32 s1, s16;
	[dreg:$0x4] =	wrdreg s25  }
0x13: {  	s9 =	sshrl.u32 s9, $0x3;
	s8 =	sadd.s32 s14, s16;
	[dreg:$0x5] =	wrdreg s26  }
0x14: {  	s16 =	simm.s32 $0x15000;
	s17 =	simm.s32 $0x3;
	s18 =	simm.s32 $0x14000  }
0x15: {  	s19 =	simm.s32 $0x14800;
	s20 =	simm.s32 $0x80;
	s25 =	simm.s32 $0x1  }
0x16: {  	s15 =	simm.s32 $0x14E80;
	s26 =	simm.s32 $0x14F00;
	[dreg:$0xb] =	wrdreg s21  }
0x17: {  	[dreg:$0xc] =	wrdreg s8;
	s23 =	sadd.s32 $0x480, s9;
	s0 =	sadd.s32 $0x143000, s0  }
0x18: {  	s30 =	smax.u32 s6, $0x1;
	s21 =	simm.s32 $0x14400;
	s8 =	simm.s32 $0x14C80  }
0x19: {  	s6 =	simm.s32 $0x14D80;
	s1 =	sadd.s32 s1, s23;
	[dreg:$0xf] =	wrdreg s0  }
0x1a: {  	s7 =	sadd.s32 s14, s23;
	[dreg:$0x10] =	wrdreg s30;
	s0 =	simm.s32 $0x0  }
0x1b: {  	s14 =	simm.s32 $0x14700;
	s23 =	simm.s32 $0x14780;
	[dreg:$0xd] =	wrdreg s1  }
0x1c: {  	v0 =	vimm.f32 $0.0e+00;
	[dreg:$0xe] =	wrdreg s7;
	s1 =	simm.s32 $0x14D00;
	s7 =	simm.s32 $0x14680  }
.LBB2_1:
0x1d: {  	[dreg:$0x11] =	wrdreg s0;
	s9 =	simm.s32 $0x0;
	s10 =	simm.s32 $0x200  }
.LBB2_2:
0x1e: {  	p0 =	sne.s32 s10, $0xFE00;
	[tilespmem:s9+$0x15070] =	vst v0  }
0x1f: {  	[tilespmem:s9+$0x15000] =	vst v0  }
0x20: {  	[tilespmem:s9+$0x15010] =	vst v0  }
.Ltmp0:
0x21: {  	[tilespmem:s9+$0x15020] =	vst v0;
	(pc) =	sbr.rel @p0 .LBB2_2-.Ltmp0, $4  }
0x22: {  	[tilespmem:s9+$0x15030] =	vst v0  }
0x23: {  	[tilespmem:s9+$0x15040] =	vst v0  }
0x24: {  	[tilespmem:s9+$0x15050] =	vst v0  }
0x25: {  	[tilespmem:s9+$0x15060] =	vst v0;
	s9 =	sshra.s32 s10, $0x2;
	s10 =	sadd.s32 $0x200, s10  }
0x26: {  	[tilespmem:s9+$0x15070] =	vst v0  }
0x27: {  	[tilespmem:s9+$0x15000] =	vst v0  }
0x28: {  	[tilespmem:s9+$0x15010] =	vst v0  }
0x29: {  	[tilespmem:s9+$0x15020] =	vst v0  }
0x2a: {  	[tilespmem:s9+$0x15030] =	vst v0  }
0x2b: {  	[tilespmem:s9+$0x15040] =	vst v0  }
0x2c: {  	[tilespmem:s9+$0x15050] =	vst v0  }
0x2d: {  	[tilespmem:s9+$0x15060] =	vst v0  }
0x2e: {  	[spmem:s12] =	stream.linear.scatter [tilespmem:s16], [sflag:$0x3], $0x4000, $0x38;
	[tilespmem:$0x1D000] =	vst v63  }
0x2f: {  	_ =	swait.ge [sflag:s17], $0x4000  }
0x30: {  	[sflag:s17] =	ssyncset.done $0x0  }
0x31: {  	s0 =	rddreg [dreg:$0x7];
	[sflag:s17] =	ssyncadd.s32 $0xFFFFC000  }
0x32: {  	[spmem:s0] =	stream.linear.scatter [tilespmem:s16], [sflag:$0x3], $0x4000, $0x38;
	[tilespmem:$0x1D000] =	vst v63  }
0x33: {  	_ =	swait.ge [sflag:s17], $0x4000  }
0x34: {  	[sflag:s17] =	ssyncset.done $0x0  }
0x35: {  	s10 =	rddreg [dreg:$0x8];
	[sflag:s17] =	ssyncadd.s32 $0xFFFFC000  }
0x36: {  	[spmem:s10] =	stream.linear.scatter [tilespmem:s16], [sflag:$0x3], $0x4000, $0x38;
	[tilespmem:$0x1D000] =	vst v63  }
0x37: {  	_ =	swait.ge [sflag:s17], $0x4000  }
0x38: {  	[sflag:s17] =	ssyncset.done $0x0  }
0x39: {  	s11 =	rddreg [dreg:$0x9];
	[sflag:s17] =	ssyncadd.s32 $0xFFFFC000  }
0x3a: {  	[spmem:s11] =	stream.linear.scatter [tilespmem:s16], [sflag:$0x3], $0x4000, $0x38;
	[tilespmem:$0x1D000] =	vst v63  }
0x3b: {  	_ =	swait.ge [sflag:s17], $0x4000  }
0x3c: {  	[sflag:s17] =	ssyncset.done $0x0  }
0x3d: {  	s12 =	rddreg [dreg:$0xa];
	[sflag:s17] =	ssyncadd.s32 $0xFFFFC000  }
0x3e: {  	[spmem:s12] =	stream.linear.scatter [tilespmem:s16], [sflag:$0x3], $0x4000, $0x38;
	[tilespmem:$0x1D000] =	vst v63  }
0x3f: {  	_ =	swait.ge [sflag:s17], $0x4000  }
0x40: {  	[sflag:s17] =	ssyncset.done $0x0  }
0x41: {  	s30 =	simm.s32 $0x0;
	s10 =	rddreg [dreg:$0xb];
	[sflag:s17] =	ssyncadd.s32 $0xFFFFC000  }
0x42: {  	[tilespmem:s18], [sflag:$0x3] =	stream.linear.gather [hbm4b:s10+s30], $0x400, $0x38;
	[tilespmem:$0x1D000] =	vst v63  }
0x43: {  	_ =	swait.ge [sflag:s17], $0x400  }
0x44: {  	[sflag:s17] =	ssyncset.done $0x0  }
0x45: {  	s0 =	rddreg [dreg:$0xc];
	[sflag:s17] =	ssyncadd.s32 $0xFFFFFC00  }
0x46: {  	[tilespmem:s19], [sflag:$0x3] =	stream.linear.gather [hbm4b:s0+s30], $0x400, $0x38;
	[tilespmem:$0x1D000] =	vst v63  }
0x47: {  	_ =	swait.ge [sflag:s17], $0x400  }
0x48: {  	[sflag:s17] =	ssyncset.done $0x0  }
0x49: {  	[sflag:s17] =	ssyncadd.s32 $0xFFFFFC00  }
0x4a: {  	[bflag:$0x0] =	sbarrier.arrive $0xFFFF  }
0x4b: {  	s11 =	rddreg [dreg:$0x4]  }
0x4c: {  	[tilespmem:s16], [sflag:$0x1] =	stream.indirect.gather [hbm4b:s4+s20], $0x80, s18, s20, $0xb8;
	[tilespmem:$0x1D000] =	vst v63  }
0x4d: {  	s9 =	sadd.s32 $0x0, s11  }
0x4e: {  	s12 =	sadd.s32 $0x80, s9  }
0x4f: {  	[tilespmem:s21], [sflag:$0x3] =	stream.linear.gather [hbm4b:s12+s3], $0x400, $0x38;
	[tilespmem:$0x1D000] =	vst v63  }
0x50: {  	_ =	swait.ge [sflag:s17], $0x400  }
0x51: {  	s30 =	rddreg [dreg:$0x5]  }
0x52: {  	[sflag:s17] =	ssyncset.done $0x0;
	s10 =	sadd.s32 $0x0, s30  }
0x53: {  	[sflag:s17] =	ssyncadd.s32 $0xFFFFFC00;
	s11 =	sadd.s32 $0x80, s10  }
0x54: {  	[tilespmem:s22], [sflag:$0x3] =	stream.linear.gather [hbm4b:s11+s3], $0x400, $0x38;
	[tilespmem:$0x1D000] =	vst v63  }
0x55: {  	_ =	swait.ge [sflag:s17], $0x400  }
0x56: {  	[sflag:s17] =	ssyncset.done $0x0  }
0x57: {  	s0 =	simm.s32 $0x14080;
	[sflag:s17] =	ssyncadd.s32 $0xFFFFFC00  }
0x58: {  	[tilespmem:s24], [sflag:$0x2] =	stream.indirect.gather [hbm4b:s4+s20], $0x80, s0, s20, $0xb8;
	[tilespmem:$0x1D000] =	vst v63  }
0x59: {  	_ =	swait.ge [sflag:s25], $0x4000  }
0x5a: {  	[sflag:s25] =	ssyncset.done $0x0  }
0x5b: {  	[sflag:s25] =	ssyncadd.s32 $0xFFFFC000  }
0x5c: {  	[spmem:s2] =	stream.indirect.scatter.add.f32 [tilespmem:s16], [sflag:$0x3], $0x80, s19, s20, $0xb8;
	[tilespmem:$0x1D000] =	vst v63  }
0x5d: {  	_ =	swait.ge [sflag:s17], $0x4000  }
0x5e: {  	[sflag:s17] =	ssyncset.done $0x0  }
0x5f: {  	s0 =	simm.s32 $0x14100;
	[sflag:s17] =	ssyncadd.s32 $0xFFFFC000  }
0x60: {  	[tilespmem:s16], [sflag:$0x1] =	stream.indirect.gather [hbm4b:s4+s20], $0x80, s0, s20, $0xb8;
	[tilespmem:$0x1D000] =	vst v63  }
0x61: {  	_ =	swait.ge [sflag:s28], $0x4000  }
0x62: {  	[sflag:s28] =	ssyncset.done $0x0  }
0x63: {  	s12 =	simm.s32 $0x14880;
	[sflag:s28] =	ssyncadd.s32 $0xFFFFC000  }
0x64: {  	[spmem:s2] =	stream.indirect.scatter.add.f32 [tilespmem:s24], [sflag:$0x3], $0x80, s12, s20, $0xb8;
	[tilespmem:$0x1D000] =	vst v63  }
0x65: {  	_ =	swait.ge [sflag:s17], $0x4000  }
0x66: {  	[sflag:s17] =	ssyncset.done $0x0  }
0x67: {  	s30 =	simm.s32 $0x14180;
	[sflag:s17] =	ssyncadd.s32 $0xFFFFC000  }
0x68: {  	[tilespmem:s24], [sflag:$0x2] =	stream.indirect.gather [hbm4b:s4+s20], $0x80, s30, s20, $0xb8;
	[tilespmem:$0x1D000] =	vst v63  }
0x69: {  	_ =	swait.ge [sflag:s25], $0x4000  }
0x6a: {  	[sflag:s25] =	ssyncset.done $0x0  }
0x6b: {  	s11 =	simm.s32 $0x14900;
	[sflag:s25] =	ssyncadd.s32 $0xFFFFC000  }
0x6c: {  	[spmem:s2] =	stream.indirect.scatter.add.f32 [tilespmem:s16], [sflag:$0x3], $0x80, s11, s20, $0xb8;
	[tilespmem:$0x1D000] =	vst v63  }
0x6d: {  	_ =	swait.ge [sflag:s17], $0x4000  }
0x6e: {  	[sflag:s17] =	ssyncset.done $0x0  }
0x6f: {  	s12 =	simm.s32 $0x14200;
	[sflag:s17] =	ssyncadd.s32 $0xFFFFC000  }
0x70: {  	[tilespmem:s16], [sflag:$0x1] =	stream.indirect.gather [hbm4b:s4+s20], $0x80, s12, s20, $0xb8;
	[tilespmem:$0x1D000] =	vst v63  }
0x71: {  	_ =	swait.ge [sflag:s28], $0x4000  }
0x72: {  	[sflag:s28] =	ssyncset.done $0x0  }
0x73: {  	s30 =	simm.s32 $0x14980;
	[sflag:s28] =	ssyncadd.s32 $0xFFFFC000  }
0x74: {  	[spmem:s2] =	stream.indirect.scatter.add.f32 [tilespmem:s24], [sflag:$0x3], $0x80, s30, s20, $0xb8;
	[tilespmem:$0x1D000] =	vst v63  }
0x75: {  	_ =	swait.ge [sflag:s17], $0x4000  }
0x76: {  	[sflag:s17] =	ssyncset.done $0x0  }
0x77: {  	s11 =	simm.s32 $0x14280;
	[sflag:s17] =	ssyncadd.s32 $0xFFFFC000  }
0x78: {  	[tilespmem:s24], [sflag:$0x2] =	stream.indirect.gather [hbm4b:s4+s20], $0x80, s11, s20, $0xb8;
	[tilespmem:$0x1D000] =	vst v63  }
0x79: {  	_ =	swait.ge [sflag:s25], $0x4000  }
0x7a: {  	[sflag:s25] =	ssyncset.done $0x0  }
0x7b: {  	s12 =	simm.s32 $0x14A00;
	[sflag:s25] =	ssyncadd.s32 $0xFFFFC000  }
0x7c: {  	[spmem:s2] =	stream.indirect.scatter.add.f32 [tilespmem:s16], [sflag:$0x3], $0x80, s12, s20, $0xb8;
	[tilespmem:$0x1D000] =	vst v63  }
0x7d: {  	_ =	swait.ge [sflag:s17], $0x4000  }
0x7e: {  	[sflag:s17] =	ssyncset.done $0x0  }
0x7f: {  	[sflag:s17] =	ssyncadd.s32 $0xFFFFC000  }
0x80: {  	[tilespmem:s16], [sflag:$0x1] =	stream.indirect.gather [hbm4b:s4+s20], $0x80, s31, s20, $0xb8;
	[tilespmem:$0x1D000] =	vst v63  }
0x81: {  	_ =	swait.ge [sflag:s28], $0x4000  }
0x82: {  	[sflag:s28] =	ssyncset.done $0x0  }
0x83: {  	s30 =	simm.s32 $0x14A80;
	[sflag:s28] =	ssyncadd.s32 $0xFFFFC000  }
0x84: {  	[spmem:s2] =	stream.indirect.scatter.add.f32 [tilespmem:s24], [sflag:$0x3], $0x80, s30, s20, $0xb8;
	[tilespmem:$0x1D000] =	vst v63  }
0x85: {  	_ =	swait.ge [sflag:s17], $0x4000  }
0x86: {  	[sflag:s17] =	ssyncset.done $0x0  }
0x87: {  	s11 =	simm.s32 $0x14380;
	[sflag:s17] =	ssyncadd.s32 $0xFFFFC000  }
0x88: {  	[tilespmem:s24], [sflag:$0x2] =	stream.indirect.gather [hbm4b:s4+s20], $0x80, s11, s20, $0xb8;
	[tilespmem:$0x1D000] =	vst v63  }
0x89: {  	_ =	swait.ge [sflag:s25], $0x4000  }
0x8a: {  	[sflag:s25] =	ssyncset.done $0x0  }
0x8b: {  	s12 =	simm.s32 $0x14B00;
	[sflag:s25] =	ssyncadd.s32 $0xFFFFC000  }
0x8c: {  	[spmem:s2] =	stream.indirect.scatter.add.f32 [tilespmem:s16], [sflag:$0x3], $0x80, s12, s20, $0xb8;
	[tilespmem:$0x1D000] =	vst v63  }
0x8d: {  	_ =	swait.ge [sflag:s17], $0x4000  }
0x8e: {  	[sflag:s17] =	ssyncset.done $0x0  }
0x8f: {  	[sflag:s17] =	ssyncadd.s32 $0xFFFFC000  }
0x90: {  	[tilespmem:s16], [sflag:$0x1] =	stream.indirect.gather [hbm4b:s4+s20], $0x80, s21, s20, $0xb8;
	[tilespmem:$0x1D000] =	vst v63  }
0x91: {  	_ =	swait.ge [sflag:s28], $0x4000  }
0x92: {  	[sflag:s28] =	ssyncset.done $0x0  }
0x93: {  	s30 =	simm.s32 $0x14B80;
	[sflag:s28] =	ssyncadd.s32 $0xFFFFC000  }
0x94: {  	[spmem:s2] =	stream.indirect.scatter.add.f32 [tilespmem:s24], [sflag:$0x3], $0x80, s30, s20, $0xb8;
	[tilespmem:$0x1D000] =	vst v63  }
0x95: {  	_ =	swait.ge [sflag:s17], $0x4000  }
0x96: {  	[sflag:s17] =	ssyncset.done $0x0  }
0x97: {  	s9 =	sadd.s32 $0x100, s9;
	[sflag:s17] =	ssyncadd.s32 $0xFFFFC000  }
0x98: {  	[tilespmem:s18], [sflag:$0x3] =	stream.linear.gather [hbm4b:s9+s3], $0x400, $0x38;
	[tilespmem:$0x1D000] =	vst v63  }
0x99: {  	_ =	swait.ge [sflag:s17], $0x400  }
0x9a: {  	[sflag:s17] =	ssyncset.done $0x0  }
0x9b: {  	s11 =	sadd.s32 $0x100, s10;
	[sflag:s17] =	ssyncadd.s32 $0xFFFFFC00  }
0x9c: {  	[tilespmem:s19], [sflag:$0x3] =	stream.linear.gather [hbm4b:s11+s3], $0x400, $0x38;
	[tilespmem:$0x1D000] =	vst v63  }
0x9d: {  	_ =	swait.ge [sflag:s17], $0x400  }
0x9e: {  	[sflag:s17] =	ssyncset.done $0x0  }
0x9f: {  	s12 =	simm.s32 $0x14480;
	[sflag:s17] =	ssyncadd.s32 $0xFFFFFC00  }
0xa0: {  	[tilespmem:s24], [sflag:$0x2] =	stream.indirect.gather [hbm4b:s4+s20], $0x80, s12, s20, $0xb8;
	[tilespmem:$0x1D000] =	vst v63  }
0xa1: {  	_ =	swait.ge [sflag:s25], $0x4000  }
0xa2: {  	[sflag:s25] =	ssyncset.done $0x0  }
0xa3: {  	[sflag:s25] =	ssyncadd.s32 $0xFFFFC000  }
0xa4: {  	[spmem:s2] =	stream.indirect.scatter.add.f32 [tilespmem:s16], [sflag:$0x3], $0x80, s22, s20, $0xb8;
	[tilespmem:$0x1D000] =	vst v63  }
0xa5: {  	_ =	swait.ge [sflag:s17], $0x4000  }
0xa6: {  	[sflag:s17] =	ssyncset.done $0x0  }
0xa7: {  	s30 =	simm.s32 $0x14500;
	[sflag:s17] =	ssyncadd.s32 $0xFFFFC000  }
0xa8: {  	[tilespmem:s16], [sflag:$0x1] =	stream.indirect.gather [hbm4b:s4+s20], $0x80, s30, s20, $0xb8;
	[tilespmem:$0x1D000] =	vst v63  }
0xa9: {  	_ =	swait.ge [sflag:s28], $0x4000  }
0xaa: {  	[sflag:s28] =	ssyncset.done $0x0  }
0xab: {  	[sflag:s28] =	ssyncadd.s32 $0xFFFFC000  }
0xac: {  	[spmem:s2] =	stream.indirect.scatter.add.f32 [tilespmem:s24], [sflag:$0x3], $0x80, s8, s20, $0xb8;
	[tilespmem:$0x1D000] =	vst v63  }
0xad: {  	_ =	swait.ge [sflag:s17], $0x4000  }
0xae: {  	[sflag:s17] =	ssyncset.done $0x0  }
0xaf: {  	s0 =	simm.s32 $0x14580;
	[sflag:s17] =	ssyncadd.s32 $0xFFFFC000  }
0xb0: {  	[tilespmem:s24], [sflag:$0x2] =	stream.indirect.gather [hbm4b:s4+s20], $0x80, s0, s20, $0xb8;
	[tilespmem:$0x1D000] =	vst v63  }
0xb1: {  	_ =	swait.ge [sflag:s25], $0x4000  }
0xb2: {  	[sflag:s25] =	ssyncset.done $0x0  }
0xb3: {  	[sflag:s25] =	ssyncadd.s32 $0xFFFFC000  }
0xb4: {  	[spmem:s2] =	stream.indirect.scatter.add.f32 [tilespmem:s16], [sflag:$0x3], $0x80, s1, s20, $0xb8;
	[tilespmem:$0x1D000] =	vst v63  }
0xb5: {  	_ =	swait.ge [sflag:s17], $0x4000  }
0xb6: {  	[sflag:s17] =	ssyncset.done $0x0  }
0xb7: {  	[sflag:s17] =	ssyncadd.s32 $0xFFFFC000  }
0xb8: {  	[tilespmem:s16], [sflag:$0x1] =	stream.indirect.gather [hbm4b:s4+s20], $0x80, s5, s20, $0xb8;
	[tilespmem:$0x1D000] =	vst v63  }
0xb9: {  	_ =	swait.ge [sflag:s28], $0x4000  }
0xba: {  	[sflag:s28] =	ssyncset.done $0x0  }
0xbb: {  	[sflag:s28] =	ssyncadd.s32 $0xFFFFC000  }
0xbc: {  	[spmem:s2] =	stream.indirect.scatter.add.f32 [tilespmem:s24], [sflag:$0x3], $0x80, s6, s20, $0xb8;
	[tilespmem:$0x1D000] =	vst v63  }
0xbd: {  	_ =	swait.ge [sflag:s17], $0x4000  }
0xbe: {  	[sflag:s17] =	ssyncset.done $0x0  }
0xbf: {  	[sflag:s17] =	ssyncadd.s32 $0xFFFFC000  }
0xc0: {  	[tilespmem:s24], [sflag:$0x2] =	stream.indirect.gather [hbm4b:s4+s20], $0x80, s7, s20, $0xb8;
	[tilespmem:$0x1D000] =	vst v63  }
0xc1: {  	_ =	swait.ge [sflag:s25], $0x4000  }
0xc2: {  	[sflag:s25] =	ssyncset.done $0x0  }
0xc3: {  	[sflag:s25] =	ssyncadd.s32 $0xFFFFC000  }
0xc4: {  	[spmem:s2] =	stream.indirect.scatter.add.f32 [tilespmem:s16], [sflag:$0x3], $0x80, s13, s20, $0xb8;
	[tilespmem:$0x1D000] =	vst v63  }
0xc5: {  	_ =	swait.ge [sflag:s17], $0x4000  }
0xc6: {  	[sflag:s17] =	ssyncset.done $0x0  }
0xc7: {  	[sflag:s17] =	ssyncadd.s32 $0xFFFFC000  }
0xc8: {  	[tilespmem:s16], [sflag:$0x1] =	stream.indirect.gather [hbm4b:s4+s20], $0x80, s14, s20, $0xb8;
	[tilespmem:$0x1D000] =	vst v63  }
0xc9: {  	_ =	swait.ge [sflag:s28], $0x4000  }
0xca: {  	[sflag:s28] =	ssyncset.done $0x0  }
0xcb: {  	[sflag:s28] =	ssyncadd.s32 $0xFFFFC000  }
0xcc: {  	[spmem:s2] =	stream.indirect.scatter.add.f32 [tilespmem:s24], [sflag:$0x3], $0x80, s15, s20, $0xb8;
	[tilespmem:$0x1D000] =	vst v63  }
0xcd: {  	_ =	swait.ge [sflag:s17], $0x4000  }
0xce: {  	[sflag:s17] =	ssyncset.done $0x0  }
0xcf: {  	[sflag:s17] =	ssyncadd.s32 $0xFFFFC000  }
0xd0: {  	[tilespmem:s24], [sflag:$0x2] =	stream.indirect.gather [hbm4b:s4+s20], $0x80, s23, s20, $0xb8;
	[tilespmem:$0x1D000] =	vst v63  }
0xd1: {  	_ =	swait.ge [sflag:s25], $0x4000  }
0xd2: {  	[sflag:s25] =	ssyncset.done $0x0  }
0xd3: {  	[sflag:s25] =	ssyncadd.s32 $0xFFFFC000  }
0xd4: {  	[spmem:s2] =	stream.indirect.scatter.add.f32 [tilespmem:s16], [sflag:$0x3], $0x80, s26, s20, $0xb8;
	[tilespmem:$0x1D000] =	vst v63  }
0xd5: {  	_ =	swait.ge [sflag:s17], $0x4000  }
0xd6: {  	[sflag:s17] =	ssyncset.done $0x0  }
0xd7: {  	[sflag:s17] =	ssyncadd.s32 $0xFFFFC000  }
0xd8: {  	[tilespmem:s16], [sflag:$0x1] =	stream.indirect.gather [hbm4b:s4+s20], $0x80, s18, s20, $0xb8;
	[tilespmem:$0x1D000] =	vst v63  }
0xd9: {  	_ =	swait.ge [sflag:s28], $0x4000  }
0xda: {  	[sflag:s28] =	ssyncset.done $0x0  }
0xdb: {  	[sflag:s28] =	ssyncadd.s32 $0xFFFFC000  }
0xdc: {  	[spmem:s2] =	stream.indirect.scatter.add.f32 [tilespmem:s24], [sflag:$0x3], $0x80, s29, s20, $0xb8;
	[tilespmem:$0x1D000] =	vst v63  }
0xdd: {  	s9 =	simm.s32 $0x100;
	_ =	swait.ge [sflag:s17], $0x4000  }
.LBB2_4:
0xde: {  	s10 =	rddreg [dreg:$0x4];
	s11 =	smov.u32 s9  }
0xdf: {  	[sflag:s17] =	ssyncset.done $0x0;
	s10 =	sadd.s32 s11, s10  }
0xe0: {  	[sflag:s17] =	ssyncadd.s32 $0xFFFFC000;
	s12 =	sadd.s32 $0x80, s10  }
0xe1: {  	[tilespmem:s21], [sflag:$0x3] =	stream.linear.gather [hbm4b:s12+s3], $0x400, $0x38;
	[tilespmem:$0x1D000] =	vst v63  }
0xe2: {  	_ =	swait.ge [sflag:s17], $0x400  }
0xe3: {  	s30 =	rddreg [dreg:$0x5]  }
0xe4: {  	[sflag:s17] =	ssyncset.done $0x0;
	s11 =	sadd.s32 s11, s30  }
0xe5: {  	[sflag:s17] =	ssyncadd.s32 $0xFFFFFC00;
	s12 =	sadd.s32 $0x80, s11  }
0xe6: {  	[tilespmem:s22], [sflag:$0x3] =	stream.linear.gather [hbm4b:s12+s3], $0x400, $0x38;
	[tilespmem:$0x1D000] =	vst v63  }
0xe7: {  	_ =	swait.ge [sflag:s17], $0x400  }
0xe8: {  	[sflag:s17] =	ssyncset.done $0x0  }
0xe9: {  	s12 =	simm.s32 $0x14080;
	[sflag:s17] =	ssyncadd.s32 $0xFFFFFC00  }
0xea: {  	[tilespmem:s24], [sflag:$0x2] =	stream.indirect.gather [hbm4b:s4+s20], $0x80, s12, s20, $0xb8;
	[tilespmem:$0x1D000] =	vst v63  }
0xeb: {  	_ =	swait.ge [sflag:s25], $0x4000  }
0xec: {  	[sflag:s25] =	ssyncset.done $0x0  }
0xed: {  	[sflag:s25] =	ssyncadd.s32 $0xFFFFC000  }
0xee: {  	[spmem:s2] =	stream.indirect.scatter.add.f32 [tilespmem:s16], [sflag:$0x3], $0x80, s19, s20, $0xb8;
	[tilespmem:$0x1D000] =	vst v63  }
0xef: {  	_ =	swait.ge [sflag:s17], $0x4000  }
0xf0: {  	[sflag:s17] =	ssyncset.done $0x0  }
0xf1: {  	s30 =	simm.s32 $0x14100;
	[sflag:s17] =	ssyncadd.s32 $0xFFFFC000  }
0xf2: {  	[tilespmem:s16], [sflag:$0x1] =	stream.indirect.gather [hbm4b:s4+s20], $0x80, s30, s20, $0xb8;
	[tilespmem:$0x1D000] =	vst v63  }
0xf3: {  	_ =	swait.ge [sflag:s28], $0x4000  }
0xf4: {  	[sflag:s28] =	ssyncset.done $0x0  }
0xf5: {  	s30 =	simm.s32 $0x14880;
	[sflag:s28] =	ssyncadd.s32 $0xFFFFC000  }
0xf6: {  	[spmem:s2] =	stream.indirect.scatter.add.f32 [tilespmem:s24], [sflag:$0x3], $0x80, s30, s20, $0xb8;
	[tilespmem:$0x1D000] =	vst v63  }
0xf7: {  	_ =	swait.ge [sflag:s17], $0x4000  }
0xf8: {  	[sflag:s17] =	ssyncset.done $0x0  }
0xf9: {  	s30 =	simm.s32 $0x14180;
	[sflag:s17] =	ssyncadd.s32 $0xFFFFC000  }
0xfa: {  	[tilespmem:s24], [sflag:$0x2] =	stream.indirect.gather [hbm4b:s4+s20], $0x80, s30, s20, $0xb8;
	[tilespmem:$0x1D000] =	vst v63  }
0xfb: {  	_ =	swait.ge [sflag:s25], $0x4000  }
0xfc: {  	[sflag:s25] =	ssyncset.done $0x0  }
0xfd: {  	s30 =	simm.s32 $0x14900;
	[sflag:s25] =	ssyncadd.s32 $0xFFFFC000  }
0xfe: {  	[spmem:s2] =	stream.indirect.scatter.add.f32 [tilespmem:s16], [sflag:$0x3], $0x80, s30, s20, $0xb8;
	[tilespmem:$0x1D000] =	vst v63  }
0xff: {  	_ =	swait.ge [sflag:s17], $0x4000  }
0x100: {  	[sflag:s17] =	ssyncset.done $0x0  }
0x101: {  	s30 =	simm.s32 $0x14200;
	[sflag:s17] =	ssyncadd.s32 $0xFFFFC000  }
0x102: {  	[tilespmem:s16], [sflag:$0x1] =	stream.indirect.gather [hbm4b:s4+s20], $0x80, s30, s20, $0xb8;
	[tilespmem:$0x1D000] =	vst v63  }
0x103: {  	_ =	swait.ge [sflag:s28], $0x4000  }
0x104: {  	[sflag:s28] =	ssyncset.done $0x0  }
0x105: {  	s30 =	simm.s32 $0x14980;
	[sflag:s28] =	ssyncadd.s32 $0xFFFFC000  }
0x106: {  	[spmem:s2] =	stream.indirect.scatter.add.f32 [tilespmem:s24], [sflag:$0x3], $0x80, s30, s20, $0xb8;
	[tilespmem:$0x1D000] =	vst v63  }
0x107: {  	_ =	swait.ge [sflag:s17], $0x4000  }
0x108: {  	[sflag:s17] =	ssyncset.done $0x0  }
0x109: {  	s30 =	simm.s32 $0x14280;
	[sflag:s17] =	ssyncadd.s32 $0xFFFFC000  }
0x10a: {  	[tilespmem:s24], [sflag:$0x2] =	stream.indirect.gather [hbm4b:s4+s20], $0x80, s30, s20, $0xb8;
	[tilespmem:$0x1D000] =	vst v63  }
0x10b: {  	_ =	swait.ge [sflag:s25], $0x4000  }
0x10c: {  	[sflag:s25] =	ssyncset.done $0x0  }
0x10d: {  	s30 =	simm.s32 $0x14A00;
	[sflag:s25] =	ssyncadd.s32 $0xFFFFC000  }
0x10e: {  	[spmem:s2] =	stream.indirect.scatter.add.f32 [tilespmem:s16], [sflag:$0x3], $0x80, s30, s20, $0xb8;
	[tilespmem:$0x1D000] =	vst v63  }
0x10f: {  	_ =	swait.ge [sflag:s17], $0x4000  }
0x110: {  	[sflag:s17] =	ssyncset.done $0x0  }
0x111: {  	[sflag:s17] =	ssyncadd.s32 $0xFFFFC000  }
0x112: {  	[tilespmem:s16], [sflag:$0x1] =	stream.indirect.gather [hbm4b:s4+s20], $0x80, s31, s20, $0xb8;
	[tilespmem:$0x1D000] =	vst v63  }
0x113: {  	_ =	swait.ge [sflag:s28], $0x4000  }
0x114: {  	[sflag:s28] =	ssyncset.done $0x0  }
0x115: {  	s30 =	simm.s32 $0x14A80;
	[sflag:s28] =	ssyncadd.s32 $0xFFFFC000  }
0x116: {  	[spmem:s2] =	stream.indirect.scatter.add.f32 [tilespmem:s24], [sflag:$0x3], $0x80, s30, s20, $0xb8;
	[tilespmem:$0x1D000] =	vst v63  }
0x117: {  	_ =	swait.ge [sflag:s17], $0x4000  }
0x118: {  	[sflag:s17] =	ssyncset.done $0x0  }
0x119: {  	s30 =	simm.s32 $0x14380;
	[sflag:s17] =	ssyncadd.s32 $0xFFFFC000  }
0x11a: {  	[tilespmem:s24], [sflag:$0x2] =	stream.indirect.gather [hbm4b:s4+s20], $0x80, s30, s20, $0xb8;
	[tilespmem:$0x1D000] =	vst v63  }
0x11b: {  	_ =	swait.ge [sflag:s25], $0x4000  }
0x11c: {  	[sflag:s25] =	ssyncset.done $0x0  }
0x11d: {  	s30 =	simm.s32 $0x14B00;
	[sflag:s25] =	ssyncadd.s32 $0xFFFFC000  }
0x11e: {  	[spmem:s2] =	stream.indirect.scatter.add.f32 [tilespmem:s16], [sflag:$0x3], $0x80, s30, s20, $0xb8;
	[tilespmem:$0x1D000] =	vst v63  }
0x11f: {  	_ =	swait.ge [sflag:s17], $0x4000  }
0x120: {  	[sflag:s17] =	ssyncset.done $0x0  }
0x121: {  	[sflag:s17] =	ssyncadd.s32 $0xFFFFC000  }
0x122: {  	[tilespmem:s16], [sflag:$0x1] =	stream.indirect.gather [hbm4b:s4+s20], $0x80, s21, s20, $0xb8;
	[tilespmem:$0x1D000] =	vst v63  }
0x123: {  	_ =	swait.ge [sflag:s28], $0x4000  }
0x124: {  	[sflag:s28] =	ssyncset.done $0x0  }
0x125: {  	s30 =	simm.s32 $0x14B80;
	[sflag:s28] =	ssyncadd.s32 $0xFFFFC000  }
0x126: {  	[spmem:s2] =	stream.indirect.scatter.add.f32 [tilespmem:s24], [sflag:$0x3], $0x80, s30, s20, $0xb8;
	[tilespmem:$0x1D000] =	vst v63  }
0x127: {  	_ =	swait.ge [sflag:s17], $0x4000  }
0x128: {  	[sflag:s17] =	ssyncset.done $0x0  }
0x129: {  	s10 =	sadd.s32 $0x100, s10;
	[sflag:s17] =	ssyncadd.s32 $0xFFFFC000  }
0x12a: {  	[tilespmem:s18], [sflag:$0x3] =	stream.linear.gather [hbm4b:s10+s3], $0x400, $0x38;
	[tilespmem:$0x1D000] =	vst v63  }
0x12b: {  	_ =	swait.ge [sflag:s17], $0x400  }
0x12c: {  	[sflag:s17] =	ssyncset.done $0x0  }
0x12d: {  	s30 =	sadd.s32 $0x100, s11;
	[sflag:s17] =	ssyncadd.s32 $0xFFFFFC00  }
0x12e: {  	[tilespmem:s19], [sflag:$0x3] =	stream.linear.gather [hbm4b:s30+s3], $0x400, $0x38;
	[tilespmem:$0x1D000] =	vst v63  }
0x12f: {  	_ =	swait.ge [sflag:s17], $0x400  }
0x130: {  	[sflag:s17] =	ssyncset.done $0x0  }
0x131: {  	s10 =	simm.s32 $0x14480;
	[sflag:s17] =	ssyncadd.s32 $0xFFFFFC00  }
0x132: {  	[tilespmem:s24], [sflag:$0x2] =	stream.indirect.gather [hbm4b:s4+s20], $0x80, s10, s20, $0xb8;
	[tilespmem:$0x1D000] =	vst v63  }
0x133: {  	_ =	swait.ge [sflag:s25], $0x4000  }
0x134: {  	[sflag:s25] =	ssyncset.done $0x0  }
0x135: {  	[sflag:s25] =	ssyncadd.s32 $0xFFFFC000  }
0x136: {  	[spmem:s2] =	stream.indirect.scatter.add.f32 [tilespmem:s16], [sflag:$0x3], $0x80, s22, s20, $0xb8;
	[tilespmem:$0x1D000] =	vst v63  }
0x137: {  	_ =	swait.ge [sflag:s17], $0x4000  }
0x138: {  	[sflag:s17] =	ssyncset.done $0x0  }
0x139: {  	s11 =	simm.s32 $0x14500;
	[sflag:s17] =	ssyncadd.s32 $0xFFFFC000  }
0x13a: {  	[tilespmem:s16], [sflag:$0x1] =	stream.indirect.gather [hbm4b:s4+s20], $0x80, s11, s20, $0xb8;
	[tilespmem:$0x1D000] =	vst v63  }
0x13b: {  	_ =	swait.ge [sflag:s28], $0x4000  }
0x13c: {  	[sflag:s28] =	ssyncset.done $0x0  }
0x13d: {  	[sflag:s28] =	ssyncadd.s32 $0xFFFFC000  }
0x13e: {  	[spmem:s2] =	stream.indirect.scatter.add.f32 [tilespmem:s24], [sflag:$0x3], $0x80, s8, s20, $0xb8;
	[tilespmem:$0x1D000] =	vst v63  }
0x13f: {  	_ =	swait.ge [sflag:s17], $0x4000  }
0x140: {  	[sflag:s17] =	ssyncset.done $0x0  }
0x141: {  	[sflag:s17] =	ssyncadd.s32 $0xFFFFC000  }
0x142: {  	[tilespmem:s24], [sflag:$0x2] =	stream.indirect.gather [hbm4b:s4+s20], $0x80, s0, s20, $0xb8;
	[tilespmem:$0x1D000] =	vst v63  }
0x143: {  	_ =	swait.ge [sflag:s25], $0x4000  }
0x144: {  	[sflag:s25] =	ssyncset.done $0x0  }
0x145: {  	[sflag:s25] =	ssyncadd.s32 $0xFFFFC000  }
0x146: {  	[spmem:s2] =	stream.indirect.scatter.add.f32 [tilespmem:s16], [sflag:$0x3], $0x80, s1, s20, $0xb8;
	[tilespmem:$0x1D000] =	vst v63  }
0x147: {  	_ =	swait.ge [sflag:s17], $0x4000  }
0x148: {  	[sflag:s17] =	ssyncset.done $0x0  }
0x149: {  	[sflag:s17] =	ssyncadd.s32 $0xFFFFC000  }
0x14a: {  	[tilespmem:s16], [sflag:$0x1] =	stream.indirect.gather [hbm4b:s4+s20], $0x80, s5, s20, $0xb8;
	[tilespmem:$0x1D000] =	vst v63  }
0x14b: {  	_ =	swait.ge [sflag:s28], $0x4000  }
0x14c: {  	[sflag:s28] =	ssyncset.done $0x0  }
0x14d: {  	[sflag:s28] =	ssyncadd.s32 $0xFFFFC000  }
0x14e: {  	[spmem:s2] =	stream.indirect.scatter.add.f32 [tilespmem:s24], [sflag:$0x3], $0x80, s6, s20, $0xb8;
	[tilespmem:$0x1D000] =	vst v63  }
0x14f: {  	_ =	swait.ge [sflag:s17], $0x4000  }
0x150: {  	[sflag:s17] =	ssyncset.done $0x0  }
0x151: {  	[sflag:s17] =	ssyncadd.s32 $0xFFFFC000  }
0x152: {  	[tilespmem:s24], [sflag:$0x2] =	stream.indirect.gather [hbm4b:s4+s20], $0x80, s7, s20, $0xb8;
	[tilespmem:$0x1D000] =	vst v63  }
0x153: {  	_ =	swait.ge [sflag:s25], $0x4000  }
0x154: {  	[sflag:s25] =	ssyncset.done $0x0  }
0x155: {  	[sflag:s25] =	ssyncadd.s32 $0xFFFFC000  }
0x156: {  	[spmem:s2] =	stream.indirect.scatter.add.f32 [tilespmem:s16], [sflag:$0x3], $0x80, s13, s20, $0xb8;
	[tilespmem:$0x1D000] =	vst v63  }
0x157: {  	_ =	swait.ge [sflag:s17], $0x4000  }
0x158: {  	[sflag:s17] =	ssyncset.done $0x0  }
0x159: {  	[sflag:s17] =	ssyncadd.s32 $0xFFFFC000  }
0x15a: {  	[tilespmem:s16], [sflag:$0x1] =	stream.indirect.gather [hbm4b:s4+s20], $0x80, s14, s20, $0xb8;
	[tilespmem:$0x1D000] =	vst v63  }
0x15b: {  	_ =	swait.ge [sflag:s28], $0x4000  }
0x15c: {  	[sflag:s28] =	ssyncset.done $0x0  }
0x15d: {  	[sflag:s28] =	ssyncadd.s32 $0xFFFFC000  }
0x15e: {  	[spmem:s2] =	stream.indirect.scatter.add.f32 [tilespmem:s24], [sflag:$0x3], $0x80, s15, s20, $0xb8;
	[tilespmem:$0x1D000] =	vst v63  }
0x15f: {  	_ =	swait.ge [sflag:s17], $0x4000  }
0x160: {  	[sflag:s17] =	ssyncset.done $0x0  }
0x161: {  	[sflag:s17] =	ssyncadd.s32 $0xFFFFC000  }
0x162: {  	[tilespmem:s24], [sflag:$0x2] =	stream.indirect.gather [hbm4b:s4+s20], $0x80, s23, s20, $0xb8;
	[tilespmem:$0x1D000] =	vst v63  }
0x163: {  	_ =	swait.ge [sflag:s25], $0x4000  }
0x164: {  	[sflag:s25] =	ssyncset.done $0x0  }
0x165: {  	[sflag:s25] =	ssyncadd.s32 $0xFFFFC000  }
0x166: {  	[spmem:s2] =	stream.indirect.scatter.add.f32 [tilespmem:s16], [sflag:$0x3], $0x80, s26, s20, $0xb8;
	[tilespmem:$0x1D000] =	vst v63  }
0x167: {  	_ =	swait.ge [sflag:s17], $0x4000  }
0x168: {  	[sflag:s17] =	ssyncset.done $0x0  }
0x169: {  	p0 =	sne.s32 s9, $0x300;
	[sflag:s17] =	ssyncadd.s32 $0xFFFFC000  }
0x16a: {  	[tilespmem:s16], [sflag:$0x1] =	stream.indirect.gather [hbm4b:s4+s20], $0x80, s18, s20, $0xb8;
	[tilespmem:$0x1D000] =	vst v63  }
.Ltmp1:
0x16b: {  	_ =	swait.ge [sflag:s28], $0x4000;
	(pc) =	sbr.rel @p0 .LBB2_4-.Ltmp1, $4  }
0x16c: {  	[sflag:s28] =	ssyncset.done $0x0  }
0x16d: {  	[sflag:s28] =	ssyncadd.s32 $0xFFFFC000  }
0x16e: {  	[spmem:s2] =	stream.indirect.scatter.add.f32 [tilespmem:s24], [sflag:$0x3], $0x80, s29, s20, $0xb8;
	[tilespmem:$0x1D000] =	vst v63  }
0x16f: {  	s9 =	sadd.s32 $0x100, s9;
	_ =	swait.ge [sflag:s17], $0x4000  }
0x170: {  	[sflag:s17] =	ssyncset.done $0x0  }
0x171: {  	s9 =	rddreg [dreg:$0xd];
	[sflag:s17] =	ssyncadd.s32 $0xFFFFC000  }
0x172: {  	[tilespmem:s21], [sflag:$0x3] =	stream.linear.gather [hbm4b:s9+s3], $0x400, $0x38;
	[tilespmem:$0x1D000] =	vst v63  }
0x173: {  	_ =	swait.ge [sflag:s17], $0x400  }
0x174: {  	[sflag:s17] =	ssyncset.done $0x0  }
0x175: {  	s30 =	rddreg [dreg:$0xe];
	[sflag:s17] =	ssyncadd.s32 $0xFFFFFC00  }
0x176: {  	[tilespmem:s22], [sflag:$0x3] =	stream.linear.gather [hbm4b:s30+s3], $0x400, $0x38;
	[tilespmem:$0x1D000] =	vst v63  }
0x177: {  	_ =	swait.ge [sflag:s17], $0x400  }
0x178: {  	[sflag:s17] =	ssyncset.done $0x0  }
0x179: {  	[sflag:s17] =	ssyncadd.s32 $0xFFFFFC00  }
0x17a: {  	[tilespmem:s24], [sflag:$0x2] =	stream.indirect.gather [hbm4b:s4+s20], $0x80, s12, s20, $0xb8;
	[tilespmem:$0x1D000] =	vst v63  }
0x17b: {  	_ =	swait.ge [sflag:s25], $0x4000  }
0x17c: {  	[sflag:s25] =	ssyncset.done $0x0  }
0x17d: {  	[sflag:s25] =	ssyncadd.s32 $0xFFFFC000  }
0x17e: {  	[spmem:s2] =	stream.indirect.scatter.add.f32 [tilespmem:s16], [sflag:$0x3], $0x80, s19, s20, $0xb8;
	[tilespmem:$0x1D000] =	vst v63  }
0x17f: {  	_ =	swait.ge [sflag:s17], $0x4000  }
0x180: {  	[sflag:s17] =	ssyncset.done $0x0  }
0x181: {  	s12 =	simm.s32 $0x14100;
	[sflag:s17] =	ssyncadd.s32 $0xFFFFC000  }
0x182: {  	[tilespmem:s16], [sflag:$0x1] =	stream.indirect.gather [hbm4b:s4+s20], $0x80, s12, s20, $0xb8;
	[tilespmem:$0x1D000] =	vst v63  }
0x183: {  	_ =	swait.ge [sflag:s28], $0x4000  }
0x184: {  	[sflag:s28] =	ssyncset.done $0x0  }
0x185: {  	s30 =	simm.s32 $0x14880;
	[sflag:s28] =	ssyncadd.s32 $0xFFFFC000  }
0x186: {  	[spmem:s2] =	stream.indirect.scatter.add.f32 [tilespmem:s24], [sflag:$0x3], $0x80, s30, s20, $0xb8;
	[tilespmem:$0x1D000] =	vst v63  }
0x187: {  	_ =	swait.ge [sflag:s17], $0x4000  }
0x188: {  	[sflag:s17] =	ssyncset.done $0x0  }
0x189: {  	s12 =	simm.s32 $0x14180;
	[sflag:s17] =	ssyncadd.s32 $0xFFFFC000  }
0x18a: {  	[tilespmem:s24], [sflag:$0x2] =	stream.indirect.gather [hbm4b:s4+s20], $0x80, s12, s20, $0xb8;
	[tilespmem:$0x1D000] =	vst v63  }
0x18b: {  	_ =	swait.ge [sflag:s25], $0x4000  }
0x18c: {  	[sflag:s25] =	ssyncset.done $0x0  }
0x18d: {  	s30 =	simm.s32 $0x14900;
	[sflag:s25] =	ssyncadd.s32 $0xFFFFC000  }
0x18e: {  	[spmem:s2] =	stream.indirect.scatter.add.f32 [tilespmem:s16], [sflag:$0x3], $0x80, s30, s20, $0xb8;
	[tilespmem:$0x1D000] =	vst v63  }
0x18f: {  	_ =	swait.ge [sflag:s17], $0x4000  }
0x190: {  	[sflag:s17] =	ssyncset.done $0x0  }
0x191: {  	s12 =	simm.s32 $0x14200;
	[sflag:s17] =	ssyncadd.s32 $0xFFFFC000  }
0x192: {  	[tilespmem:s16], [sflag:$0x1] =	stream.indirect.gather [hbm4b:s4+s20], $0x80, s12, s20, $0xb8;
	[tilespmem:$0x1D000] =	vst v63  }
0x193: {  	_ =	swait.ge [sflag:s28], $0x4000  }
0x194: {  	[sflag:s28] =	ssyncset.done $0x0  }
0x195: {  	s30 =	simm.s32 $0x14980;
	[sflag:s28] =	ssyncadd.s32 $0xFFFFC000  }
0x196: {  	[spmem:s2] =	stream.indirect.scatter.add.f32 [tilespmem:s24], [sflag:$0x3], $0x80, s30, s20, $0xb8;
	[tilespmem:$0x1D000] =	vst v63  }
0x197: {  	_ =	swait.ge [sflag:s17], $0x4000  }
0x198: {  	[sflag:s17] =	ssyncset.done $0x0  }
0x199: {  	s12 =	simm.s32 $0x14280;
	[sflag:s17] =	ssyncadd.s32 $0xFFFFC000  }
0x19a: {  	[tilespmem:s24], [sflag:$0x2] =	stream.indirect.gather [hbm4b:s4+s20], $0x80, s12, s20, $0xb8;
	[tilespmem:$0x1D000] =	vst v63  }
0x19b: {  	_ =	swait.ge [sflag:s25], $0x4000  }
0x19c: {  	[sflag:s25] =	ssyncset.done $0x0  }
0x19d: {  	s30 =	simm.s32 $0x14A00;
	[sflag:s25] =	ssyncadd.s32 $0xFFFFC000  }
0x19e: {  	[spmem:s2] =	stream.indirect.scatter.add.f32 [tilespmem:s16], [sflag:$0x3], $0x80, s30, s20, $0xb8;
	[tilespmem:$0x1D000] =	vst v63  }
0x19f: {  	_ =	swait.ge [sflag:s17], $0x4000  }
0x1a0: {  	[sflag:s17] =	ssyncset.done $0x0  }
0x1a1: {  	[sflag:s17] =	ssyncadd.s32 $0xFFFFC000  }
0x1a2: {  	[tilespmem:s16], [sflag:$0x1] =	stream.indirect.gather [hbm4b:s4+s20], $0x80, s31, s20, $0xb8;
	[tilespmem:$0x1D000] =	vst v63  }
0x1a3: {  	_ =	swait.ge [sflag:s28], $0x4000  }
0x1a4: {  	[sflag:s28] =	ssyncset.done $0x0  }
0x1a5: {  	s12 =	simm.s32 $0x14A80;
	[sflag:s28] =	ssyncadd.s32 $0xFFFFC000  }
0x1a6: {  	[spmem:s2] =	stream.indirect.scatter.add.f32 [tilespmem:s24], [sflag:$0x3], $0x80, s12, s20, $0xb8;
	[tilespmem:$0x1D000] =	vst v63  }
0x1a7: {  	_ =	swait.ge [sflag:s17], $0x4000  }
0x1a8: {  	[sflag:s17] =	ssyncset.done $0x0  }
0x1a9: {  	s30 =	simm.s32 $0x14380;
	[sflag:s17] =	ssyncadd.s32 $0xFFFFC000  }
0x1aa: {  	[tilespmem:s24], [sflag:$0x2] =	stream.indirect.gather [hbm4b:s4+s20], $0x80, s30, s20, $0xb8;
	[tilespmem:$0x1D000] =	vst v63  }
0x1ab: {  	_ =	swait.ge [sflag:s25], $0x4000  }
0x1ac: {  	[sflag:s25] =	ssyncset.done $0x0  }
0x1ad: {  	s12 =	simm.s32 $0x14B00;
	[sflag:s25] =	ssyncadd.s32 $0xFFFFC000  }
0x1ae: {  	[spmem:s2] =	stream.indirect.scatter.add.f32 [tilespmem:s16], [sflag:$0x3], $0x80, s12, s20, $0xb8;
	[tilespmem:$0x1D000] =	vst v63  }
0x1af: {  	_ =	swait.ge [sflag:s17], $0x4000  }
0x1b0: {  	[sflag:s17] =	ssyncset.done $0x0  }
0x1b1: {  	[sflag:s17] =	ssyncadd.s32 $0xFFFFC000  }
0x1b2: {  	[tilespmem:s16], [sflag:$0x1] =	stream.indirect.gather [hbm4b:s4+s20], $0x80, s21, s20, $0xb8;
	[tilespmem:$0x1D000] =	vst v63  }
0x1b3: {  	_ =	swait.ge [sflag:s28], $0x4000  }
0x1b4: {  	[sflag:s28] =	ssyncset.done $0x0  }
0x1b5: {  	s30 =	simm.s32 $0x14B80;
	[sflag:s28] =	ssyncadd.s32 $0xFFFFC000  }
0x1b6: {  	[spmem:s2] =	stream.indirect.scatter.add.f32 [tilespmem:s24], [sflag:$0x3], $0x80, s30, s20, $0xb8;
	[tilespmem:$0x1D000] =	vst v63  }
0x1b7: {  	_ =	swait.ge [sflag:s17], $0x4000  }
0x1b8: {  	[sflag:s17] =	ssyncset.done $0x0  }
0x1b9: {  	[sflag:s17] =	ssyncadd.s32 $0xFFFFC000  }
0x1ba: {  	[tilespmem:s24], [sflag:$0x2] =	stream.indirect.gather [hbm4b:s4+s20], $0x80, s10, s20, $0xb8;
	[tilespmem:$0x1D000] =	vst v63  }
0x1bb: {  	_ =	swait.ge [sflag:s25], $0x4000  }
0x1bc: {  	[sflag:s25] =	ssyncset.done $0x0  }
0x1bd: {  	[sflag:s25] =	ssyncadd.s32 $0xFFFFC000  }
0x1be: {  	[spmem:s2] =	stream.indirect.scatter.add.f32 [tilespmem:s16], [sflag:$0x3], $0x80, s22, s20, $0xb8;
	[tilespmem:$0x1D000] =	vst v63  }
0x1bf: {  	_ =	swait.ge [sflag:s17], $0x4000  }
0x1c0: {  	[sflag:s17] =	ssyncset.done $0x0  }
0x1c1: {  	[sflag:s17] =	ssyncadd.s32 $0xFFFFC000  }
0x1c2: {  	[tilespmem:s16], [sflag:$0x1] =	stream.indirect.gather [hbm4b:s4+s20], $0x80, s11, s20, $0xb8;
	[tilespmem:$0x1D000] =	vst v63  }
0x1c3: {  	_ =	swait.ge [sflag:s28], $0x4000  }
0x1c4: {  	[sflag:s28] =	ssyncset.done $0x0  }
0x1c5: {  	[sflag:s28] =	ssyncadd.s32 $0xFFFFC000  }
0x1c6: {  	[spmem:s2] =	stream.indirect.scatter.add.f32 [tilespmem:s24], [sflag:$0x3], $0x80, s8, s20, $0xb8;
	[tilespmem:$0x1D000] =	vst v63  }
0x1c7: {  	_ =	swait.ge [sflag:s17], $0x4000  }
0x1c8: {  	[sflag:s17] =	ssyncset.done $0x0  }
0x1c9: {  	[sflag:s17] =	ssyncadd.s32 $0xFFFFC000  }
0x1ca: {  	[tilespmem:s24], [sflag:$0x2] =	stream.indirect.gather [hbm4b:s4+s20], $0x80, s0, s20, $0xb8;
	[tilespmem:$0x1D000] =	vst v63  }
0x1cb: {  	_ =	swait.ge [sflag:s25], $0x4000  }
0x1cc: {  	[sflag:s25] =	ssyncset.done $0x0  }
0x1cd: {  	[sflag:s25] =	ssyncadd.s32 $0xFFFFC000  }
0x1ce: {  	[spmem:s2] =	stream.indirect.scatter.add.f32 [tilespmem:s16], [sflag:$0x3], $0x80, s1, s20, $0xb8;
	[tilespmem:$0x1D000] =	vst v63  }
0x1cf: {  	_ =	swait.ge [sflag:s17], $0x4000  }
0x1d0: {  	[sflag:s17] =	ssyncset.done $0x0  }
0x1d1: {  	[sflag:s17] =	ssyncadd.s32 $0xFFFFC000  }
0x1d2: {  	[tilespmem:s16], [sflag:$0x1] =	stream.indirect.gather [hbm4b:s4+s20], $0x80, s5, s20, $0xb8;
	[tilespmem:$0x1D000] =	vst v63  }
0x1d3: {  	_ =	swait.ge [sflag:s28], $0x4000  }
0x1d4: {  	[sflag:s28] =	ssyncset.done $0x0  }
0x1d5: {  	[sflag:s28] =	ssyncadd.s32 $0xFFFFC000  }
0x1d6: {  	[spmem:s2] =	stream.indirect.scatter.add.f32 [tilespmem:s24], [sflag:$0x3], $0x80, s6, s20, $0xb8;
	[tilespmem:$0x1D000] =	vst v63  }
0x1d7: {  	_ =	swait.ge [sflag:s17], $0x4000  }
0x1d8: {  	[sflag:s17] =	ssyncset.done $0x0  }
0x1d9: {  	[sflag:s17] =	ssyncadd.s32 $0xFFFFC000  }
0x1da: {  	[tilespmem:s24], [sflag:$0x2] =	stream.indirect.gather [hbm4b:s4+s20], $0x80, s7, s20, $0xb8;
	[tilespmem:$0x1D000] =	vst v63  }
0x1db: {  	_ =	swait.ge [sflag:s25], $0x4000  }
0x1dc: {  	[sflag:s25] =	ssyncset.done $0x0  }
0x1dd: {  	[sflag:s25] =	ssyncadd.s32 $0xFFFFC000  }
0x1de: {  	[spmem:s2] =	stream.indirect.scatter.add.f32 [tilespmem:s16], [sflag:$0x3], $0x80, s13, s20, $0xb8;
	[tilespmem:$0x1D000] =	vst v63  }
0x1df: {  	_ =	swait.ge [sflag:s17], $0x4000  }
0x1e0: {  	[sflag:s17] =	ssyncset.done $0x0  }
0x1e1: {  	[sflag:s17] =	ssyncadd.s32 $0xFFFFC000  }
0x1e2: {  	[tilespmem:s16], [sflag:$0x1] =	stream.indirect.gather [hbm4b:s4+s20], $0x80, s14, s20, $0xb8;
	[tilespmem:$0x1D000] =	vst v63  }
0x1e3: {  	_ =	swait.ge [sflag:s28], $0x4000  }
0x1e4: {  	[sflag:s28] =	ssyncset.done $0x0  }
0x1e5: {  	[sflag:s28] =	ssyncadd.s32 $0xFFFFC000  }
0x1e6: {  	[spmem:s2] =	stream.indirect.scatter.add.f32 [tilespmem:s24], [sflag:$0x3], $0x80, s15, s20, $0xb8;
	[tilespmem:$0x1D000] =	vst v63  }
0x1e7: {  	_ =	swait.ge [sflag:s17], $0x4000  }
0x1e8: {  	[sflag:s17] =	ssyncset.done $0x0  }
0x1e9: {  	[sflag:s17] =	ssyncadd.s32 $0xFFFFC000  }
0x1ea: {  	[tilespmem:s24], [sflag:$0x2] =	stream.indirect.gather [hbm4b:s4+s20], $0x80, s23, s20, $0xb8;
	[tilespmem:$0x1D000] =	vst v63  }
0x1eb: {  	_ =	swait.ge [sflag:s25], $0x4000  }
0x1ec: {  	[sflag:s25] =	ssyncset.done $0x0  }
0x1ed: {  	[sflag:s25] =	ssyncadd.s32 $0xFFFFC000  }
0x1ee: {  	[spmem:s2] =	stream.indirect.scatter.add.f32 [tilespmem:s16], [sflag:$0x3], $0x80, s26, s20, $0xb8;
	[tilespmem:$0x1D000] =	vst v63  }
0x1ef: {  	_ =	swait.ge [sflag:s17], $0x4000  }
0x1f0: {  	[sflag:s17] =	ssyncset.done $0x0  }
0x1f1: {  	[sflag:s17] =	ssyncadd.s32 $0xFFFFC000  }
0x1f2: {  	_ =	swait.ge [sflag:s28], $0x4000  }
0x1f3: {  	[sflag:s28] =	ssyncset.done $0x0  }
0x1f4: {  	[sflag:s28] =	ssyncadd.s32 $0xFFFFC000  }
0x1f5: {  	[spmem:s2] =	stream.indirect.scatter.add.f32 [tilespmem:s24], [sflag:$0x3], $0x80, s29, s20, $0xb8;
	[tilespmem:$0x1D000] =	vst v63  }
0x1f6: {  	_ =	swait.ge [sflag:s17], $0x4000  }
0x1f7: {  	[sflag:s17] =	ssyncset.done $0x0  }
0x1f8: {  	[sflag:s17] =	ssyncadd.s32 $0xFFFFC000  }
0x1f9: {  	s12 =	stileid.u32;
	[bflag:$0x0] =	sbarrier.arrive $0xFFFF  }
0x1fa: {  	s9 =	sshll.u32 s12, $0x6;
	s12 =	rddreg [dreg:$0x6]  }
0x1fb: {  	s9 =	sor.u32 $0x1C03, s9;
	s0 =	rddreg [dreg:$0xf];
	s30 =	sshrl.u32 s12, $0x3  }
0x1fc: {  	[hbm:s0], [sflag:s9] =	dma.local [spmem:s30], $0x2800  }
0x1fd: {  	_ =	swait.ge [sflag:s17], $0x2800  }
0x1fe: {  	s11 =	rddreg [dreg:$0x11]  }
0x1ff: {  	s30 =	rddreg [dreg:$0x10];
	s0 =	sadd.s32 $0x1, s11  }
0x200: {  	p0 =	sne.s32 s0, s30  }
.Ltmp2:
0x201: {  	_ = 	snop;
	(pc) =	sbr.rel @p0 .LBB2_1-.Ltmp2, $3  }
0x202: {  	_ =	sdelay $0x1  }
0x203: {  	[sflag:s17] =	ssyncset.done $0x0  }
0x204: {  	[sflag:s17] =	ssyncadd.s32 $0xFFFFD800  }
0x205: {  	_ =	sfence.sel $0x180000  }
0x206: {  	[bflag:$0x0] =	sbarrier.arrive $0xFFFF  }
0x207: {  	_ =	strace $0x90000047  }
0x208: {  	s0 =	stileid.u32;
	[bflag:$0x2] =	sbarrier.arrive $0xFFFF  }
0x209: {  	p0 =	sne.s32 s0, $0x0;
	s0 =	rddreg [dreg:$0x3]  }
0x20a: {  	s0 =	sadd.s32 @!p0 $0x100000, s0  }
0x20b: {  	[sflag:s0] =	ssyncadd.tile.s32 @!p0 $0x1;
	_ =	shalt  }
.Lfunc_end2:
_tile_overlayer_lowered:
.L_overlay_start_2:
0x20c: {  	(tag) =	ssettag $0x2  }
0x20d: {  	s0 =	rddreg [dreg:$0x0];
	s2 =	stileid.u32  }
0x20e: {  	s1 =	rddreg [dreg:$0x1];
	p0 =	sne.s32 s2, $0x0  }
0x20f: {  	s3 =	rddreg [dreg:$0x2];
	[bflag:$0x3] =	sbarrier.arrive $0xFFFF;
	s2 =	simm.s32 @!p0 $0x1C03  }
0x210: {  	[timem:s3], [sflag:s2] =	dma.local @!p0 [hbm:s0], s1  }
0x211: {  	s0 =	simm.s32 @!p0 $0x3  }
0x212: {  	_ =	swait.ge @!p0 [sflag:s0], s1  }
0x213: {  	s1 =	ssub.s32 @!p0 $0x0, s1;
	[sflag:s0] =	ssyncset.done @!p0 $0x0  }
0x214: {  	[sflag:s0] =	ssyncadd.s32 @!p0 s1  }
0x215: {  	[bflag:$0x3] =	sbarrier.arrive $0xFFFF  }
0x216: {  	_ =	shalt  }

</sc_bundles>
